<compile_context>
chip_gen: v7x
topology: tpu7x:2x2x1
jax: 0.10.2.dev20260603
libtpu: 0.0.44.dev20260713+nightly
codegen_flags: <defaults>
</compile_context>

<pallas_src>
import functools

import jax
import jax.numpy as jnp
import numpy as np
from jax import lax
from jax.experimental import pallas as pl
from jax.experimental.pallas import tpu as pltpu
from jax.experimental.pallas import tpu_sc as plsc

_TABK = 128
_C1 = 1.4426950408889634
_C2 = -0.7213475204444817
_LOG1P = (2.211703031207435e-05, 0.999010443687439, -0.4891568422317505,
          0.2833043336868286, -0.1301194131374359, 0.030102625489234924)


def _table_const():
    ar = np.arange(_TABK)
    return np.concatenate([
        np.log2(1.0 + ar / _TABK),
        1.0 / (1.0 + ar / _TABK),
    ]).astype(np.float32)


def _log2_tab(x, tab_buf):
    i = lax.bitcast_convert_type(x, jnp.int32)
    e = (i >> 23) - 127
    k = (i >> 16) & 0x7F
    m = lax.bitcast_convert_type(
        (i & 0x007FFFFF) | 0x3F800000, jnp.float32)
    t = plsc.load_gather(tab_buf, [k])
    inv = plsc.load_gather(tab_buf, [k + _TABK])
    r = m * inv - jnp.float32(1.0)
    return (e.astype(jnp.float32) + t) + r * (jnp.float32(_C1)
                                              + jnp.float32(_C2) * r)


def _pair_compute(l0, l1, u0, u1, tab_buf):
    d = l1 - l0
    td = jnp.exp(d)
    act = _log2_tab(u1, tab_buf) > _log2_tab(u0, tab_buf) * td
    emd = jnp.exp(-jnp.abs(d))
    lp1 = jnp.float32(_LOG1P[-1])
    for c in _LOG1P[-2::-1]:
        lp1 = lp1 * emd + jnp.float32(c)
    logp = jnp.minimum(jnp.where(act, d, -d), jnp.float32(0.0)) - lp1
    return jnp.where(act, jnp.int32(1), jnp.int32(0)), logp


def _make_sc_kernel(n_b: int, n_s: int):
    info = plsc.get_sparse_core_info()
    nc, ns, lanes = info.num_cores, info.num_subcores, info.num_lanes
    nw = nc * ns
    n_bblk = n_b // 8
    n_sblk = n_s // 128
    sh_per_b = nw // n_bblk
    sblk_per_w = n_sblk // sh_per_b
    kblk = 8
    n_chunks = sblk_per_w // kblk
    in_run = kblk * 256
    in_words = 8 * in_run
    out_words = kblk * 1024
    n_words = n_b * n_s * 2

    mesh = plsc.VectorSubcoreMesh(core_axis_name="c", subcore_axis_name="s")

    @functools.partial(
        pl.kernel,
        mesh=mesh,
        compiler_params=pltpu.CompilerParams(needs_layout_passes=False),
        out_type=[
            jax.ShapeDtypeStruct((n_b * n_s,), jnp.int32),
            jax.ShapeDtypeStruct((n_b * n_s,), jnp.float32),
        ],
        scratch_types=[
            pltpu.VMEM((in_words,), jnp.float32),
            pltpu.VMEM((in_words,), jnp.float32),
            pltpu.VMEM((in_words,), jnp.float32),
            pltpu.VMEM((in_words,), jnp.float32),
            pltpu.VMEM((out_words,), jnp.int32),
            pltpu.VMEM((out_words,), jnp.int32),
            pltpu.VMEM((out_words,), jnp.float32),
            pltpu.VMEM((out_words,), jnp.float32),
            pltpu.VMEM((2 * _TABK,), jnp.float32),
            pltpu.SemaphoreType.DMA,
            pltpu.SemaphoreType.DMA,
            pltpu.SemaphoreType.DMA,
            pltpu.SemaphoreType.DMA,
        ],
    )
    def k(l_hbm, u_hbm, tab_hbm, act_hbm, lp_hbm,
          l_b0, l_b1, u_b0, u_b1, a_b0, a_b1, p_b0, p_b1, tab_buf,
          sem_in0, sem_in1, sem_out0, sem_out1):
        pltpu.sync_copy(tab_hbm, tab_buf)
        wid = lax.axis_index("s") * nc + lax.axis_index("c")
        bb = wid // sh_per_b
        sh = wid % sh_per_b
        sblk_base = sh * sblk_per_w

        l_bufs, u_bufs = (l_b0, l_b1), (u_b0, u_b1)
        a_bufs, p_bufs = (a_b0, a_b1), (p_b0, p_b1)
        sem_in, sem_out = (sem_in0, sem_in1), (sem_out0, sem_out1)

        def in_copies(c, slot):
            sblk0 = sblk_base + c * kblk
            for bi in range(8):
                src = ((bb * 8 + bi) * n_sblk + sblk0) * 256
                dst = pl.ds(bi * in_run, in_run)
                yield pltpu.make_async_copy(
                    l_hbm.at[pl.ds(src, in_run)], l_bufs[slot].at[dst],
                    sem_in[slot])
                yield pltpu.make_async_copy(
                    u_hbm.at[pl.ds(src, in_run)], u_bufs[slot].at[dst],
                    sem_in[slot])

        def out_copies(c, slot):
            dst = pl.ds((bb * n_sblk + sblk_base + c * kblk) * 1024, out_words)
            yield pltpu.make_async_copy(a_bufs[slot], act_hbm.at[dst],
                                        sem_out[slot])
            yield pltpu.make_async_copy(p_bufs[slot], lp_hbm.at[dst],
                                        sem_out[slot])

        def issue(copies):
            for cp in copies:
                cp.start()

        def drain(copies):
            for cp in copies:
                cp.wait()

        def make_inner(slot):
            l_buf, u_buf = l_bufs[slot], u_bufs[slot]
            act_buf, lp_buf = a_bufs[slot], p_bufs[slot]

            def inner(t):
                bi = t >> 6
                sb = (t >> 3) & 7
                j = t & 7
                ioff = bi * in_run + sb * 256 + j * lanes
                ooff = sb * 1024 + bi * 128 + j * lanes
                l0 = l_buf[pl.ds(ioff, lanes)]
                l1 = l_buf[pl.ds(ioff + 128, lanes)]
                u0 = u_buf[pl.ds(ioff, lanes)]
                u1 = u_buf[pl.ds(ioff + 128, lanes)]
                act, logp = _pair_compute(l0, l1, u0, u1, tab_buf)
                act_buf[pl.ds(ooff, lanes)] = act
                lp_buf[pl.ds(ooff, lanes)] = logp

            return inner

        n_iters = 8 * kblk * 8

        issue(in_copies(0, 0))

        def pair_body(kk, carry):
            c0 = 2 * kk
            c1 = c0 + 1
            issue(in_copies(c1, 1))
            drain(in_copies(c0, 0))

            @pl.when(kk > 0)
            def _():
                drain(out_copies(c0 - 2, 0))

            plsc.parallel_loop(0, n_iters, unroll=4)(make_inner(0))
            issue(out_copies(c0, 0))

            @pl.when(kk < n_chunks // 2 - 1)
            def _():
                issue(in_copies(c0 + 2, 0))

            drain(in_copies(c1, 1))

            @pl.when(kk > 0)
            def _():
                drain(out_copies(c1 - 2, 1))

            plsc.parallel_loop(0, n_iters, unroll=4)(make_inner(1))
            issue(out_copies(c1, 1))
            return carry

        lax.fori_loop(0, n_chunks // 2, pair_body, 0)
        drain(out_copies(n_chunks - 2, 0))
        drain(out_copies(n_chunks - 1, 1))

    return k


def kernel(logits, gumbel_u):
    b, s, a = logits.shape
    assert a == 2 and b % 8 == 0 and s % 128 == 0
    sc = _make_sc_kernel(b, s)

    def to_view(x):
        return x.reshape(b, s // 128, 128, 2).transpose(0, 1, 3, 2).reshape(-1)

    acts_f, lp_f = sc(to_view(logits), to_view(gumbel_u),
                      jnp.asarray(_table_const()))

    def from_view(x):
        return (x.reshape(b // 8, s // 128, 8, 128)
                .transpose(0, 2, 1, 3).reshape(b, s))

    return from_view(acts_f), from_view(lp_f)

# --- scband reference (transcript-rebuilt; emitter-appended) ---
"""Pipeline reference for scband-policy-12292196401282 (READ-ONLY COPY).

The authoritative reference and input builder live on the scoring server;
editing this copy changes nothing except your own understanding.
"""

import jax, jax.numpy as jnp
import numpy as np


def setup_inputs(seed: int = 0) -> dict:
    key = jax.random.key(seed)
    k1, k2 = jax.random.split(key)
    B, S, A = 128, 32768, 2
    logits = jax.random.normal(k1, (B, S, A), dtype=jnp.float32)
    # uniform noise for Gumbel-max categorical sampling (deterministic given inputs)
    gumbel_u = jax.random.uniform(k2, (B, S, A), dtype=jnp.float32, minval=1e-6, maxval=1.0 - 1e-6)
    return {"logits": logits, "gumbel_u": gumbel_u}


def reference(logits, gumbel_u):
    # Policy.act: sample from Categorical(logits) per token, return (actions, log_probs).
    # Categorical sampling implemented via the Gumbel-max trick so it is a pure
    # function of the provided uniform noise.
    gumbel = -jnp.log(-jnp.log(gumbel_u))
    actions = jnp.argmax(logits + gumbel, axis=-1)  # int, shape (B, S)
    # dist.log_prob(actions) == log_softmax(logits)[..., actions]
    logp = jax.nn.log_softmax(logits, axis=-1)
    log_probs = jnp.take_along_axis(logp, actions[..., None], axis=-1)[..., 0]
    return (actions, log_probs)

if __name__ == "__main__":
    import jax
    _d = setup_inputs()
    print(jax.jit(kernel)(*tuple(_d.values())))

</pallas_src>

<mosaic_0001>
#map = affine_map<(d0, d1) -> (0)>
module attributes {stable_mosaic.version = 14 : i64} {
  func.func @k(%arg0: i32, %arg1: i32, %arg2: memref<8388608xf32, #tpu.memory_space<hbm>>, %arg3: memref<8388608xf32, #tpu.memory_space<hbm>>, %arg4: memref<256xf32, #tpu.memory_space<hbm>>, %arg5: memref<4194304xi32, #tpu.memory_space<hbm>>, %arg6: memref<4194304xf32, #tpu.memory_space<hbm>>, %arg7: memref<16384xf32, #tpu.memory_space<vmem>>, %arg8: memref<16384xf32, #tpu.memory_space<vmem>>, %arg9: memref<16384xf32, #tpu.memory_space<vmem>>, %arg10: memref<16384xf32, #tpu.memory_space<vmem>>, %arg11: memref<8192xi32, #tpu.memory_space<vmem>>, %arg12: memref<8192xi32, #tpu.memory_space<vmem>>, %arg13: memref<8192xf32, #tpu.memory_space<vmem>>, %arg14: memref<8192xf32, #tpu.memory_space<vmem>>, %arg15: memref<256xf32, #tpu.memory_space<vmem>>, %arg16: memref<!tpu.dma_semaphore, #tpu.memory_space<semaphore_mem>>, %arg17: memref<!tpu.dma_semaphore, #tpu.memory_space<semaphore_mem>>, %arg18: memref<!tpu.dma_semaphore, #tpu.memory_space<semaphore_mem>>, %arg19: memref<!tpu.dma_semaphore, #tpu.memory_space<semaphore_mem>>) attributes {dimension_semantics = [#tpu.dimension_semantics<core_parallel>, #tpu.dimension_semantics<subcore_parallel>], iteration_bounds = array<i64: 2, 16>, scalar_prefetch = 0 : i64, scratch_operands = 13 : i64, tpu.core_type = #tpu.core_type<sc_vector_subcore>, window_params = [{transform_indices = #map}, {transform_indices = #map}, {transform_indices = #map}, {transform_indices = #map}, {transform_indices = #map}]} {
    "tpu.region"() ({
      %run_scoped3A = tpu.sem_alloc : memref<!tpu.dma_semaphore, #tpu.memory_space<semaphore_mem>>
      tpu.enqueue_dma source(%arg4 : memref<256xf32, #tpu.memory_space<hbm>>) target(%arg15 : memref<256xf32, #tpu.memory_space<vmem>>) target_semaphore(%run_scoped3A : memref<!tpu.dma_semaphore, #tpu.memory_space<semaphore_mem>>)
      tpu.wait_dma2 semaphore(%run_scoped3A : memref<!tpu.dma_semaphore, #tpu.memory_space<semaphore_mem>>) src(%arg4 : memref<256xf32, #tpu.memory_space<hbm>>) dst(%arg15 : memref<256xf32, #tpu.memory_space<vmem>>)
      tpu.yield
    }) : () -> ()
    %mul3A = arith.constant 2 : i32
    %mul3A_0 = arith.muli %arg1, %mul3A : i32
    %add3A = arith.addi %mul3A_0, %arg0 : i32
    %jit3A = arith.constant 2 : i32
    %div3A = arith.divsi %add3A, %jit3A : i32
    %sign3A = arith.constant 0 : i32
    %sign3A_1 = arith.cmpi sgt, %add3A, %sign3A : i32
    %sign3A_2 = arith.extui %sign3A_1 : i1 to i32
    %sign3A_3 = arith.constant 0 : i32
    %sign3A_4 = arith.cmpi slt, %add3A, %sign3A_3 : i32
    %sign3A_5 = arith.extui %sign3A_4 : i1 to i32
    %sign3A_6 = arith.subi %sign3A_2, %sign3A_5 : i32
    %sign3A_7 = arith.constant 0 : i32
    %sign3A_8 = arith.cmpi sgt, %jit3A, %sign3A_7 : i32
    %sign3A_9 = arith.extui %sign3A_8 : i1 to i32
    %sign3A_10 = arith.constant 0 : i32
    %sign3A_11 = arith.cmpi slt, %jit3A, %sign3A_10 : i32
    %sign3A_12 = arith.extui %sign3A_11 : i1 to i32
    %sign3A_13 = arith.subi %sign3A_9, %sign3A_12 : i32
    %ne3A = arith.cmpi ne, %sign3A_6, %sign3A_13 : i32
    %rem3A = arith.remsi %add3A, %jit3A : i32
    %ne3A_14 = arith.constant 0 : i32
    %ne3A_15 = arith.cmpi ne, %rem3A, %ne3A_14 : i32
    %and3A = arith.andi %ne3A, %ne3A_15 : i1
    %sub3A = arith.constant 1 : i32
    %sub3A_16 = arith.subi %div3A, %sub3A : i32
    %select_n3A = arith.select %and3A, %sub3A_16, %div3A : i32
    %jit3A_17 = arith.constant 2 : i32
    %eq3A = arith.constant 0 : i32
    %eq3A_18 = arith.cmpi eq, %jit3A_17, %eq3A : i32
    %jit3A_19 = arith.constant 1 : i32
    %select_n3A_20 = arith.select %eq3A_18, %jit3A_19, %jit3A_17 : i32
    %rem3A_21 = arith.remsi %add3A, %select_n3A_20 : i32
    %ne3A_22 = arith.constant 0 : i32
    %ne3A_23 = arith.cmpi ne, %rem3A_21, %ne3A_22 : i32
    %lt3A = arith.constant 0 : i32
    %lt3A_24 = arith.cmpi slt, %rem3A_21, %lt3A : i32
    %lt3A_25 = arith.constant 0 : i32
    %lt3A_26 = arith.cmpi slt, %select_n3A_20, %lt3A_25 : i32
    %ne3A_27 = arith.xori %lt3A_24, %lt3A_26 : i1
    %and3A_28 = arith.andi %ne3A_27, %ne3A_23 : i1
    %add3A_29 = arith.addi %rem3A_21, %select_n3A_20 : i32
    %select_n3A_30 = arith.select %and3A_28, %add3A_29, %rem3A_21 : i32
    %mul3A_31 = arith.constant 128 : i32
    %mul3A_32 = arith.muli %select_n3A_30, %mul3A_31 : i32
    %add3A_33 = arith.constant 0 : i32
    %add3A_34 = arith.addi %mul3A_32, %add3A_33 : i32
    %mul3A_35 = arith.constant 8 : i32
    %mul3A_36 = arith.muli %select_n3A, %mul3A_35 : i32
    %add3A_37 = arith.constant 0 : i32
    %add3A_38 = arith.addi %mul3A_36, %add3A_37 : i32
    %mul3A_39 = arith.constant 256 : i32
    %mul3A_40 = arith.muli %add3A_38, %mul3A_39 : i32
    %add3A_41 = arith.addi %mul3A_40, %add3A_34 : i32
    %mul3A_42 = arith.constant 256 : i32
    %mul3A_43 = arith.muli %add3A_41, %mul3A_42 : i32
    %dma_start3A = arith.constant 0 : i32
    %dma_start3A_44 = tpu.memref_slice %arg7[%dma_start3A] : memref<16384xf32, #tpu.memory_space<vmem>> -> memref<2048xf32, #tpu.memory_space<vmem>>
    %dma_start3A_45 = tpu.memref_slice %arg2[%mul3A_43] : memref<8388608xf32, #tpu.memory_space<hbm>> -> memref<2048xf32, #tpu.memory_space<hbm>>
    %dma_start3A_46 = arith.constant 0 : i32
    %dma_start3A_47 = tpu.memref_slice %arg7[%dma_start3A_46] : memref<16384xf32, #tpu.memory_space<vmem>> -> memref<2048xf32, #tpu.memory_space<vmem>>
    %dma_start3A_48 = tpu.memref_slice %arg2[%mul3A_43] : memref<8388608xf32, #tpu.memory_space<hbm>> -> memref<2048xf32, #tpu.memory_space<hbm>>
    tpu.enqueue_dma source(%dma_start3A_48 : memref<2048xf32, #tpu.memory_space<hbm>>) target(%dma_start3A_47 : memref<2048xf32, #tpu.memory_space<vmem>>) target_semaphore(%arg16 : memref<!tpu.dma_semaphore, #tpu.memory_space<semaphore_mem>>)
    %dma_start3A_49 = arith.constant 0 : i32
    %dma_start3A_50 = tpu.memref_slice %arg9[%dma_start3A_49] : memref<16384xf32, #tpu.memory_space<vmem>> -> memref<2048xf32, #tpu.memory_space<vmem>>
    %dma_start3A_51 = tpu.memref_slice %arg3[%mul3A_43] : memref<8388608xf32, #tpu.memory_space<hbm>> -> memref<2048xf32, #tpu.memory_space<hbm>>
    %dma_start3A_52 = arith.constant 0 : i32
    %dma_start3A_53 = tpu.memref_slice %arg9[%dma_start3A_52] : memref<16384xf32, #tpu.memory_space<vmem>> -> memref<2048xf32, #tpu.memory_space<vmem>>
    %dma_start3A_54 = tpu.memref_slice %arg3[%mul3A_43] : memref<8388608xf32, #tpu.memory_space<hbm>> -> memref<2048xf32, #tpu.memory_space<hbm>>
    tpu.enqueue_dma source(%dma_start3A_54 : memref<2048xf32, #tpu.memory_space<hbm>>) target(%dma_start3A_53 : memref<2048xf32, #tpu.memory_space<vmem>>) target_semaphore(%arg16 : memref<!tpu.dma_semaphore, #tpu.memory_space<semaphore_mem>>)
    %mul3A_55 = arith.constant 8 : i32
    %mul3A_56 = arith.muli %select_n3A, %mul3A_55 : i32
    %add3A_57 = arith.constant 1 : i32
    %add3A_58 = arith.addi %mul3A_56, %add3A_57 : i32
    %mul3A_59 = arith.constant 256 : i32
    %mul3A_60 = arith.muli %add3A_58, %mul3A_59 : i32
    %add3A_61 = arith.addi %mul3A_60, %add3A_34 : i32
    %mul3A_62 = arith.constant 256 : i32
    %mul3A_63 = arith.muli %add3A_61, %mul3A_62 : i32
    %dma_start3A_64 = arith.constant 2048 : i32
    %dma_start3A_65 = tpu.memref_slice %arg7[%dma_start3A_64] : memref<16384xf32, #tpu.memory_space<vmem>> -> memref<2048xf32, #tpu.memory_space<vmem>>
    %dma_start3A_66 = tpu.memref_slice %arg2[%mul3A_63] : memref<8388608xf32, #tpu.memory_space<hbm>> -> memref<2048xf32, #tpu.memory_space<hbm>>
    %dma_start3A_67 = arith.constant 2048 : i32
    %dma_start3A_68 = tpu.memref_slice %arg7[%dma_start3A_67] : memref<16384xf32, #tpu.memory_space<vmem>> -> memref<2048xf32, #tpu.memory_space<vmem>>
    %dma_start3A_69 = tpu.memref_slice %arg2[%mul3A_63] : memref<8388608xf32, #tpu.memory_space<hbm>> -> memref<2048xf32, #tpu.memory_space<hbm>>
    tpu.enqueue_dma source(%dma_start3A_69 : memref<2048xf32, #tpu.memory_space<hbm>>) target(%dma_start3A_68 : memref<2048xf32, #tpu.memory_space<vmem>>) target_semaphore(%arg16 : memref<!tpu.dma_semaphore, #tpu.memory_space<semaphore_mem>>)
    %dma_start3A_70 = arith.constant 2048 : i32
    %dma_start3A_71 = tpu.memref_slice %arg9[%dma_start3A_70] : memref<16384xf32, #tpu.memory_space<vmem>> -> memref<2048xf32, #tpu.memory_space<vmem>>
    %dma_start3A_72 = tpu.memref_slice %arg3[%mul3A_63] : memref<8388608xf32, #tpu.memory_space<hbm>> -> memref<2048xf32, #tpu.memory_space<hbm>>
    %dma_start3A_73 = arith.constant 2048 : i32
    %dma_start3A_74 = tpu.memref_slice %arg9[%dma_start3A_73] : memref<16384xf32, #tpu.memory_space<vmem>> -> memref<2048xf32, #tpu.memory_space<vmem>>
    %dma_start3A_75 = tpu.memref_slice %arg3[%mul3A_63] : memref<8388608xf32, #tpu.memory_space<hbm>> -> memref<2048xf32, #tpu.memory_space<hbm>>
    tpu.enqueue_dma source(%dma_start3A_75 : memref<2048xf32, #tpu.memory_space<hbm>>) target(%dma_start3A_74 : memref<2048xf32, #tpu.memory_space<vmem>>) target_semaphore(%arg16 : memref<!tpu.dma_semaphore, #tpu.memory_space<semaphore_mem>>)
    %mul3A_76 = arith.constant 8 : i32
    %mul3A_77 = arith.muli %select_n3A, %mul3A_76 : i32
    %add3A_78 = arith.constant 2 : i32
    %add3A_79 = arith.addi %mul3A_77, %add3A_78 : i32
    %mul3A_80 = arith.constant 256 : i32
    %mul3A_81 = arith.muli %add3A_79, %mul3A_80 : i32
    %add3A_82 = arith.addi %mul3A_81, %add3A_34 : i32
    %mul3A_83 = arith.constant 256 : i32
    %mul3A_84 = arith.muli %add3A_82, %mul3A_83 : i32
    %dma_start3A_85 = arith.constant 4096 : i32
    %dma_start3A_86 = tpu.memref_slice %arg7[%dma_start3A_85] : memref<16384xf32, #tpu.memory_space<vmem>> -> memref<2048xf32, #tpu.memory_space<vmem>>
    %dma_start3A_87 = tpu.memref_slice %arg2[%mul3A_84] : memref<8388608xf32, #tpu.memory_space<hbm>> -> memref<2048xf32, #tpu.memory_space<hbm>>
    %dma_start3A_88 = arith.constant 4096 : i32
    %dma_start3A_89 = tpu.memref_slice %arg7[%dma_start3A_88] : memref<16384xf32, #tpu.memory_space<vmem>> -> memref<2048xf32, #tpu.memory_space<vmem>>
    %dma_start3A_90 = tpu.memref_slice %arg2[%mul3A_84] : memref<8388608xf32, #tpu.memory_space<hbm>> -> memref<2048xf32, #tpu.memory_space<hbm>>
    tpu.enqueue_dma source(%dma_start3A_90 : memref<2048xf32, #tpu.memory_space<hbm>>) target(%dma_start3A_89 : memref<2048xf32, #tpu.memory_space<vmem>>) target_semaphore(%arg16 : memref<!tpu.dma_semaphore, #tpu.memory_space<semaphore_mem>>)
    %dma_start3A_91 = arith.constant 4096 : i32
    %dma_start3A_92 = tpu.memref_slice %arg9[%dma_start3A_91] : memref<16384xf32, #tpu.memory_space<vmem>> -> memref<2048xf32, #tpu.memory_space<vmem>>
    %dma_start3A_93 = tpu.memref_slice %arg3[%mul3A_84] : memref<8388608xf32, #tpu.memory_space<hbm>> -> memref<2048xf32, #tpu.memory_space<hbm>>
    %dma_start3A_94 = arith.constant 4096 : i32
    %dma_start3A_95 = tpu.memref_slice %arg9[%dma_start3A_94] : memref<16384xf32, #tpu.memory_space<vmem>> -> memref<2048xf32, #tpu.memory_space<vmem>>
    %dma_start3A_96 = tpu.memref_slice %arg3[%mul3A_84] : memref<8388608xf32, #tpu.memory_space<hbm>> -> memref<2048xf32, #tpu.memory_space<hbm>>
    tpu.enqueue_dma source(%dma_start3A_96 : memref<2048xf32, #tpu.memory_space<hbm>>) target(%dma_start3A_95 : memref<2048xf32, #tpu.memory_space<vmem>>) target_semaphore(%arg16 : memref<!tpu.dma_semaphore, #tpu.memory_space<semaphore_mem>>)
    %mul3A_97 = arith.constant 8 : i32
    %mul3A_98 = arith.muli %select_n3A, %mul3A_97 : i32
    %add3A_99 = arith.constant 3 : i32
    %add3A_100 = arith.addi %mul3A_98, %add3A_99 : i32
    %mul3A_101 = arith.constant 256 : i32
    %mul3A_102 = arith.muli %add3A_100, %mul3A_101 : i32
    %add3A_103 = arith.addi %mul3A_102, %add3A_34 : i32
    %mul3A_104 = arith.constant 256 : i32
    %mul3A_105 = arith.muli %add3A_103, %mul3A_104 : i32
    %dma_start3A_106 = arith.constant 6144 : i32
    %dma_start3A_107 = tpu.memref_slice %arg7[%dma_start3A_106] : memref<16384xf32, #tpu.memory_space<vmem>> -> memref<2048xf32, #tpu.memory_space<vmem>>
    %dma_start3A_108 = tpu.memref_slice %arg2[%mul3A_105] : memref<8388608xf32, #tpu.memory_space<hbm>> -> memref<2048xf32, #tpu.memory_space<hbm>>
    %dma_start3A_109 = arith.constant 6144 : i32
    %dma_start3A_110 = tpu.memref_slice %arg7[%dma_start3A_109] : memref<16384xf32, #tpu.memory_space<vmem>> -> memref<2048xf32, #tpu.memory_space<vmem>>
    %dma_start3A_111 = tpu.memref_slice %arg2[%mul3A_105] : memref<8388608xf32, #tpu.memory_space<hbm>> -> memref<2048xf32, #tpu.memory_space<hbm>>
    tpu.enqueue_dma source(%dma_start3A_111 : memref<2048xf32, #tpu.memory_space<hbm>>) target(%dma_start3A_110 : memref<2048xf32, #tpu.memory_space<vmem>>) target_semaphore(%arg16 : memref<!tpu.dma_semaphore, #tpu.memory_space<semaphore_mem>>)
    %dma_start3A_112 = arith.constant 6144 : i32
    %dma_start3A_113 = tpu.memref_slice %arg9[%dma_start3A_112] : memref<16384xf32, #tpu.memory_space<vmem>> -> memref<2048xf32, #tpu.memory_space<vmem>>
    %dma_start3A_114 = tpu.memref_slice %arg3[%mul3A_105] : memref<8388608xf32, #tpu.memory_space<hbm>> -> memref<2048xf32, #tpu.memory_space<hbm>>
    %dma_start3A_115 = arith.constant 6144 : i32
    %dma_start3A_116 = tpu.memref_slice %arg9[%dma_start3A_115] : memref<16384xf32, #tpu.memory_space<vmem>> -> memref<2048xf32, #tpu.memory_space<vmem>>
    %dma_start3A_117 = tpu.memref_slice %arg3[%mul3A_105] : memref<8388608xf32, #tpu.memory_space<hbm>> -> memref<2048xf32, #tpu.memory_space<hbm>>
    tpu.enqueue_dma source(%dma_start3A_117 : memref<2048xf32, #tpu.memory_space<hbm>>) target(%dma_start3A_116 : memref<2048xf32, #tpu.memory_space<vmem>>) target_semaphore(%arg16 : memref<!tpu.dma_semaphore, #tpu.memory_space<semaphore_mem>>)
    %mul3A_118 = arith.constant 8 : i32
    %mul3A_119 = arith.muli %select_n3A, %mul3A_118 : i32
    %add3A_120 = arith.constant 4 : i32
    %add3A_121 = arith.addi %mul3A_119, %add3A_120 : i32
    %mul3A_122 = arith.constant 256 : i32
    %mul3A_123 = arith.muli %add3A_121, %mul3A_122 : i32
    %add3A_124 = arith.addi %mul3A_123, %add3A_34 : i32
    %mul3A_125 = arith.constant 256 : i32
    %mul3A_126 = arith.muli %add3A_124, %mul3A_125 : i32
    %dma_start3A_127 = arith.constant 8192 : i32
    %dma_start3A_128 = tpu.memref_slice %arg7[%dma_start3A_127] : memref<16384xf32, #tpu.memory_space<vmem>> -> memref<2048xf32, #tpu.memory_space<vmem>>
    %dma_start3A_129 = tpu.memref_slice %arg2[%mul3A_126] : memref<8388608xf32, #tpu.memory_space<hbm>> -> memref<2048xf32, #tpu.memory_space<hbm>>
    %dma_start3A_130 = arith.constant 8192 : i32
    %dma_start3A_131 = tpu.memref_slice %arg7[%dma_start3A_130] : memref<16384xf32, #tpu.memory_space<vmem>> -> memref<2048xf32, #tpu.memory_space<vmem>>
    %dma_start3A_132 = tpu.memref_slice %arg2[%mul3A_126] : memref<8388608xf32, #tpu.memory_space<hbm>> -> memref<2048xf32, #tpu.memory_space<hbm>>
    tpu.enqueue_dma source(%dma_start3A_132 : memref<2048xf32, #tpu.memory_space<hbm>>) target(%dma_start3A_131 : memref<2048xf32, #tpu.memory_space<vmem>>) target_semaphore(%arg16 : memref<!tpu.dma_semaphore, #tpu.memory_space<semaphore_mem>>)
    %dma_start3A_133 = arith.constant 8192 : i32
    %dma_start3A_134 = tpu.memref_slice %arg9[%dma_start3A_133] : memref<16384xf32, #tpu.memory_space<vmem>> -> memref<2048xf32, #tpu.memory_space<vmem>>
    %dma_start3A_135 = tpu.memref_slice %arg3[%mul3A_126] : memref<8388608xf32, #tpu.memory_space<hbm>> -> memref<2048xf32, #tpu.memory_space<hbm>>
    %dma_start3A_136 = arith.constant 8192 : i32
    %dma_start3A_137 = tpu.memref_slice %arg9[%dma_start3A_136] : memref<16384xf32, #tpu.memory_space<vmem>> -> memref<2048xf32, #tpu.memory_space<vmem>>
    %dma_start3A_138 = tpu.memref_slice %arg3[%mul3A_126] : memref<8388608xf32, #tpu.memory_space<hbm>> -> memref<2048xf32, #tpu.memory_space<hbm>>
    tpu.enqueue_dma source(%dma_start3A_138 : memref<2048xf32, #tpu.memory_space<hbm>>) target(%dma_start3A_137 : memref<2048xf32, #tpu.memory_space<vmem>>) target_semaphore(%arg16 : memref<!tpu.dma_semaphore, #tpu.memory_space<semaphore_mem>>)
    %mul3A_139 = arith.constant 8 : i32
    %mul3A_140 = arith.muli %select_n3A, %mul3A_139 : i32
    %add3A_141 = arith.constant 5 : i32
    %add3A_142 = arith.addi %mul3A_140, %add3A_141 : i32
    %mul3A_143 = arith.constant 256 : i32
    %mul3A_144 = arith.muli %add3A_142, %mul3A_143 : i32
    %add3A_145 = arith.addi %mul3A_144, %add3A_34 : i32
    %mul3A_146 = arith.constant 256 : i32
    %mul3A_147 = arith.muli %add3A_145, %mul3A_146 : i32
    %dma_start3A_148 = arith.constant 10240 : i32
    %dma_start3A_149 = tpu.memref_slice %arg7[%dma_start3A_148] : memref<16384xf32, #tpu.memory_space<vmem>> -> memref<2048xf32, #tpu.memory_space<vmem>>
    %dma_start3A_150 = tpu.memref_slice %arg2[%mul3A_147] : memref<8388608xf32, #tpu.memory_space<hbm>> -> memref<2048xf32, #tpu.memory_space<hbm>>
    %dma_start3A_151 = arith.constant 10240 : i32
    %dma_start3A_152 = tpu.memref_slice %arg7[%dma_start3A_151] : memref<16384xf32, #tpu.memory_space<vmem>> -> memref<2048xf32, #tpu.memory_space<vmem>>
    %dma_start3A_153 = tpu.memref_slice %arg2[%mul3A_147] : memref<8388608xf32, #tpu.memory_space<hbm>> -> memref<2048xf32, #tpu.memory_space<hbm>>
    tpu.enqueue_dma source(%dma_start3A_153 : memref<2048xf32, #tpu.memory_space<hbm>>) target(%dma_start3A_152 : memref<2048xf32, #tpu.memory_space<vmem>>) target_semaphore(%arg16 : memref<!tpu.dma_semaphore, #tpu.memory_space<semaphore_mem>>)
    %dma_start3A_154 = arith.constant 10240 : i32
    %dma_start3A_155 = tpu.memref_slice %arg9[%dma_start3A_154] : memref<16384xf32, #tpu.memory_space<vmem>> -> memref<2048xf32, #tpu.memory_space<vmem>>
    %dma_start3A_156 = tpu.memref_slice %arg3[%mul3A_147] : memref<8388608xf32, #tpu.memory_space<hbm>> -> memref<2048xf32, #tpu.memory_space<hbm>>
    %dma_start3A_157 = arith.constant 10240 : i32
    %dma_start3A_158 = tpu.memref_slice %arg9[%dma_start3A_157] : memref<16384xf32, #tpu.memory_space<vmem>> -> memref<2048xf32, #tpu.memory_space<vmem>>
    %dma_start3A_159 = tpu.memref_slice %arg3[%mul3A_147] : memref<8388608xf32, #tpu.memory_space<hbm>> -> memref<2048xf32, #tpu.memory_space<hbm>>
    tpu.enqueue_dma source(%dma_start3A_159 : memref<2048xf32, #tpu.memory_space<hbm>>) target(%dma_start3A_158 : memref<2048xf32, #tpu.memory_space<vmem>>) target_semaphore(%arg16 : memref<!tpu.dma_semaphore, #tpu.memory_space<semaphore_mem>>)
    %mul3A_160 = arith.constant 8 : i32
    %mul3A_161 = arith.muli %select_n3A, %mul3A_160 : i32
    %add3A_162 = arith.constant 6 : i32
    %add3A_163 = arith.addi %mul3A_161, %add3A_162 : i32
    %mul3A_164 = arith.constant 256 : i32
    %mul3A_165 = arith.muli %add3A_163, %mul3A_164 : i32
    %add3A_166 = arith.addi %mul3A_165, %add3A_34 : i32
    %mul3A_167 = arith.constant 256 : i32
    %mul3A_168 = arith.muli %add3A_166, %mul3A_167 : i32
    %dma_start3A_169 = arith.constant 12288 : i32
    %dma_start3A_170 = tpu.memref_slice %arg7[%dma_start3A_169] : memref<16384xf32, #tpu.memory_space<vmem>> -> memref<2048xf32, #tpu.memory_space<vmem>>
    %dma_start3A_171 = tpu.memref_slice %arg2[%mul3A_168] : memref<8388608xf32, #tpu.memory_space<hbm>> -> memref<2048xf32, #tpu.memory_space<hbm>>
    %dma_start3A_172 = arith.constant 12288 : i32
    %dma_start3A_173 = tpu.memref_slice %arg7[%dma_start3A_172] : memref<16384xf32, #tpu.memory_space<vmem>> -> memref<2048xf32, #tpu.memory_space<vmem>>
    %dma_start3A_174 = tpu.memref_slice %arg2[%mul3A_168] : memref<8388608xf32, #tpu.memory_space<hbm>> -> memref<2048xf32, #tpu.memory_space<hbm>>
    tpu.enqueue_dma source(%dma_start3A_174 : memref<2048xf32, #tpu.memory_space<hbm>>) target(%dma_start3A_173 : memref<2048xf32, #tpu.memory_space<vmem>>) target_semaphore(%arg16 : memref<!tpu.dma_semaphore, #tpu.memory_space<semaphore_mem>>)
    %dma_start3A_175 = arith.constant 12288 : i32
    %dma_start3A_176 = tpu.memref_slice %arg9[%dma_start3A_175] : memref<16384xf32, #tpu.memory_space<vmem>> -> memref<2048xf32, #tpu.memory_space<vmem>>
    %dma_start3A_177 = tpu.memref_slice %arg3[%mul3A_168] : memref<8388608xf32, #tpu.memory_space<hbm>> -> memref<2048xf32, #tpu.memory_space<hbm>>
    %dma_start3A_178 = arith.constant 12288 : i32
    %dma_start3A_179 = tpu.memref_slice %arg9[%dma_start3A_178] : memref<16384xf32, #tpu.memory_space<vmem>> -> memref<2048xf32, #tpu.memory_space<vmem>>
    %dma_start3A_180 = tpu.memref_slice %arg3[%mul3A_168] : memref<8388608xf32, #tpu.memory_space<hbm>> -> memref<2048xf32, #tpu.memory_space<hbm>>
    tpu.enqueue_dma source(%dma_start3A_180 : memref<2048xf32, #tpu.memory_space<hbm>>) target(%dma_start3A_179 : memref<2048xf32, #tpu.memory_space<vmem>>) target_semaphore(%arg16 : memref<!tpu.dma_semaphore, #tpu.memory_space<semaphore_mem>>)
    %mul3A_181 = arith.constant 8 : i32
    %mul3A_182 = arith.muli %select_n3A, %mul3A_181 : i32
    %add3A_183 = arith.constant 7 : i32
    %add3A_184 = arith.addi %mul3A_182, %add3A_183 : i32
    %mul3A_185 = arith.constant 256 : i32
    %mul3A_186 = arith.muli %add3A_184, %mul3A_185 : i32
    %add3A_187 = arith.addi %mul3A_186, %add3A_34 : i32
    %mul3A_188 = arith.constant 256 : i32
    %mul3A_189 = arith.muli %add3A_187, %mul3A_188 : i32
    %dma_start3A_190 = arith.constant 14336 : i32
    %dma_start3A_191 = tpu.memref_slice %arg7[%dma_start3A_190] : memref<16384xf32, #tpu.memory_space<vmem>> -> memref<2048xf32, #tpu.memory_space<vmem>>
    %dma_start3A_192 = tpu.memref_slice %arg2[%mul3A_189] : memref<8388608xf32, #tpu.memory_space<hbm>> -> memref<2048xf32, #tpu.memory_space<hbm>>
    %dma_start3A_193 = arith.constant 14336 : i32
    %dma_start3A_194 = tpu.memref_slice %arg7[%dma_start3A_193] : memref<16384xf32, #tpu.memory_space<vmem>> -> memref<2048xf32, #tpu.memory_space<vmem>>
    %dma_start3A_195 = tpu.memref_slice %arg2[%mul3A_189] : memref<8388608xf32, #tpu.memory_space<hbm>> -> memref<2048xf32, #tpu.memory_space<hbm>>
    tpu.enqueue_dma source(%dma_start3A_195 : memref<2048xf32, #tpu.memory_space<hbm>>) target(%dma_start3A_194 : memref<2048xf32, #tpu.memory_space<vmem>>) target_semaphore(%arg16 : memref<!tpu.dma_semaphore, #tpu.memory_space<semaphore_mem>>)
    %dma_start3A_196 = arith.constant 14336 : i32
    %dma_start3A_197 = tpu.memref_slice %arg9[%dma_start3A_196] : memref<16384xf32, #tpu.memory_space<vmem>> -> memref<2048xf32, #tpu.memory_space<vmem>>
    %dma_start3A_198 = tpu.memref_slice %arg3[%mul3A_189] : memref<8388608xf32, #tpu.memory_space<hbm>> -> memref<2048xf32, #tpu.memory_space<hbm>>
    %dma_start3A_199 = arith.constant 14336 : i32
    %dma_start3A_200 = tpu.memref_slice %arg9[%dma_start3A_199] : memref<16384xf32, #tpu.memory_space<vmem>> -> memref<2048xf32, #tpu.memory_space<vmem>>
    %dma_start3A_201 = tpu.memref_slice %arg3[%mul3A_189] : memref<8388608xf32, #tpu.memory_space<hbm>> -> memref<2048xf32, #tpu.memory_space<hbm>>
    tpu.enqueue_dma source(%dma_start3A_201 : memref<2048xf32, #tpu.memory_space<hbm>>) target(%dma_start3A_200 : memref<2048xf32, #tpu.memory_space<vmem>>) target_semaphore(%arg16 : memref<!tpu.dma_semaphore, #tpu.memory_space<semaphore_mem>>)
    %scan3A = arith.constant 0 : i32
    %scan3A_202 = arith.constant 0 : i32
    %scan3A_203 = arith.constant 8 : i32
    %scan3A_204 = arith.addi %scan3A_202, %scan3A_203 : i32
    %scan3A_205 = arith.constant 1 : i32
    scf.for %scan3A_228 = %scan3A_202 to %scan3A_204 step %scan3A_205  : i32 {
      %mul3A_229 = arith.constant 2 : i32
      %mul3A_230 = arith.muli %mul3A_229, %scan3A_228 : i32
      %add3A_231 = arith.constant 1 : i32
      %add3A_232 = arith.addi %mul3A_230, %add3A_231 : i32
      %mul3A_233 = arith.constant 8 : i32
      %mul3A_234 = arith.muli %add3A_232, %mul3A_233 : i32
      %add3A_235 = arith.addi %mul3A_32, %mul3A_234 : i32
      %mul3A_236 = arith.constant 8 : i32
      %mul3A_237 = arith.muli %select_n3A, %mul3A_236 : i32
      %add3A_238 = arith.constant 0 : i32
      %add3A_239 = arith.addi %mul3A_237, %add3A_238 : i32
      %mul3A_240 = arith.constant 256 : i32
      %mul3A_241 = arith.muli %add3A_239, %mul3A_240 : i32
      %add3A_242 = arith.addi %mul3A_241, %add3A_235 : i32
      %mul3A_243 = arith.constant 256 : i32
      %mul3A_244 = arith.muli %add3A_242, %mul3A_243 : i32
      %dma_start3A_245 = arith.constant 0 : i32
      %dma_start3A_246 = tpu.memref_slice %arg8[%dma_start3A_245] : memref<16384xf32, #tpu.memory_space<vmem>> -> memref<2048xf32, #tpu.memory_space<vmem>>
      %dma_start3A_247 = tpu.memref_slice %arg2[%mul3A_244] : memref<8388608xf32, #tpu.memory_space<hbm>> -> memref<2048xf32, #tpu.memory_space<hbm>>
      %dma_start3A_248 = arith.constant 0 : i32
      %dma_start3A_249 = tpu.memref_slice %arg8[%dma_start3A_248] : memref<16384xf32, #tpu.memory_space<vmem>> -> memref<2048xf32, #tpu.memory_space<vmem>>
      %dma_start3A_250 = tpu.memref_slice %arg2[%mul3A_244] : memref<8388608xf32, #tpu.memory_space<hbm>> -> memref<2048xf32, #tpu.memory_space<hbm>>
      tpu.enqueue_dma source(%dma_start3A_250 : memref<2048xf32, #tpu.memory_space<hbm>>) target(%dma_start3A_249 : memref<2048xf32, #tpu.memory_space<vmem>>) target_semaphore(%arg17 : memref<!tpu.dma_semaphore, #tpu.memory_space<semaphore_mem>>)
      %dma_start3A_251 = arith.constant 0 : i32
      %dma_start3A_252 = tpu.memref_slice %arg10[%dma_start3A_251] : memref<16384xf32, #tpu.memory_space<vmem>> -> memref<2048xf32, #tpu.memory_space<vmem>>
      %dma_start3A_253 = tpu.memref_slice %arg3[%mul3A_244] : memref<8388608xf32, #tpu.memory_space<hbm>> -> memref<2048xf32, #tpu.memory_space<hbm>>
      %dma_start3A_254 = arith.constant 0 : i32
      %dma_start3A_255 = tpu.memref_slice %arg10[%dma_start3A_254] : memref<16384xf32, #tpu.memory_space<vmem>> -> memref<2048xf32, #tpu.memory_space<vmem>>
      %dma_start3A_256 = tpu.memref_slice %arg3[%mul3A_244] : memref<8388608xf32, #tpu.memory_space<hbm>> -> memref<2048xf32, #tpu.memory_space<hbm>>
      tpu.enqueue_dma source(%dma_start3A_256 : memref<2048xf32, #tpu.memory_space<hbm>>) target(%dma_start3A_255 : memref<2048xf32, #tpu.memory_space<vmem>>) target_semaphore(%arg17 : memref<!tpu.dma_semaphore, #tpu.memory_space<semaphore_mem>>)
      %mul3A_257 = arith.constant 8 : i32
      %mul3A_258 = arith.muli %select_n3A, %mul3A_257 : i32
      %add3A_259 = arith.constant 1 : i32
      %add3A_260 = arith.addi %mul3A_258, %add3A_259 : i32
      %mul3A_261 = arith.constant 256 : i32
      %mul3A_262 = arith.muli %add3A_260, %mul3A_261 : i32
      %add3A_263 = arith.addi %mul3A_262, %add3A_235 : i32
      %mul3A_264 = arith.constant 256 : i32
      %mul3A_265 = arith.muli %add3A_263, %mul3A_264 : i32
      %dma_start3A_266 = arith.constant 2048 : i32
      %dma_start3A_267 = tpu.memref_slice %arg8[%dma_start3A_266] : memref<16384xf32, #tpu.memory_space<vmem>> -> memref<2048xf32, #tpu.memory_space<vmem>>
      %dma_start3A_268 = tpu.memref_slice %arg2[%mul3A_265] : memref<8388608xf32, #tpu.memory_space<hbm>> -> memref<2048xf32, #tpu.memory_space<hbm>>
      %dma_start3A_269 = arith.constant 2048 : i32
      %dma_start3A_270 = tpu.memref_slice %arg8[%dma_start3A_269] : memref<16384xf32, #tpu.memory_space<vmem>> -> memref<2048xf32, #tpu.memory_space<vmem>>
      %dma_start3A_271 = tpu.memref_slice %arg2[%mul3A_265] : memref<8388608xf32, #tpu.memory_space<hbm>> -> memref<2048xf32, #tpu.memory_space<hbm>>
      tpu.enqueue_dma source(%dma_start3A_271 : memref<2048xf32, #tpu.memory_space<hbm>>) target(%dma_start3A_270 : memref<2048xf32, #tpu.memory_space<vmem>>) target_semaphore(%arg17 : memref<!tpu.dma_semaphore, #tpu.memory_space<semaphore_mem>>)
      %dma_start3A_272 = arith.constant 2048 : i32
      %dma_start3A_273 = tpu.memref_slice %arg10[%dma_start3A_272] : memref<16384xf32, #tpu.memory_space<vmem>> -> memref<2048xf32, #tpu.memory_space<vmem>>
      %dma_start3A_274 = tpu.memref_slice %arg3[%mul3A_265] : memref<8388608xf32, #tpu.memory_space<hbm>> -> memref<2048xf32, #tpu.memory_space<hbm>>
      %dma_start3A_275 = arith.constant 2048 : i32
      %dma_start3A_276 = tpu.memref_slice %arg10[%dma_start3A_275] : memref<16384xf32, #tpu.memory_space<vmem>> -> memref<2048xf32, #tpu.memory_space<vmem>>
      %dma_start3A_277 = tpu.memref_slice %arg3[%mul3A_265] : memref<8388608xf32, #tpu.memory_space<hbm>> -> memref<2048xf32, #tpu.memory_space<hbm>>
      tpu.enqueue_dma source(%dma_start3A_277 : memref<2048xf32, #tpu.memory_space<hbm>>) target(%dma_start3A_276 : memref<2048xf32, #tpu.memory_space<vmem>>) target_semaphore(%arg17 : memref<!tpu.dma_semaphore, #tpu.memory_space<semaphore_mem>>)
      %mul3A_278 = arith.constant 8 : i32
      %mul3A_279 = arith.muli %select_n3A, %mul3A_278 : i32
      %add3A_280 = arith.constant 2 : i32
      %add3A_281 = arith.addi %mul3A_279, %add3A_280 : i32
      %mul3A_282 = arith.constant 256 : i32
      %mul3A_283 = arith.muli %add3A_281, %mul3A_282 : i32
      %add3A_284 = arith.addi %mul3A_283, %add3A_235 : i32
      %mul3A_285 = arith.constant 256 : i32
      %mul3A_286 = arith.muli %add3A_284, %mul3A_285 : i32
      %dma_start3A_287 = arith.constant 4096 : i32
      %dma_start3A_288 = tpu.memref_slice %arg8[%dma_start3A_287] : memref<16384xf32, #tpu.memory_space<vmem>> -> memref<2048xf32, #tpu.memory_space<vmem>>
      %dma_start3A_289 = tpu.memref_slice %arg2[%mul3A_286] : memref<8388608xf32, #tpu.memory_space<hbm>> -> memref<2048xf32, #tpu.memory_space<hbm>>
      %dma_start3A_290 = arith.constant 4096 : i32
      %dma_start3A_291 = tpu.memref_slice %arg8[%dma_start3A_290] : memref<16384xf32, #tpu.memory_space<vmem>> -> memref<2048xf32, #tpu.memory_space<vmem>>
      %dma_start3A_292 = tpu.memref_slice %arg2[%mul3A_286] : memref<8388608xf32, #tpu.memory_space<hbm>> -> memref<2048xf32, #tpu.memory_space<hbm>>
      tpu.enqueue_dma source(%dma_start3A_292 : memref<2048xf32, #tpu.memory_space<hbm>>) target(%dma_start3A_291 : memref<2048xf32, #tpu.memory_space<vmem>>) target_semaphore(%arg17 : memref<!tpu.dma_semaphore, #tpu.memory_space<semaphore_mem>>)
      %dma_start3A_293 = arith.constant 4096 : i32
      %dma_start3A_294 = tpu.memref_slice %arg10[%dma_start3A_293] : memref<16384xf32, #tpu.memory_space<vmem>> -> memref<2048xf32, #tpu.memory_space<vmem>>
      %dma_start3A_295 = tpu.memref_slice %arg3[%mul3A_286] : memref<8388608xf32, #tpu.memory_space<hbm>> -> memref<2048xf32, #tpu.memory_space<hbm>>
      %dma_start3A_296 = arith.constant 4096 : i32
      %dma_start3A_297 = tpu.memref_slice %arg10[%dma_start3A_296] : memref<16384xf32, #tpu.memory_space<vmem>> -> memref<2048xf32, #tpu.memory_space<vmem>>
      %dma_start3A_298 = tpu.memref_slice %arg3[%mul3A_286] : memref<8388608xf32, #tpu.memory_space<hbm>> -> memref<2048xf32, #tpu.memory_space<hbm>>
      tpu.enqueue_dma source(%dma_start3A_298 : memref<2048xf32, #tpu.memory_space<hbm>>) target(%dma_start3A_297 : memref<2048xf32, #tpu.memory_space<vmem>>) target_semaphore(%arg17 : memref<!tpu.dma_semaphore, #tpu.memory_space<semaphore_mem>>)
      %mul3A_299 = arith.constant 8 : i32
      %mul3A_300 = arith.muli %select_n3A, %mul3A_299 : i32
      %add3A_301 = arith.constant 3 : i32
      %add3A_302 = arith.addi %mul3A_300, %add3A_301 : i32
      %mul3A_303 = arith.constant 256 : i32
      %mul3A_304 = arith.muli %add3A_302, %mul3A_303 : i32
      %add3A_305 = arith.addi %mul3A_304, %add3A_235 : i32
      %mul3A_306 = arith.constant 256 : i32
      %mul3A_307 = arith.muli %add3A_305, %mul3A_306 : i32
      %dma_start3A_308 = arith.constant 6144 : i32
      %dma_start3A_309 = tpu.memref_slice %arg8[%dma_start3A_308] : memref<16384xf32, #tpu.memory_space<vmem>> -> memref<2048xf32, #tpu.memory_space<vmem>>
      %dma_start3A_310 = tpu.memref_slice %arg2[%mul3A_307] : memref<8388608xf32, #tpu.memory_space<hbm>> -> memref<2048xf32, #tpu.memory_space<hbm>>
      %dma_start3A_311 = arith.constant 6144 : i32
      %dma_start3A_312 = tpu.memref_slice %arg8[%dma_start3A_311] : memref<16384xf32, #tpu.memory_space<vmem>> -> memref<2048xf32, #tpu.memory_space<vmem>>
      %dma_start3A_313 = tpu.memref_slice %arg2[%mul3A_307] : memref<8388608xf32, #tpu.memory_space<hbm>> -> memref<2048xf32, #tpu.memory_space<hbm>>
      tpu.enqueue_dma source(%dma_start3A_313 : memref<2048xf32, #tpu.memory_space<hbm>>) target(%dma_start3A_312 : memref<2048xf32, #tpu.memory_space<vmem>>) target_semaphore(%arg17 : memref<!tpu.dma_semaphore, #tpu.memory_space<semaphore_mem>>)
      %dma_start3A_314 = arith.constant 6144 : i32
      %dma_start3A_315 = tpu.memref_slice %arg10[%dma_start3A_314] : memref<16384xf32, #tpu.memory_space<vmem>> -> memref<2048xf32, #tpu.memory_space<vmem>>
      %dma_start3A_316 = tpu.memref_slice %arg3[%mul3A_307] : memref<8388608xf32, #tpu.memory_space<hbm>> -> memref<2048xf32, #tpu.memory_space<hbm>>
      %dma_start3A_317 = arith.constant 6144 : i32
      %dma_start3A_318 = tpu.memref_slice %arg10[%dma_start3A_317] : memref<16384xf32, #tpu.memory_space<vmem>> -> memref<2048xf32, #tpu.memory_space<vmem>>
      %dma_start3A_319 = tpu.memref_slice %arg3[%mul3A_307] : memref<8388608xf32, #tpu.memory_space<hbm>> -> memref<2048xf32, #tpu.memory_space<hbm>>
      tpu.enqueue_dma source(%dma_start3A_319 : memref<2048xf32, #tpu.memory_space<hbm>>) target(%dma_start3A_318 : memref<2048xf32, #tpu.memory_space<vmem>>) target_semaphore(%arg17 : memref<!tpu.dma_semaphore, #tpu.memory_space<semaphore_mem>>)
      %mul3A_320 = arith.constant 8 : i32
      %mul3A_321 = arith.muli %select_n3A, %mul3A_320 : i32
      %add3A_322 = arith.constant 4 : i32
      %add3A_323 = arith.addi %mul3A_321, %add3A_322 : i32
      %mul3A_324 = arith.constant 256 : i32
      %mul3A_325 = arith.muli %add3A_323, %mul3A_324 : i32
      %add3A_326 = arith.addi %mul3A_325, %add3A_235 : i32
      %mul3A_327 = arith.constant 256 : i32
      %mul3A_328 = arith.muli %add3A_326, %mul3A_327 : i32
      %dma_start3A_329 = arith.constant 8192 : i32
      %dma_start3A_330 = tpu.memref_slice %arg8[%dma_start3A_329] : memref<16384xf32, #tpu.memory_space<vmem>> -> memref<2048xf32, #tpu.memory_space<vmem>>
      %dma_start3A_331 = tpu.memref_slice %arg2[%mul3A_328] : memref<8388608xf32, #tpu.memory_space<hbm>> -> memref<2048xf32, #tpu.memory_space<hbm>>
      %dma_start3A_332 = arith.constant 8192 : i32
      %dma_start3A_333 = tpu.memref_slice %arg8[%dma_start3A_332] : memref<16384xf32, #tpu.memory_space<vmem>> -> memref<2048xf32, #tpu.memory_space<vmem>>
      %dma_start3A_334 = tpu.memref_slice %arg2[%mul3A_328] : memref<8388608xf32, #tpu.memory_space<hbm>> -> memref<2048xf32, #tpu.memory_space<hbm>>
      tpu.enqueue_dma source(%dma_start3A_334 : memref<2048xf32, #tpu.memory_space<hbm>>) target(%dma_start3A_333 : memref<2048xf32, #tpu.memory_space<vmem>>) target_semaphore(%arg17 : memref<!tpu.dma_semaphore, #tpu.memory_space<semaphore_mem>>)
      %dma_start3A_335 = arith.constant 8192 : i32
      %dma_start3A_336 = tpu.memref_slice %arg10[%dma_start3A_335] : memref<16384xf32, #tpu.memory_space<vmem>> -> memref<2048xf32, #tpu.memory_space<vmem>>
      %dma_start3A_337 = tpu.memref_slice %arg3[%mul3A_328] : memref<8388608xf32, #tpu.memory_space<hbm>> -> memref<2048xf32, #tpu.memory_space<hbm>>
      %dma_start3A_338 = arith.constant 8192 : i32
      %dma_start3A_339 = tpu.memref_slice %arg10[%dma_start3A_338] : memref<16384xf32, #tpu.memory_space<vmem>> -> memref<2048xf32, #tpu.memory_space<vmem>>
      %dma_start3A_340 = tpu.memref_slice %arg3[%mul3A_328] : memref<8388608xf32, #tpu.memory_space<hbm>> -> memref<2048xf32, #tpu.memory_space<hbm>>
      tpu.enqueue_dma source(%dma_start3A_340 : memref<2048xf32, #tpu.memory_space<hbm>>) target(%dma_start3A_339 : memref<2048xf32, #tpu.memory_space<vmem>>) target_semaphore(%arg17 : memref<!tpu.dma_semaphore, #tpu.memory_space<semaphore_mem>>)
      %mul3A_341 = arith.constant 8 : i32
      %mul3A_342 = arith.muli %select_n3A, %mul3A_341 : i32
      %add3A_343 = arith.constant 5 : i32
      %add3A_344 = arith.addi %mul3A_342, %add3A_343 : i32
      %mul3A_345 = arith.constant 256 : i32
      %mul3A_346 = arith.muli %add3A_344, %mul3A_345 : i32
      %add3A_347 = arith.addi %mul3A_346, %add3A_235 : i32
      %mul3A_348 = arith.constant 256 : i32
      %mul3A_349 = arith.muli %add3A_347, %mul3A_348 : i32
      %dma_start3A_350 = arith.constant 10240 : i32
      %dma_start3A_351 = tpu.memref_slice %arg8[%dma_start3A_350] : memref<16384xf32, #tpu.memory_space<vmem>> -> memref<2048xf32, #tpu.memory_space<vmem>>
      %dma_start3A_352 = tpu.memref_slice %arg2[%mul3A_349] : memref<8388608xf32, #tpu.memory_space<hbm>> -> memref<2048xf32, #tpu.memory_space<hbm>>
      %dma_start3A_353 = arith.constant 10240 : i32
      %dma_start3A_354 = tpu.memref_slice %arg8[%dma_start3A_353] : memref<16384xf32, #tpu.memory_space<vmem>> -> memref<2048xf32, #tpu.memory_space<vmem>>
      %dma_start3A_355 = tpu.memref_slice %arg2[%mul3A_349] : memref<8388608xf32, #tpu.memory_space<hbm>> -> memref<2048xf32, #tpu.memory_space<hbm>>
      tpu.enqueue_dma source(%dma_start3A_355 : memref<2048xf32, #tpu.memory_space<hbm>>) target(%dma_start3A_354 : memref<2048xf32, #tpu.memory_space<vmem>>) target_semaphore(%arg17 : memref<!tpu.dma_semaphore, #tpu.memory_space<semaphore_mem>>)
      %dma_start3A_356 = arith.constant 10240 : i32
      %dma_start3A_357 = tpu.memref_slice %arg10[%dma_start3A_356] : memref<16384xf32, #tpu.memory_space<vmem>> -> memref<2048xf32, #tpu.memory_space<vmem>>
      %dma_start3A_358 = tpu.memref_slice %arg3[%mul3A_349] : memref<8388608xf32, #tpu.memory_space<hbm>> -> memref<2048xf32, #tpu.memory_space<hbm>>
      %dma_start3A_359 = arith.constant 10240 : i32
      %dma_start3A_360 = tpu.memref_slice %arg10[%dma_start3A_359] : memref<16384xf32, #tpu.memory_space<vmem>> -> memref<2048xf32, #tpu.memory_space<vmem>>
      %dma_start3A_361 = tpu.memref_slice %arg3[%mul3A_349] : memref<8388608xf32, #tpu.memory_space<hbm>> -> memref<2048xf32, #tpu.memory_space<hbm>>
      tpu.enqueue_dma source(%dma_start3A_361 : memref<2048xf32, #tpu.memory_space<hbm>>) target(%dma_start3A_360 : memref<2048xf32, #tpu.memory_space<vmem>>) target_semaphore(%arg17 : memref<!tpu.dma_semaphore, #tpu.memory_space<semaphore_mem>>)
      %mul3A_362 = arith.constant 8 : i32
      %mul3A_363 = arith.muli %select_n3A, %mul3A_362 : i32
      %add3A_364 = arith.constant 6 : i32
      %add3A_365 = arith.addi %mul3A_363, %add3A_364 : i32
      %mul3A_366 = arith.constant 256 : i32
      %mul3A_367 = arith.muli %add3A_365, %mul3A_366 : i32
      %add3A_368 = arith.addi %mul3A_367, %add3A_235 : i32
      %mul3A_369 = arith.constant 256 : i32
      %mul3A_370 = arith.muli %add3A_368, %mul3A_369 : i32
      %dma_start3A_371 = arith.constant 12288 : i32
      %dma_start3A_372 = tpu.memref_slice %arg8[%dma_start3A_371] : memref<16384xf32, #tpu.memory_space<vmem>> -> memref<2048xf32, #tpu.memory_space<vmem>>
      %dma_start3A_373 = tpu.memref_slice %arg2[%mul3A_370] : memref<8388608xf32, #tpu.memory_space<hbm>> -> memref<2048xf32, #tpu.memory_space<hbm>>
      %dma_start3A_374 = arith.constant 12288 : i32
      %dma_start3A_375 = tpu.memref_slice %arg8[%dma_start3A_374] : memref<16384xf32, #tpu.memory_space<vmem>> -> memref<2048xf32, #tpu.memory_space<vmem>>
      %dma_start3A_376 = tpu.memref_slice %arg2[%mul3A_370] : memref<8388608xf32, #tpu.memory_space<hbm>> -> memref<2048xf32, #tpu.memory_space<hbm>>
      tpu.enqueue_dma source(%dma_start3A_376 : memref<2048xf32, #tpu.memory_space<hbm>>) target(%dma_start3A_375 : memref<2048xf32, #tpu.memory_space<vmem>>) target_semaphore(%arg17 : memref<!tpu.dma_semaphore, #tpu.memory_space<semaphore_mem>>)
      %dma_start3A_377 = arith.constant 12288 : i32
      %dma_start3A_378 = tpu.memref_slice %arg10[%dma_start3A_377] : memref<16384xf32, #tpu.memory_space<vmem>> -> memref<2048xf32, #tpu.memory_space<vmem>>
      %dma_start3A_379 = tpu.memref_slice %arg3[%mul3A_370] : memref<8388608xf32, #tpu.memory_space<hbm>> -> memref<2048xf32, #tpu.memory_space<hbm>>
      %dma_start3A_380 = arith.constant 12288 : i32
      %dma_start3A_381 = tpu.memref_slice %arg10[%dma_start3A_380] : memref<16384xf32, #tpu.memory_space<vmem>> -> memref<2048xf32, #tpu.memory_space<vmem>>
      %dma_start3A_382 = tpu.memref_slice %arg3[%mul3A_370] : memref<8388608xf32, #tpu.memory_space<hbm>> -> memref<2048xf32, #tpu.memory_space<hbm>>
      tpu.enqueue_dma source(%dma_start3A_382 : memref<2048xf32, #tpu.memory_space<hbm>>) target(%dma_start3A_381 : memref<2048xf32, #tpu.memory_space<vmem>>) target_semaphore(%arg17 : memref<!tpu.dma_semaphore, #tpu.memory_space<semaphore_mem>>)
      %mul3A_383 = arith.constant 8 : i32
      %mul3A_384 = arith.muli %select_n3A, %mul3A_383 : i32
      %add3A_385 = arith.constant 7 : i32
      %add3A_386 = arith.addi %mul3A_384, %add3A_385 : i32
      %mul3A_387 = arith.constant 256 : i32
      %mul3A_388 = arith.muli %add3A_386, %mul3A_387 : i32
      %add3A_389 = arith.addi %mul3A_388, %add3A_235 : i32
      %mul3A_390 = arith.constant 256 : i32
      %mul3A_391 = arith.muli %add3A_389, %mul3A_390 : i32
      %dma_start3A_392 = arith.constant 14336 : i32
      %dma_start3A_393 = tpu.memref_slice %arg8[%dma_start3A_392] : memref<16384xf32, #tpu.memory_space<vmem>> -> memref<2048xf32, #tpu.memory_space<vmem>>
      %dma_start3A_394 = tpu.memref_slice %arg2[%mul3A_391] : memref<8388608xf32, #tpu.memory_space<hbm>> -> memref<2048xf32, #tpu.memory_space<hbm>>
      %dma_start3A_395 = arith.constant 14336 : i32
      %dma_start3A_396 = tpu.memref_slice %arg8[%dma_start3A_395] : memref<16384xf32, #tpu.memory_space<vmem>> -> memref<2048xf32, #tpu.memory_space<vmem>>
      %dma_start3A_397 = tpu.memref_slice %arg2[%mul3A_391] : memref<8388608xf32, #tpu.memory_space<hbm>> -> memref<2048xf32, #tpu.memory_space<hbm>>
      tpu.enqueue_dma source(%dma_start3A_397 : memref<2048xf32, #tpu.memory_space<hbm>>) target(%dma_start3A_396 : memref<2048xf32, #tpu.memory_space<vmem>>) target_semaphore(%arg17 : memref<!tpu.dma_semaphore, #tpu.memory_space<semaphore_mem>>)
      %dma_start3A_398 = arith.constant 14336 : i32
      %dma_start3A_399 = tpu.memref_slice %arg10[%dma_start3A_398] : memref<16384xf32, #tpu.memory_space<vmem>> -> memref<2048xf32, #tpu.memory_space<vmem>>
      %dma_start3A_400 = tpu.memref_slice %arg3[%mul3A_391] : memref<8388608xf32, #tpu.memory_space<hbm>> -> memref<2048xf32, #tpu.memory_space<hbm>>
      %dma_start3A_401 = arith.constant 14336 : i32
      %dma_start3A_402 = tpu.memref_slice %arg10[%dma_start3A_401] : memref<16384xf32, #tpu.memory_space<vmem>> -> memref<2048xf32, #tpu.memory_space<vmem>>
      %dma_start3A_403 = tpu.memref_slice %arg3[%mul3A_391] : memref<8388608xf32, #tpu.memory_space<hbm>> -> memref<2048xf32, #tpu.memory_space<hbm>>
      tpu.enqueue_dma source(%dma_start3A_403 : memref<2048xf32, #tpu.memory_space<hbm>>) target(%dma_start3A_402 : memref<2048xf32, #tpu.memory_space<vmem>>) target_semaphore(%arg17 : memref<!tpu.dma_semaphore, #tpu.memory_space<semaphore_mem>>)
      %mul3A_404 = arith.constant 8 : i32
      %mul3A_405 = arith.muli %mul3A_230, %mul3A_404 : i32
      %add3A_406 = arith.addi %mul3A_32, %mul3A_405 : i32
      %mul3A_407 = arith.constant 8 : i32
      %mul3A_408 = arith.muli %select_n3A, %mul3A_407 : i32
      %add3A_409 = arith.constant 0 : i32
      %add3A_410 = arith.addi %mul3A_408, %add3A_409 : i32
      %mul3A_411 = arith.constant 256 : i32
      %mul3A_412 = arith.muli %add3A_410, %mul3A_411 : i32
      %add3A_413 = arith.addi %mul3A_412, %add3A_406 : i32
      %mul3A_414 = arith.constant 256 : i32
      %mul3A_415 = arith.muli %add3A_413, %mul3A_414 : i32
      %dma_wait3A_416 = arith.constant 0 : i32
      %dma_wait3A_417 = tpu.memref_slice %arg7[%dma_wait3A_416] : memref<16384xf32, #tpu.memory_space<vmem>> -> memref<2048xf32, #tpu.memory_space<vmem>>
      %dma_wait3A_418 = tpu.memref_slice %arg2[%mul3A_415] : memref<8388608xf32, #tpu.memory_space<hbm>> -> memref<2048xf32, #tpu.memory_space<hbm>>
      %dma_wait3A_419 = arith.constant 0 : i32
      %dma_wait3A_420 = tpu.memref_slice %arg7[%dma_wait3A_419] : memref<16384xf32, #tpu.memory_space<vmem>> -> memref<2048xf32, #tpu.memory_space<vmem>>
      %dma_wait3A_421 = tpu.memref_slice %arg2[%mul3A_415] : memref<8388608xf32, #tpu.memory_space<hbm>> -> memref<2048xf32, #tpu.memory_space<hbm>>
      tpu.wait_dma2 semaphore(%arg16 : memref<!tpu.dma_semaphore, #tpu.memory_space<semaphore_mem>>) src(%dma_wait3A_421 : memref<2048xf32, #tpu.memory_space<hbm>>) dst(%dma_wait3A_420 : memref<2048xf32, #tpu.memory_space<vmem>>)
      %dma_wait3A_422 = arith.constant 0 : i32
      %dma_wait3A_423 = tpu.memref_slice %arg9[%dma_wait3A_422] : memref<16384xf32, #tpu.memory_space<vmem>> -> memref<2048xf32, #tpu.memory_space<vmem>>
      %dma_wait3A_424 = tpu.memref_slice %arg3[%mul3A_415] : memref<8388608xf32, #tpu.memory_space<hbm>> -> memref<2048xf32, #tpu.memory_space<hbm>>
      %dma_wait3A_425 = arith.constant 0 : i32
      %dma_wait3A_426 = tpu.memref_slice %arg9[%dma_wait3A_425] : memref<16384xf32, #tpu.memory_space<vmem>> -> memref<2048xf32, #tpu.memory_space<vmem>>
      %dma_wait3A_427 = tpu.memref_slice %arg3[%mul3A_415] : memref<8388608xf32, #tpu.memory_space<hbm>> -> memref<2048xf32, #tpu.memory_space<hbm>>
      tpu.wait_dma2 semaphore(%arg16 : memref<!tpu.dma_semaphore, #tpu.memory_space<semaphore_mem>>) src(%dma_wait3A_427 : memref<2048xf32, #tpu.memory_space<hbm>>) dst(%dma_wait3A_426 : memref<2048xf32, #tpu.memory_space<vmem>>)
      %mul3A_428 = arith.constant 8 : i32
      %mul3A_429 = arith.muli %select_n3A, %mul3A_428 : i32
      %add3A_430 = arith.constant 1 : i32
      %add3A_431 = arith.addi %mul3A_429, %add3A_430 : i32
      %mul3A_432 = arith.constant 256 : i32
      %mul3A_433 = arith.muli %add3A_431, %mul3A_432 : i32
      %add3A_434 = arith.addi %mul3A_433, %add3A_406 : i32
      %mul3A_435 = arith.constant 256 : i32
      %mul3A_436 = arith.muli %add3A_434, %mul3A_435 : i32
      %dma_wait3A_437 = arith.constant 2048 : i32
      %dma_wait3A_438 = tpu.memref_slice %arg7[%dma_wait3A_437] : memref<16384xf32, #tpu.memory_space<vmem>> -> memref<2048xf32, #tpu.memory_space<vmem>>
      %dma_wait3A_439 = tpu.memref_slice %arg2[%mul3A_436] : memref<8388608xf32, #tpu.memory_space<hbm>> -> memref<2048xf32, #tpu.memory_space<hbm>>
      %dma_wait3A_440 = arith.constant 2048 : i32
      %dma_wait3A_441 = tpu.memref_slice %arg7[%dma_wait3A_440] : memref<16384xf32, #tpu.memory_space<vmem>> -> memref<2048xf32, #tpu.memory_space<vmem>>
      %dma_wait3A_442 = tpu.memref_slice %arg2[%mul3A_436] : memref<8388608xf32, #tpu.memory_space<hbm>> -> memref<2048xf32, #tpu.memory_space<hbm>>
      tpu.wait_dma2 semaphore(%arg16 : memref<!tpu.dma_semaphore, #tpu.memory_space<semaphore_mem>>) src(%dma_wait3A_442 : memref<2048xf32, #tpu.memory_space<hbm>>) dst(%dma_wait3A_441 : memref<2048xf32, #tpu.memory_space<vmem>>)
      %dma_wait3A_443 = arith.constant 2048 : i32
      %dma_wait3A_444 = tpu.memref_slice %arg9[%dma_wait3A_443] : memref<16384xf32, #tpu.memory_space<vmem>> -> memref<2048xf32, #tpu.memory_space<vmem>>
      %dma_wait3A_445 = tpu.memref_slice %arg3[%mul3A_436] : memref<8388608xf32, #tpu.memory_space<hbm>> -> memref<2048xf32, #tpu.memory_space<hbm>>
      %dma_wait3A_446 = arith.constant 2048 : i32
      %dma_wait3A_447 = tpu.memref_slice %arg9[%dma_wait3A_446] : memref<16384xf32, #tpu.memory_space<vmem>> -> memref<2048xf32, #tpu.memory_space<vmem>>
      %dma_wait3A_448 = tpu.memref_slice %arg3[%mul3A_436] : memref<8388608xf32, #tpu.memory_space<hbm>> -> memref<2048xf32, #tpu.memory_space<hbm>>
      tpu.wait_dma2 semaphore(%arg16 : memref<!tpu.dma_semaphore, #tpu.memory_space<semaphore_mem>>) src(%dma_wait3A_448 : memref<2048xf32, #tpu.memory_space<hbm>>) dst(%dma_wait3A_447 : memref<2048xf32, #tpu.memory_space<vmem>>)
      %mul3A_449 = arith.constant 8 : i32
      %mul3A_450 = arith.muli %select_n3A, %mul3A_449 : i32
      %add3A_451 = arith.constant 2 : i32
      %add3A_452 = arith.addi %mul3A_450, %add3A_451 : i32
      %mul3A_453 = arith.constant 256 : i32
      %mul3A_454 = arith.muli %add3A_452, %mul3A_453 : i32
      %add3A_455 = arith.addi %mul3A_454, %add3A_406 : i32
      %mul3A_456 = arith.constant 256 : i32
      %mul3A_457 = arith.muli %add3A_455, %mul3A_456 : i32
      %dma_wait3A_458 = arith.constant 4096 : i32
      %dma_wait3A_459 = tpu.memref_slice %arg7[%dma_wait3A_458] : memref<16384xf32, #tpu.memory_space<vmem>> -> memref<2048xf32, #tpu.memory_space<vmem>>
      %dma_wait3A_460 = tpu.memref_slice %arg2[%mul3A_457] : memref<8388608xf32, #tpu.memory_space<hbm>> -> memref<2048xf32, #tpu.memory_space<hbm>>
      %dma_wait3A_461 = arith.constant 4096 : i32
      %dma_wait3A_462 = tpu.memref_slice %arg7[%dma_wait3A_461] : memref<16384xf32, #tpu.memory_space<vmem>> -> memref<2048xf32, #tpu.memory_space<vmem>>
      %dma_wait3A_463 = tpu.memref_slice %arg2[%mul3A_457] : memref<8388608xf32, #tpu.memory_space<hbm>> -> memref<2048xf32, #tpu.memory_space<hbm>>
      tpu.wait_dma2 semaphore(%arg16 : memref<!tpu.dma_semaphore, #tpu.memory_space<semaphore_mem>>) src(%dma_wait3A_463 : memref<2048xf32, #tpu.memory_space<hbm>>) dst(%dma_wait3A_462 : memref<2048xf32, #tpu.memory_space<vmem>>)
      %dma_wait3A_464 = arith.constant 4096 : i32
      %dma_wait3A_465 = tpu.memref_slice %arg9[%dma_wait3A_464] : memref<16384xf32, #tpu.memory_space<vmem>> -> memref<2048xf32, #tpu.memory_space<vmem>>
      %dma_wait3A_466 = tpu.memref_slice %arg3[%mul3A_457] : memref<8388608xf32, #tpu.memory_space<hbm>> -> memref<2048xf32, #tpu.memory_space<hbm>>
      %dma_wait3A_467 = arith.constant 4096 : i32
      %dma_wait3A_468 = tpu.memref_slice %arg9[%dma_wait3A_467] : memref<16384xf32, #tpu.memory_space<vmem>> -> memref<2048xf32, #tpu.memory_space<vmem>>
      %dma_wait3A_469 = tpu.memref_slice %arg3[%mul3A_457] : memref<8388608xf32, #tpu.memory_space<hbm>> -> memref<2048xf32, #tpu.memory_space<hbm>>
      tpu.wait_dma2 semaphore(%arg16 : memref<!tpu.dma_semaphore, #tpu.memory_space<semaphore_mem>>) src(%dma_wait3A_469 : memref<2048xf32, #tpu.memory_space<hbm>>) dst(%dma_wait3A_468 : memref<2048xf32, #tpu.memory_space<vmem>>)
      %mul3A_470 = arith.constant 8 : i32
      %mul3A_471 = arith.muli %select_n3A, %mul3A_470 : i32
      %add3A_472 = arith.constant 3 : i32
      %add3A_473 = arith.addi %mul3A_471, %add3A_472 : i32
      %mul3A_474 = arith.constant 256 : i32
      %mul3A_475 = arith.muli %add3A_473, %mul3A_474 : i32
      %add3A_476 = arith.addi %mul3A_475, %add3A_406 : i32
      %mul3A_477 = arith.constant 256 : i32
      %mul3A_478 = arith.muli %add3A_476, %mul3A_477 : i32
      %dma_wait3A_479 = arith.constant 6144 : i32
      %dma_wait3A_480 = tpu.memref_slice %arg7[%dma_wait3A_479] : memref<16384xf32, #tpu.memory_space<vmem>> -> memref<2048xf32, #tpu.memory_space<vmem>>
      %dma_wait3A_481 = tpu.memref_slice %arg2[%mul3A_478] : memref<8388608xf32, #tpu.memory_space<hbm>> -> memref<2048xf32, #tpu.memory_space<hbm>>
      %dma_wait3A_482 = arith.constant 6144 : i32
      %dma_wait3A_483 = tpu.memref_slice %arg7[%dma_wait3A_482] : memref<16384xf32, #tpu.memory_space<vmem>> -> memref<2048xf32, #tpu.memory_space<vmem>>
      %dma_wait3A_484 = tpu.memref_slice %arg2[%mul3A_478] : memref<8388608xf32, #tpu.memory_space<hbm>> -> memref<2048xf32, #tpu.memory_space<hbm>>
      tpu.wait_dma2 semaphore(%arg16 : memref<!tpu.dma_semaphore, #tpu.memory_space<semaphore_mem>>) src(%dma_wait3A_484 : memref<2048xf32, #tpu.memory_space<hbm>>) dst(%dma_wait3A_483 : memref<2048xf32, #tpu.memory_space<vmem>>)
      %dma_wait3A_485 = arith.constant 6144 : i32
      %dma_wait3A_486 = tpu.memref_slice %arg9[%dma_wait3A_485] : memref<16384xf32, #tpu.memory_space<vmem>> -> memref<2048xf32, #tpu.memory_space<vmem>>
      %dma_wait3A_487 = tpu.memref_slice %arg3[%mul3A_478] : memref<8388608xf32, #tpu.memory_space<hbm>> -> memref<2048xf32, #tpu.memory_space<hbm>>
      %dma_wait3A_488 = arith.constant 6144 : i32
      %dma_wait3A_489 = tpu.memref_slice %arg9[%dma_wait3A_488] : memref<16384xf32, #tpu.memory_space<vmem>> -> memref<2048xf32, #tpu.memory_space<vmem>>
      %dma_wait3A_490 = tpu.memref_slice %arg3[%mul3A_478] : memref<8388608xf32, #tpu.memory_space<hbm>> -> memref<2048xf32, #tpu.memory_space<hbm>>
      tpu.wait_dma2 semaphore(%arg16 : memref<!tpu.dma_semaphore, #tpu.memory_space<semaphore_mem>>) src(%dma_wait3A_490 : memref<2048xf32, #tpu.memory_space<hbm>>) dst(%dma_wait3A_489 : memref<2048xf32, #tpu.memory_space<vmem>>)
      %mul3A_491 = arith.constant 8 : i32
      %mul3A_492 = arith.muli %select_n3A, %mul3A_491 : i32
      %add3A_493 = arith.constant 4 : i32
      %add3A_494 = arith.addi %mul3A_492, %add3A_493 : i32
      %mul3A_495 = arith.constant 256 : i32
      %mul3A_496 = arith.muli %add3A_494, %mul3A_495 : i32
      %add3A_497 = arith.addi %mul3A_496, %add3A_406 : i32
      %mul3A_498 = arith.constant 256 : i32
      %mul3A_499 = arith.muli %add3A_497, %mul3A_498 : i32
      %dma_wait3A_500 = arith.constant 8192 : i32
      %dma_wait3A_501 = tpu.memref_slice %arg7[%dma_wait3A_500] : memref<16384xf32, #tpu.memory_space<vmem>> -> memref<2048xf32, #tpu.memory_space<vmem>>
      %dma_wait3A_502 = tpu.memref_slice %arg2[%mul3A_499] : memref<8388608xf32, #tpu.memory_space<hbm>> -> memref<2048xf32, #tpu.memory_space<hbm>>
      %dma_wait3A_503 = arith.constant 8192 : i32
      %dma_wait3A_504 = tpu.memref_slice %arg7[%dma_wait3A_503] : memref<16384xf32, #tpu.memory_space<vmem>> -> memref<2048xf32, #tpu.memory_space<vmem>>
      %dma_wait3A_505 = tpu.memref_slice %arg2[%mul3A_499] : memref<8388608xf32, #tpu.memory_space<hbm>> -> memref<2048xf32, #tpu.memory_space<hbm>>
      tpu.wait_dma2 semaphore(%arg16 : memref<!tpu.dma_semaphore, #tpu.memory_space<semaphore_mem>>) src(%dma_wait3A_505 : memref<2048xf32, #tpu.memory_space<hbm>>) dst(%dma_wait3A_504 : memref<2048xf32, #tpu.memory_space<vmem>>)
      %dma_wait3A_506 = arith.constant 8192 : i32
      %dma_wait3A_507 = tpu.memref_slice %arg9[%dma_wait3A_506] : memref<16384xf32, #tpu.memory_space<vmem>> -> memref<2048xf32, #tpu.memory_space<vmem>>
      %dma_wait3A_508 = tpu.memref_slice %arg3[%mul3A_499] : memref<8388608xf32, #tpu.memory_space<hbm>> -> memref<2048xf32, #tpu.memory_space<hbm>>
      %dma_wait3A_509 = arith.constant 8192 : i32
      %dma_wait3A_510 = tpu.memref_slice %arg9[%dma_wait3A_509] : memref<16384xf32, #tpu.memory_space<vmem>> -> memref<2048xf32, #tpu.memory_space<vmem>>
      %dma_wait3A_511 = tpu.memref_slice %arg3[%mul3A_499] : memref<8388608xf32, #tpu.memory_space<hbm>> -> memref<2048xf32, #tpu.memory_space<hbm>>
      tpu.wait_dma2 semaphore(%arg16 : memref<!tpu.dma_semaphore, #tpu.memory_space<semaphore_mem>>) src(%dma_wait3A_511 : memref<2048xf32, #tpu.memory_space<hbm>>) dst(%dma_wait3A_510 : memref<2048xf32, #tpu.memory_space<vmem>>)
      %mul3A_512 = arith.constant 8 : i32
      %mul3A_513 = arith.muli %select_n3A, %mul3A_512 : i32
      %add3A_514 = arith.constant 5 : i32
      %add3A_515 = arith.addi %mul3A_513, %add3A_514 : i32
      %mul3A_516 = arith.constant 256 : i32
      %mul3A_517 = arith.muli %add3A_515, %mul3A_516 : i32
      %add3A_518 = arith.addi %mul3A_517, %add3A_406 : i32
      %mul3A_519 = arith.constant 256 : i32
      %mul3A_520 = arith.muli %add3A_518, %mul3A_519 : i32
      %dma_wait3A_521 = arith.constant 10240 : i32
      %dma_wait3A_522 = tpu.memref_slice %arg7[%dma_wait3A_521] : memref<16384xf32, #tpu.memory_space<vmem>> -> memref<2048xf32, #tpu.memory_space<vmem>>
      %dma_wait3A_523 = tpu.memref_slice %arg2[%mul3A_520] : memref<8388608xf32, #tpu.memory_space<hbm>> -> memref<2048xf32, #tpu.memory_space<hbm>>
      %dma_wait3A_524 = arith.constant 10240 : i32
      %dma_wait3A_525 = tpu.memref_slice %arg7[%dma_wait3A_524] : memref<16384xf32, #tpu.memory_space<vmem>> -> memref<2048xf32, #tpu.memory_space<vmem>>
      %dma_wait3A_526 = tpu.memref_slice %arg2[%mul3A_520] : memref<8388608xf32, #tpu.memory_space<hbm>> -> memref<2048xf32, #tpu.memory_space<hbm>>
      tpu.wait_dma2 semaphore(%arg16 : memref<!tpu.dma_semaphore, #tpu.memory_space<semaphore_mem>>) src(%dma_wait3A_526 : memref<2048xf32, #tpu.memory_space<hbm>>) dst(%dma_wait3A_525 : memref<2048xf32, #tpu.memory_space<vmem>>)
      %dma_wait3A_527 = arith.constant 10240 : i32
      %dma_wait3A_528 = tpu.memref_slice %arg9[%dma_wait3A_527] : memref<16384xf32, #tpu.memory_space<vmem>> -> memref<2048xf32, #tpu.memory_space<vmem>>
      %dma_wait3A_529 = tpu.memref_slice %arg3[%mul3A_520] : memref<8388608xf32, #tpu.memory_space<hbm>> -> memref<2048xf32, #tpu.memory_space<hbm>>
      %dma_wait3A_530 = arith.constant 10240 : i32
      %dma_wait3A_531 = tpu.memref_slice %arg9[%dma_wait3A_530] : memref<16384xf32, #tpu.memory_space<vmem>> -> memref<2048xf32, #tpu.memory_space<vmem>>
      %dma_wait3A_532 = tpu.memref_slice %arg3[%mul3A_520] : memref<8388608xf32, #tpu.memory_space<hbm>> -> memref<2048xf32, #tpu.memory_space<hbm>>
      tpu.wait_dma2 semaphore(%arg16 : memref<!tpu.dma_semaphore, #tpu.memory_space<semaphore_mem>>) src(%dma_wait3A_532 : memref<2048xf32, #tpu.memory_space<hbm>>) dst(%dma_wait3A_531 : memref<2048xf32, #tpu.memory_space<vmem>>)
      %mul3A_533 = arith.constant 8 : i32
      %mul3A_534 = arith.muli %select_n3A, %mul3A_533 : i32
      %add3A_535 = arith.constant 6 : i32
      %add3A_536 = arith.addi %mul3A_534, %add3A_535 : i32
      %mul3A_537 = arith.constant 256 : i32
      %mul3A_538 = arith.muli %add3A_536, %mul3A_537 : i32
      %add3A_539 = arith.addi %mul3A_538, %add3A_406 : i32
      %mul3A_540 = arith.constant 256 : i32
      %mul3A_541 = arith.muli %add3A_539, %mul3A_540 : i32
      %dma_wait3A_542 = arith.constant 12288 : i32
      %dma_wait3A_543 = tpu.memref_slice %arg7[%dma_wait3A_542] : memref<16384xf32, #tpu.memory_space<vmem>> -> memref<2048xf32, #tpu.memory_space<vmem>>
      %dma_wait3A_544 = tpu.memref_slice %arg2[%mul3A_541] : memref<8388608xf32, #tpu.memory_space<hbm>> -> memref<2048xf32, #tpu.memory_space<hbm>>
      %dma_wait3A_545 = arith.constant 12288 : i32
      %dma_wait3A_546 = tpu.memref_slice %arg7[%dma_wait3A_545] : memref<16384xf32, #tpu.memory_space<vmem>> -> memref<2048xf32, #tpu.memory_space<vmem>>
      %dma_wait3A_547 = tpu.memref_slice %arg2[%mul3A_541] : memref<8388608xf32, #tpu.memory_space<hbm>> -> memref<2048xf32, #tpu.memory_space<hbm>>
      tpu.wait_dma2 semaphore(%arg16 : memref<!tpu.dma_semaphore, #tpu.memory_space<semaphore_mem>>) src(%dma_wait3A_547 : memref<2048xf32, #tpu.memory_space<hbm>>) dst(%dma_wait3A_546 : memref<2048xf32, #tpu.memory_space<vmem>>)
      %dma_wait3A_548 = arith.constant 12288 : i32
      %dma_wait3A_549 = tpu.memref_slice %arg9[%dma_wait3A_548] : memref<16384xf32, #tpu.memory_space<vmem>> -> memref<2048xf32, #tpu.memory_space<vmem>>
      %dma_wait3A_550 = tpu.memref_slice %arg3[%mul3A_541] : memref<8388608xf32, #tpu.memory_space<hbm>> -> memref<2048xf32, #tpu.memory_space<hbm>>
      %dma_wait3A_551 = arith.constant 12288 : i32
      %dma_wait3A_552 = tpu.memref_slice %arg9[%dma_wait3A_551] : memref<16384xf32, #tpu.memory_space<vmem>> -> memref<2048xf32, #tpu.memory_space<vmem>>
      %dma_wait3A_553 = tpu.memref_slice %arg3[%mul3A_541] : memref<8388608xf32, #tpu.memory_space<hbm>> -> memref<2048xf32, #tpu.memory_space<hbm>>
      tpu.wait_dma2 semaphore(%arg16 : memref<!tpu.dma_semaphore, #tpu.memory_space<semaphore_mem>>) src(%dma_wait3A_553 : memref<2048xf32, #tpu.memory_space<hbm>>) dst(%dma_wait3A_552 : memref<2048xf32, #tpu.memory_space<vmem>>)
      %mul3A_554 = arith.constant 8 : i32
      %mul3A_555 = arith.muli %select_n3A, %mul3A_554 : i32
      %add3A_556 = arith.constant 7 : i32
      %add3A_557 = arith.addi %mul3A_555, %add3A_556 : i32
      %mul3A_558 = arith.constant 256 : i32
      %mul3A_559 = arith.muli %add3A_557, %mul3A_558 : i32
      %add3A_560 = arith.addi %mul3A_559, %add3A_406 : i32
      %mul3A_561 = arith.constant 256 : i32
      %mul3A_562 = arith.muli %add3A_560, %mul3A_561 : i32
      %dma_wait3A_563 = arith.constant 14336 : i32
      %dma_wait3A_564 = tpu.memref_slice %arg7[%dma_wait3A_563] : memref<16384xf32, #tpu.memory_space<vmem>> -> memref<2048xf32, #tpu.memory_space<vmem>>
      %dma_wait3A_565 = tpu.memref_slice %arg2[%mul3A_562] : memref<8388608xf32, #tpu.memory_space<hbm>> -> memref<2048xf32, #tpu.memory_space<hbm>>
      %dma_wait3A_566 = arith.constant 14336 : i32
      %dma_wait3A_567 = tpu.memref_slice %arg7[%dma_wait3A_566] : memref<16384xf32, #tpu.memory_space<vmem>> -> memref<2048xf32, #tpu.memory_space<vmem>>
      %dma_wait3A_568 = tpu.memref_slice %arg2[%mul3A_562] : memref<8388608xf32, #tpu.memory_space<hbm>> -> memref<2048xf32, #tpu.memory_space<hbm>>
      tpu.wait_dma2 semaphore(%arg16 : memref<!tpu.dma_semaphore, #tpu.memory_space<semaphore_mem>>) src(%dma_wait3A_568 : memref<2048xf32, #tpu.memory_space<hbm>>) dst(%dma_wait3A_567 : memref<2048xf32, #tpu.memory_space<vmem>>)
      %dma_wait3A_569 = arith.constant 14336 : i32
      %dma_wait3A_570 = tpu.memref_slice %arg9[%dma_wait3A_569] : memref<16384xf32, #tpu.memory_space<vmem>> -> memref<2048xf32, #tpu.memory_space<vmem>>
      %dma_wait3A_571 = tpu.memref_slice %arg3[%mul3A_562] : memref<8388608xf32, #tpu.memory_space<hbm>> -> memref<2048xf32, #tpu.memory_space<hbm>>
      %dma_wait3A_572 = arith.constant 14336 : i32
      %dma_wait3A_573 = tpu.memref_slice %arg9[%dma_wait3A_572] : memref<16384xf32, #tpu.memory_space<vmem>> -> memref<2048xf32, #tpu.memory_space<vmem>>
      %dma_wait3A_574 = tpu.memref_slice %arg3[%mul3A_562] : memref<8388608xf32, #tpu.memory_space<hbm>> -> memref<2048xf32, #tpu.memory_space<hbm>>
      tpu.wait_dma2 semaphore(%arg16 : memref<!tpu.dma_semaphore, #tpu.memory_space<semaphore_mem>>) src(%dma_wait3A_574 : memref<2048xf32, #tpu.memory_space<hbm>>) dst(%dma_wait3A_573 : memref<2048xf32, #tpu.memory_space<vmem>>)
      %gt3A = arith.constant 0 : i32
      %gt3A_575 = arith.cmpi sgt, %scan3A_228, %gt3A : i32
      %convert_element_type3A = arith.extui %gt3A_575 : i1 to i32
      %cond3A = arith.constant 0 : i32
      %cond3A_576 = arith.cmpi ne, %convert_element_type3A, %cond3A : i32
      scf.if %cond3A_576 {
        %sub3A_787 = arith.constant 2 : i32
        %sub3A_788 = arith.subi %mul3A_230, %sub3A_787 : i32
        %mul3A_789 = arith.constant 256 : i32
        %mul3A_790 = arith.muli %select_n3A, %mul3A_789 : i32
        %add3A_791 = arith.addi %mul3A_790, %mul3A_32 : i32
        %mul3A_792 = arith.constant 8 : i32
        %mul3A_793 = arith.muli %sub3A_788, %mul3A_792 : i32
        %add3A_794 = arith.addi %add3A_791, %mul3A_793 : i32
        %mul3A_795 = arith.constant 1024 : i32
        %mul3A_796 = arith.muli %add3A_794, %mul3A_795 : i32
        %dma_wait3A_797 = tpu.memref_slice %arg5[%mul3A_796] : memref<4194304xi32, #tpu.memory_space<hbm>> -> memref<8192xi32, #tpu.memory_space<hbm>>
        %dma_wait3A_798 = tpu.memref_slice %arg5[%mul3A_796] : memref<4194304xi32, #tpu.memory_space<hbm>> -> memref<8192xi32, #tpu.memory_space<hbm>>
        tpu.wait_dma2 semaphore(%arg18 : memref<!tpu.dma_semaphore, #tpu.memory_space<semaphore_mem>>) src(%arg11 : memref<8192xi32, #tpu.memory_space<vmem>>) dst(%dma_wait3A_798 : memref<8192xi32, #tpu.memory_space<hbm>>)
        %dma_wait3A_799 = tpu.memref_slice %arg6[%mul3A_796] : memref<4194304xf32, #tpu.memory_space<hbm>> -> memref<8192xf32, #tpu.memory_space<hbm>>
        %dma_wait3A_800 = tpu.memref_slice %arg6[%mul3A_796] : memref<4194304xf32, #tpu.memory_space<hbm>> -> memref<8192xf32, #tpu.memory_space<hbm>>
        tpu.wait_dma2 semaphore(%arg18 : memref<!tpu.dma_semaphore, #tpu.memory_space<semaphore_mem>>) src(%arg13 : memref<8192xf32, #tpu.memory_space<vmem>>) dst(%dma_wait3A_800 : memref<8192xf32, #tpu.memory_space<hbm>>)
      } else {
      }
      %parallel_loop3A = arith.constant 0 : i32
      %parallel_loop3A_577 = arith.constant 512 : i32
      %parallel_loop3A_578 = arith.constant 1 : i32
      scf.for %parallel_loop3A_787 = %parallel_loop3A to %parallel_loop3A_577 step %parallel_loop3A_578  : i32 {
        %parallel_loop3A_788 = arith.constant 6 : i32
        %parallel_loop3A_789 = arith.shrsi %parallel_loop3A_787, %parallel_loop3A_788 : i32
        %parallel_loop3A_790 = arith.constant 3 : i32
        %parallel_loop3A_791 = arith.shrsi %parallel_loop3A_787, %parallel_loop3A_790 : i32
        %parallel_loop3A_792 = arith.constant 7 : i32
        %parallel_loop3A_793 = arith.andi %parallel_loop3A_791, %parallel_loop3A_792 : i32
        %parallel_loop3A_794 = arith.constant 7 : i32
        %parallel_loop3A_795 = arith.andi %parallel_loop3A_787, %parallel_loop3A_794 : i32
        %parallel_loop3A_796 = arith.constant 2048 : i32
        %parallel_loop3A_797 = arith.muli %parallel_loop3A_789, %parallel_loop3A_796 : i32
        %parallel_loop3A_798 = arith.constant 256 : i32
        %parallel_loop3A_799 = arith.muli %parallel_loop3A_793, %parallel_loop3A_798 : i32
        %parallel_loop3A_800 = arith.addi %parallel_loop3A_797, %parallel_loop3A_799 : i32
        %parallel_loop3A_801 = arith.constant 16 : i32
        %parallel_loop3A_802 = arith.muli %parallel_loop3A_795, %parallel_loop3A_801 : i32
        %parallel_loop3A_803 = arith.addi %parallel_loop3A_800, %parallel_loop3A_802 : i32
        %parallel_loop3A_804 = arith.constant 1024 : i32
        %parallel_loop3A_805 = arith.muli %parallel_loop3A_793, %parallel_loop3A_804 : i32
        %parallel_loop3A_806 = arith.constant 128 : i32
        %parallel_loop3A_807 = arith.muli %parallel_loop3A_789, %parallel_loop3A_806 : i32
        %parallel_loop3A_808 = arith.addi %parallel_loop3A_805, %parallel_loop3A_807 : i32
        %parallel_loop3A_809 = arith.constant 16 : i32
        %parallel_loop3A_810 = arith.muli %parallel_loop3A_795, %parallel_loop3A_809 : i32
        %parallel_loop3A_811 = arith.addi %parallel_loop3A_808, %parallel_loop3A_810 : i32
        %parallel_loop3A_812 = arith.index_cast %parallel_loop3A_803 : i32 to index
        %parallel_loop3A_813 = tpu.vector_load %arg7[%parallel_loop3A_812] {strides = array<i32>} : memref<16384xf32, #tpu.memory_space<vmem>>, vector<16xf32>,
        %parallel_loop3A_814 = arith.constant 128 : i32
        %parallel_loop3A_815 = arith.addi %parallel_loop3A_803, %parallel_loop3A_814 : i32
        %parallel_loop3A_816 = arith.index_cast %parallel_loop3A_815 : i32 to index
        %parallel_loop3A_817 = tpu.vector_load %arg7[%parallel_loop3A_816] {strides = array<i32>} : memref<16384xf32, #tpu.memory_space<vmem>>, vector<16xf32>,
        %parallel_loop3A_818 = arith.index_cast %parallel_loop3A_803 : i32 to index
        %parallel_loop3A_819 = tpu.vector_load %arg9[%parallel_loop3A_818] {strides = array<i32>} : memref<16384xf32, #tpu.memory_space<vmem>>, vector<16xf32>,
        %parallel_loop3A_820 = arith.constant 128 : i32
        %parallel_loop3A_821 = arith.addi %parallel_loop3A_803, %parallel_loop3A_820 : i32
        %parallel_loop3A_822 = arith.index_cast %parallel_loop3A_821 : i32 to index
        %parallel_loop3A_823 = tpu.vector_load %arg9[%parallel_loop3A_822] {strides = array<i32>} : memref<16384xf32, #tpu.memory_space<vmem>>, vector<16xf32>,
        %parallel_loop3A_824 = arith.subf %parallel_loop3A_817, %parallel_loop3A_813 : vector<16xf32>
        %parallel_loop3A_825 = math.exp %parallel_loop3A_824 : vector<16xf32>
        %parallel_loop3A_826 = tpu.bitcast %parallel_loop3A_823 : vector<16xf32> -> vector<16xi32>
        %parallel_loop3A_827 = arith.constant 23 : i32
        %parallel_loop3A_828 = vector.broadcast %parallel_loop3A_827 : i32 to vector<16xi32>
        %parallel_loop3A_829 = arith.shrsi %parallel_loop3A_826, %parallel_loop3A_828 : vector<16xi32>
        %parallel_loop3A_830 = arith.constant 127 : i32
        %parallel_loop3A_831 = vector.broadcast %parallel_loop3A_830 : i32 to vector<16xi32>
        %parallel_loop3A_832 = arith.subi %parallel_loop3A_829, %parallel_loop3A_831 : vector<16xi32>
        %parallel_loop3A_833 = arith.constant 16 : i32
        %parallel_loop3A_834 = vector.broadcast %parallel_loop3A_833 : i32 to vector<16xi32>
        %parallel_loop3A_835 = arith.shrsi %parallel_loop3A_826, %parallel_loop3A_834 : vector<16xi32>
        %parallel_loop3A_836 = arith.constant 127 : i32
        %parallel_loop3A_837 = vector.broadcast %parallel_loop3A_836 : i32 to vector<16xi32>
        %parallel_loop3A_838 = arith.andi %parallel_loop3A_835, %parallel_loop3A_837 : vector<16xi32>
        %parallel_loop3A_839 = arith.constant 8388607 : i32
        %parallel_loop3A_840 = vector.broadcast %parallel_loop3A_839 : i32 to vector<16xi32>
        %parallel_loop3A_841 = arith.andi %parallel_loop3A_826, %parallel_loop3A_840 : vector<16xi32>
        %parallel_loop3A_842 = arith.constant 1065353216 : i32
        %parallel_loop3A_843 = vector.broadcast %parallel_loop3A_842 : i32 to vector<16xi32>
        %parallel_loop3A_844 = arith.ori %parallel_loop3A_841, %parallel_loop3A_843 : vector<16xi32>
        %parallel_loop3A_845 = tpu.bitcast %parallel_loop3A_844 : vector<16xi32> -> vector<16xf32>
        %parallel_loop3A_846 = tpu.vector_load_idx %arg15[%parallel_loop3A_838] : memref<256xf32, #tpu.memory_space<vmem>>[vector<16xi32>], vector<16xf32>,
        %parallel_loop3A_847 = arith.constant 128 : i32
        %parallel_loop3A_848 = vector.broadcast %parallel_loop3A_847 : i32 to vector<16xi32>
        %parallel_loop3A_849 = arith.addi %parallel_loop3A_838, %parallel_loop3A_848 : vector<16xi32>
        %parallel_loop3A_850 = tpu.vector_load_idx %arg15[%parallel_loop3A_849] : memref<256xf32, #tpu.memory_space<vmem>>[vector<16xi32>], vector<16xf32>,
        %parallel_loop3A_851 = arith.mulf %parallel_loop3A_845, %parallel_loop3A_850 : vector<16xf32>
        %parallel_loop3A_852 = arith.constant 1.000000e+00 : f32
        %parallel_loop3A_853 = vector.broadcast %parallel_loop3A_852 : f32 to vector<16xf32>
        %parallel_loop3A_854 = arith.subf %parallel_loop3A_851, %parallel_loop3A_853 : vector<16xf32>
        %parallel_loop3A_855 = arith.sitofp %parallel_loop3A_832 : vector<16xi32> to vector<16xf32>
        %parallel_loop3A_856 = arith.addf %parallel_loop3A_855, %parallel_loop3A_846 : vector<16xf32>
        %parallel_loop3A_857 = arith.constant -0.72134751 : f32
        %parallel_loop3A_858 = vector.broadcast %parallel_loop3A_857 : f32 to vector<16xf32>
        %parallel_loop3A_859 = arith.mulf %parallel_loop3A_858, %parallel_loop3A_854 : vector<16xf32>
        %parallel_loop3A_860 = arith.constant 1.44269502 : f32
        %parallel_loop3A_861 = vector.broadcast %parallel_loop3A_860 : f32 to vector<16xf32>
        %parallel_loop3A_862 = arith.addf %parallel_loop3A_861, %parallel_loop3A_859 : vector<16xf32>
        %parallel_loop3A_863 = arith.mulf %parallel_loop3A_854, %parallel_loop3A_862 : vector<16xf32>
        %parallel_loop3A_864 = arith.addf %parallel_loop3A_856, %parallel_loop3A_863 : vector<16xf32>
        %parallel_loop3A_865 = tpu.bitcast %parallel_loop3A_819 : vector<16xf32> -> vector<16xi32>
        %parallel_loop3A_866 = arith.constant 23 : i32
        %parallel_loop3A_867 = vector.broadcast %parallel_loop3A_866 : i32 to vector<16xi32>
        %parallel_loop3A_868 = arith.shrsi %parallel_loop3A_865, %parallel_loop3A_867 : vector<16xi32>
        %parallel_loop3A_869 = arith.constant 127 : i32
        %parallel_loop3A_870 = vector.broadcast %parallel_loop3A_869 : i32 to vector<16xi32>
        %parallel_loop3A_871 = arith.subi %parallel_loop3A_868, %parallel_loop3A_870 : vector<16xi32>
        %parallel_loop3A_872 = arith.constant 16 : i32
        %parallel_loop3A_873 = vector.broadcast %parallel_loop3A_872 : i32 to vector<16xi32>
        %parallel_loop3A_874 = arith.shrsi %parallel_loop3A_865, %parallel_loop3A_873 : vector<16xi32>
        %parallel_loop3A_875 = arith.constant 127 : i32
        %parallel_loop3A_876 = vector.broadcast %parallel_loop3A_875 : i32 to vector<16xi32>
        %parallel_loop3A_877 = arith.andi %parallel_loop3A_874, %parallel_loop3A_876 : vector<16xi32>
        %parallel_loop3A_878 = arith.constant 8388607 : i32
        %parallel_loop3A_879 = vector.broadcast %parallel_loop3A_878 : i32 to vector<16xi32>
        %parallel_loop3A_880 = arith.andi %parallel_loop3A_865, %parallel_loop3A_879 : vector<16xi32>
        %parallel_loop3A_881 = arith.constant 1065353216 : i32
        %parallel_loop3A_882 = vector.broadcast %parallel_loop3A_881 : i32 to vector<16xi32>
        %parallel_loop3A_883 = arith.ori %parallel_loop3A_880, %parallel_loop3A_882 : vector<16xi32>
        %parallel_loop3A_884 = tpu.bitcast %parallel_loop3A_883 : vector<16xi32> -> vector<16xf32>
        %parallel_loop3A_885 = tpu.vector_load_idx %arg15[%parallel_loop3A_877] : memref<256xf32, #tpu.memory_space<vmem>>[vector<16xi32>], vector<16xf32>,
        %parallel_loop3A_886 = arith.constant 128 : i32
        %parallel_loop3A_887 = vector.broadcast %parallel_loop3A_886 : i32 to vector<16xi32>
        %parallel_loop3A_888 = arith.addi %parallel_loop3A_877, %parallel_loop3A_887 : vector<16xi32>
        %parallel_loop3A_889 = tpu.vector_load_idx %arg15[%parallel_loop3A_888] : memref<256xf32, #tpu.memory_space<vmem>>[vector<16xi32>], vector<16xf32>,
        %parallel_loop3A_890 = arith.mulf %parallel_loop3A_884, %parallel_loop3A_889 : vector<16xf32>
        %parallel_loop3A_891 = arith.constant 1.000000e+00 : f32
        %parallel_loop3A_892 = vector.broadcast %parallel_loop3A_891 : f32 to vector<16xf32>
        %parallel_loop3A_893 = arith.subf %parallel_loop3A_890, %parallel_loop3A_892 : vector<16xf32>
        %parallel_loop3A_894 = arith.sitofp %parallel_loop3A_871 : vector<16xi32> to vector<16xf32>
        %parallel_loop3A_895 = arith.addf %parallel_loop3A_894, %parallel_loop3A_885 : vector<16xf32>
        %parallel_loop3A_896 = arith.constant -0.72134751 : f32
        %parallel_loop3A_897 = vector.broadcast %parallel_loop3A_896 : f32 to vector<16xf32>
        %parallel_loop3A_898 = arith.mulf %parallel_loop3A_897, %parallel_loop3A_893 : vector<16xf32>
        %parallel_loop3A_899 = arith.constant 1.44269502 : f32
        %parallel_loop3A_900 = vector.broadcast %parallel_loop3A_899 : f32 to vector<16xf32>
        %parallel_loop3A_901 = arith.addf %parallel_loop3A_900, %parallel_loop3A_898 : vector<16xf32>
        %parallel_loop3A_902 = arith.mulf %parallel_loop3A_893, %parallel_loop3A_901 : vector<16xf32>
        %parallel_loop3A_903 = arith.addf %parallel_loop3A_895, %parallel_loop3A_902 : vector<16xf32>
        %parallel_loop3A_904 = arith.mulf %parallel_loop3A_903, %parallel_loop3A_825 : vector<16xf32>
        %parallel_loop3A_905 = arith.cmpf ogt, %parallel_loop3A_864, %parallel_loop3A_904 : vector<16xf32>
        %parallel_loop3A_906 = math.absf %parallel_loop3A_824 : vector<16xf32>
        %parallel_loop3A_907 = arith.constant 0.000000e+00 : f32
        %parallel_loop3A_908 = vector.broadcast %parallel_loop3A_907 : f32 to vector<16xf32>
        %parallel_loop3A_909 = arith.subf %parallel_loop3A_908, %parallel_loop3A_906 : vector<16xf32>
        %parallel_loop3A_910 = math.exp %parallel_loop3A_909 : vector<16xf32>
        %parallel_loop3A_911 = arith.constant 0.0301026255 : f32
        %parallel_loop3A_912 = vector.broadcast %parallel_loop3A_911 : f32 to vector<16xf32>
        %parallel_loop3A_913 = arith.mulf %parallel_loop3A_912, %parallel_loop3A_910 : vector<16xf32>
        %parallel_loop3A_914 = arith.constant -0.130119413 : f32
        %parallel_loop3A_915 = vector.broadcast %parallel_loop3A_914 : f32 to vector<16xf32>
        %parallel_loop3A_916 = arith.addf %parallel_loop3A_913, %parallel_loop3A_915 : vector<16xf32>
        %parallel_loop3A_917 = arith.mulf %parallel_loop3A_916, %parallel_loop3A_910 : vector<16xf32>
        %parallel_loop3A_918 = arith.constant 0.283304334 : f32
        %parallel_loop3A_919 = vector.broadcast %parallel_loop3A_918 : f32 to vector<16xf32>
        %parallel_loop3A_920 = arith.addf %parallel_loop3A_917, %parallel_loop3A_919 : vector<16xf32>
        %parallel_loop3A_921 = arith.mulf %parallel_loop3A_920, %parallel_loop3A_910 : vector<16xf32>
        %parallel_loop3A_922 = arith.constant -0.489156842 : f32
        %parallel_loop3A_923 = vector.broadcast %parallel_loop3A_922 : f32 to vector<16xf32>
        %parallel_loop3A_924 = arith.addf %parallel_loop3A_921, %parallel_loop3A_923 : vector<16xf32>
        %parallel_loop3A_925 = arith.mulf %parallel_loop3A_924, %parallel_loop3A_910 : vector<16xf32>
        %parallel_loop3A_926 = arith.constant 0.999010443 : f32
        %parallel_loop3A_927 = vector.broadcast %parallel_loop3A_926 : f32 to vector<16xf32>
        %parallel_loop3A_928 = arith.addf %parallel_loop3A_925, %parallel_loop3A_927 : vector<16xf32>
        %parallel_loop3A_929 = arith.mulf %parallel_loop3A_928, %parallel_loop3A_910 : vector<16xf32>
        %parallel_loop3A_930 = arith.constant 2.21170303E-5 : f32
        %parallel_loop3A_931 = vector.broadcast %parallel_loop3A_930 : f32 to vector<16xf32>
        %parallel_loop3A_932 = arith.addf %parallel_loop3A_929, %parallel_loop3A_931 : vector<16xf32>
        %parallel_loop3A_933 = arith.constant 0.000000e+00 : f32
        %parallel_loop3A_934 = vector.broadcast %parallel_loop3A_933 : f32 to vector<16xf32>
        %parallel_loop3A_935 = arith.subf %parallel_loop3A_934, %parallel_loop3A_824 : vector<16xf32>
        %parallel_loop3A_936 = arith.select %parallel_loop3A_905, %parallel_loop3A_824, %parallel_loop3A_935 : vector<16xi1>, vector<16xf32>
        %parallel_loop3A_937 = arith.constant 0.000000e+00 : f32
        %parallel_loop3A_938 = vector.broadcast %parallel_loop3A_937 : f32 to vector<16xf32>
        %parallel_loop3A_939 = arith.minimumf %parallel_loop3A_936, %parallel_loop3A_938 : vector<16xf32>
        %parallel_loop3A_940 = arith.subf %parallel_loop3A_939, %parallel_loop3A_932 : vector<16xf32>
        %parallel_loop3A_941 = arith.constant 1 : i32
        %parallel_loop3A_942 = arith.constant 0 : i32
        %parallel_loop3A_943 = vector.broadcast %parallel_loop3A_941 : i32 to vector<16xi32>
        %parallel_loop3A_944 = vector.broadcast %parallel_loop3A_942 : i32 to vector<16xi32>
        %parallel_loop3A_945 = arith.select %parallel_loop3A_905, %parallel_loop3A_943, %parallel_loop3A_944 : vector<16xi1>, vector<16xi32>
        %parallel_loop3A_946 = arith.index_cast %parallel_loop3A_811 : i32 to index
        %parallel_loop3A_947 = tpu.vector_load %arg11[%parallel_loop3A_946] {strides = array<i32>} : memref<8192xi32, #tpu.memory_space<vmem>>, vector<16xi32>,
        tpu.vector_store %arg11[%parallel_loop3A_946], %parallel_loop3A_945 {strides = array<i32>} : memref<8192xi32, #tpu.memory_space<vmem>>, vector<16xi32>,
        %parallel_loop3A_948 = arith.index_cast %parallel_loop3A_811 : i32 to index
        %parallel_loop3A_949 = tpu.vector_load %arg13[%parallel_loop3A_948] {strides = array<i32>} : memref<8192xf32, #tpu.memory_space<vmem>>, vector<16xf32>,
        tpu.vector_store %arg13[%parallel_loop3A_948], %parallel_loop3A_940 {strides = array<i32>} : memref<8192xf32, #tpu.memory_space<vmem>>, vector<16xf32>,
      } {sc.loop_unroll_factor = 4 : i64, sc.parallel_access}
      %mul3A_579 = arith.constant 256 : i32
      %mul3A_580 = arith.muli %select_n3A, %mul3A_579 : i32
      %add3A_581 = arith.addi %mul3A_580, %mul3A_32 : i32
      %mul3A_582 = arith.constant 8 : i32
      %mul3A_583 = arith.muli %mul3A_230, %mul3A_582 : i32
      %add3A_584 = arith.addi %add3A_581, %mul3A_583 : i32
      %mul3A_585 = arith.constant 1024 : i32
      %mul3A_586 = arith.muli %add3A_584, %mul3A_585 : i32
      %dma_start3A_587 = tpu.memref_slice %arg5[%mul3A_586] : memref<4194304xi32, #tpu.memory_space<hbm>> -> memref<8192xi32, #tpu.memory_space<hbm>>
      %dma_start3A_588 = tpu.memref_slice %arg5[%mul3A_586] : memref<4194304xi32, #tpu.memory_space<hbm>> -> memref<8192xi32, #tpu.memory_space<hbm>>
      tpu.enqueue_dma source(%arg11 : memref<8192xi32, #tpu.memory_space<vmem>>) target(%dma_start3A_588 : memref<8192xi32, #tpu.memory_space<hbm>>) target_semaphore(%arg18 : memref<!tpu.dma_semaphore, #tpu.memory_space<semaphore_mem>>)
      %dma_start3A_589 = tpu.memref_slice %arg6[%mul3A_586] : memref<4194304xf32, #tpu.memory_space<hbm>> -> memref<8192xf32, #tpu.memory_space<hbm>>
      %dma_start3A_590 = tpu.memref_slice %arg6[%mul3A_586] : memref<4194304xf32, #tpu.memory_space<hbm>> -> memref<8192xf32, #tpu.memory_space<hbm>>
      tpu.enqueue_dma source(%arg13 : memref<8192xf32, #tpu.memory_space<vmem>>) target(%dma_start3A_590 : memref<8192xf32, #tpu.memory_space<hbm>>) target_semaphore(%arg18 : memref<!tpu.dma_semaphore, #tpu.memory_space<semaphore_mem>>)
      %lt3A_591 = arith.constant 7 : i32
      %lt3A_592 = arith.cmpi slt, %scan3A_228, %lt3A_591 : i32
      %convert_element_type3A_593 = arith.extui %lt3A_592 : i1 to i32
      %cond3A_594 = arith.constant 0 : i32
      %cond3A_595 = arith.cmpi ne, %convert_element_type3A_593, %cond3A_594 : i32
      scf.if %cond3A_595 {
        %add3A_787 = arith.constant 2 : i32
        %add3A_788 = arith.addi %mul3A_230, %add3A_787 : i32
        %mul3A_789 = arith.constant 8 : i32
        %mul3A_790 = arith.muli %add3A_788, %mul3A_789 : i32
        %add3A_791 = arith.addi %mul3A_32, %mul3A_790 : i32
        %mul3A_792 = arith.constant 8 : i32
        %mul3A_793 = arith.muli %select_n3A, %mul3A_792 : i32
        %add3A_794 = arith.constant 0 : i32
        %add3A_795 = arith.addi %mul3A_793, %add3A_794 : i32
        %mul3A_796 = arith.constant 256 : i32
        %mul3A_797 = arith.muli %add3A_795, %mul3A_796 : i32
        %add3A_798 = arith.addi %mul3A_797, %add3A_791 : i32
        %mul3A_799 = arith.constant 256 : i32
        %mul3A_800 = arith.muli %add3A_798, %mul3A_799 : i32
        %dma_start3A_801 = arith.constant 0 : i32
        %dma_start3A_802 = tpu.memref_slice %arg7[%dma_start3A_801] : memref<16384xf32, #tpu.memory_space<vmem>> -> memref<2048xf32, #tpu.memory_space<vmem>>
        %dma_start3A_803 = tpu.memref_slice %arg2[%mul3A_800] : memref<8388608xf32, #tpu.memory_space<hbm>> -> memref<2048xf32, #tpu.memory_space<hbm>>
        %dma_start3A_804 = arith.constant 0 : i32
        %dma_start3A_805 = tpu.memref_slice %arg7[%dma_start3A_804] : memref<16384xf32, #tpu.memory_space<vmem>> -> memref<2048xf32, #tpu.memory_space<vmem>>
        %dma_start3A_806 = tpu.memref_slice %arg2[%mul3A_800] : memref<8388608xf32, #tpu.memory_space<hbm>> -> memref<2048xf32, #tpu.memory_space<hbm>>
        tpu.enqueue_dma source(%dma_start3A_806 : memref<2048xf32, #tpu.memory_space<hbm>>) target(%dma_start3A_805 : memref<2048xf32, #tpu.memory_space<vmem>>) target_semaphore(%arg16 : memref<!tpu.dma_semaphore, #tpu.memory_space<semaphore_mem>>)
        %dma_start3A_807 = arith.constant 0 : i32
        %dma_start3A_808 = tpu.memref_slice %arg9[%dma_start3A_807] : memref<16384xf32, #tpu.memory_space<vmem>> -> memref<2048xf32, #tpu.memory_space<vmem>>
        %dma_start3A_809 = tpu.memref_slice %arg3[%mul3A_800] : memref<8388608xf32, #tpu.memory_space<hbm>> -> memref<2048xf32, #tpu.memory_space<hbm>>
        %dma_start3A_810 = arith.constant 0 : i32
        %dma_start3A_811 = tpu.memref_slice %arg9[%dma_start3A_810] : memref<16384xf32, #tpu.memory_space<vmem>> -> memref<2048xf32, #tpu.memory_space<vmem>>
        %dma_start3A_812 = tpu.memref_slice %arg3[%mul3A_800] : memref<8388608xf32, #tpu.memory_space<hbm>> -> memref<2048xf32, #tpu.memory_space<hbm>>
        tpu.enqueue_dma source(%dma_start3A_812 : memref<2048xf32, #tpu.memory_space<hbm>>) target(%dma_start3A_811 : memref<2048xf32, #tpu.memory_space<vmem>>) target_semaphore(%arg16 : memref<!tpu.dma_semaphore, #tpu.memory_space<semaphore_mem>>)
        %mul3A_813 = arith.constant 8 : i32
        %mul3A_814 = arith.muli %select_n3A, %mul3A_813 : i32
        %add3A_815 = arith.constant 1 : i32
        %add3A_816 = arith.addi %mul3A_814, %add3A_815 : i32
        %mul3A_817 = arith.constant 256 : i32
        %mul3A_818 = arith.muli %add3A_816, %mul3A_817 : i32
        %add3A_819 = arith.addi %mul3A_818, %add3A_791 : i32
        %mul3A_820 = arith.constant 256 : i32
        %mul3A_821 = arith.muli %add3A_819, %mul3A_820 : i32
        %dma_start3A_822 = arith.constant 2048 : i32
        %dma_start3A_823 = tpu.memref_slice %arg7[%dma_start3A_822] : memref<16384xf32, #tpu.memory_space<vmem>> -> memref<2048xf32, #tpu.memory_space<vmem>>
        %dma_start3A_824 = tpu.memref_slice %arg2[%mul3A_821] : memref<8388608xf32, #tpu.memory_space<hbm>> -> memref<2048xf32, #tpu.memory_space<hbm>>
        %dma_start3A_825 = arith.constant 2048 : i32
        %dma_start3A_826 = tpu.memref_slice %arg7[%dma_start3A_825] : memref<16384xf32, #tpu.memory_space<vmem>> -> memref<2048xf32, #tpu.memory_space<vmem>>
        %dma_start3A_827 = tpu.memref_slice %arg2[%mul3A_821] : memref<8388608xf32, #tpu.memory_space<hbm>> -> memref<2048xf32, #tpu.memory_space<hbm>>
        tpu.enqueue_dma source(%dma_start3A_827 : memref<2048xf32, #tpu.memory_space<hbm>>) target(%dma_start3A_826 : memref<2048xf32, #tpu.memory_space<vmem>>) target_semaphore(%arg16 : memref<!tpu.dma_semaphore, #tpu.memory_space<semaphore_mem>>)
        %dma_start3A_828 = arith.constant 2048 : i32
        %dma_start3A_829 = tpu.memref_slice %arg9[%dma_start3A_828] : memref<16384xf32, #tpu.memory_space<vmem>> -> memref<2048xf32, #tpu.memory_space<vmem>>
        %dma_start3A_830 = tpu.memref_slice %arg3[%mul3A_821] : memref<8388608xf32, #tpu.memory_space<hbm>> -> memref<2048xf32, #tpu.memory_space<hbm>>
        %dma_start3A_831 = arith.constant 2048 : i32
        %dma_start3A_832 = tpu.memref_slice %arg9[%dma_start3A_831] : memref<16384xf32, #tpu.memory_space<vmem>> -> memref<2048xf32, #tpu.memory_space<vmem>>
        %dma_start3A_833 = tpu.memref_slice %arg3[%mul3A_821] : memref<8388608xf32, #tpu.memory_space<hbm>> -> memref<2048xf32, #tpu.memory_space<hbm>>
        tpu.enqueue_dma source(%dma_start3A_833 : memref<2048xf32, #tpu.memory_space<hbm>>) target(%dma_start3A_832 : memref<2048xf32, #tpu.memory_space<vmem>>) target_semaphore(%arg16 : memref<!tpu.dma_semaphore, #tpu.memory_space<semaphore_mem>>)
        %mul3A_834 = arith.constant 8 : i32
        %mul3A_835 = arith.muli %select_n3A, %mul3A_834 : i32
        %add3A_836 = arith.constant 2 : i32
        %add3A_837 = arith.addi %mul3A_835, %add3A_836 : i32
        %mul3A_838 = arith.constant 256 : i32
        %mul3A_839 = arith.muli %add3A_837, %mul3A_838 : i32
        %add3A_840 = arith.addi %mul3A_839, %add3A_791 : i32
        %mul3A_841 = arith.constant 256 : i32
        %mul3A_842 = arith.muli %add3A_840, %mul3A_841 : i32
        %dma_start3A_843 = arith.constant 4096 : i32
        %dma_start3A_844 = tpu.memref_slice %arg7[%dma_start3A_843] : memref<16384xf32, #tpu.memory_space<vmem>> -> memref<2048xf32, #tpu.memory_space<vmem>>
        %dma_start3A_845 = tpu.memref_slice %arg2[%mul3A_842] : memref<8388608xf32, #tpu.memory_space<hbm>> -> memref<2048xf32, #tpu.memory_space<hbm>>
        %dma_start3A_846 = arith.constant 4096 : i32
        %dma_start3A_847 = tpu.memref_slice %arg7[%dma_start3A_846] : memref<16384xf32, #tpu.memory_space<vmem>> -> memref<2048xf32, #tpu.memory_space<vmem>>
        %dma_start3A_848 = tpu.memref_slice %arg2[%mul3A_842] : memref<8388608xf32, #tpu.memory_space<hbm>> -> memref<2048xf32, #tpu.memory_space<hbm>>
        tpu.enqueue_dma source(%dma_start3A_848 : memref<2048xf32, #tpu.memory_space<hbm>>) target(%dma_start3A_847 : memref<2048xf32, #tpu.memory_space<vmem>>) target_semaphore(%arg16 : memref<!tpu.dma_semaphore, #tpu.memory_space<semaphore_mem>>)
        %dma_start3A_849 = arith.constant 4096 : i32
        %dma_start3A_850 = tpu.memref_slice %arg9[%dma_start3A_849] : memref<16384xf32, #tpu.memory_space<vmem>> -> memref<2048xf32, #tpu.memory_space<vmem>>
        %dma_start3A_851 = tpu.memref_slice %arg3[%mul3A_842] : memref<8388608xf32, #tpu.memory_space<hbm>> -> memref<2048xf32, #tpu.memory_space<hbm>>
        %dma_start3A_852 = arith.constant 4096 : i32
        %dma_start3A_853 = tpu.memref_slice %arg9[%dma_start3A_852] : memref<16384xf32, #tpu.memory_space<vmem>> -> memref<2048xf32, #tpu.memory_space<vmem>>
        %dma_start3A_854 = tpu.memref_slice %arg3[%mul3A_842] : memref<8388608xf32, #tpu.memory_space<hbm>> -> memref<2048xf32, #tpu.memory_space<hbm>>
        tpu.enqueue_dma source(%dma_start3A_854 : memref<2048xf32, #tpu.memory_space<hbm>>) target(%dma_start3A_853 : memref<2048xf32, #tpu.memory_space<vmem>>) target_semaphore(%arg16 : memref<!tpu.dma_semaphore, #tpu.memory_space<semaphore_mem>>)
        %mul3A_855 = arith.constant 8 : i32
        %mul3A_856 = arith.muli %select_n3A, %mul3A_855 : i32
        %add3A_857 = arith.constant 3 : i32
        %add3A_858 = arith.addi %mul3A_856, %add3A_857 : i32
        %mul3A_859 = arith.constant 256 : i32
        %mul3A_860 = arith.muli %add3A_858, %mul3A_859 : i32
        %add3A_861 = arith.addi %mul3A_860, %add3A_791 : i32
        %mul3A_862 = arith.constant 256 : i32
        %mul3A_863 = arith.muli %add3A_861, %mul3A_862 : i32
        %dma_start3A_864 = arith.constant 6144 : i32
        %dma_start3A_865 = tpu.memref_slice %arg7[%dma_start3A_864] : memref<16384xf32, #tpu.memory_space<vmem>> -> memref<2048xf32, #tpu.memory_space<vmem>>
        %dma_start3A_866 = tpu.memref_slice %arg2[%mul3A_863] : memref<8388608xf32, #tpu.memory_space<hbm>> -> memref<2048xf32, #tpu.memory_space<hbm>>
        %dma_start3A_867 = arith.constant 6144 : i32
        %dma_start3A_868 = tpu.memref_slice %arg7[%dma_start3A_867] : memref<16384xf32, #tpu.memory_space<vmem>> -> memref<2048xf32, #tpu.memory_space<vmem>>
        %dma_start3A_869 = tpu.memref_slice %arg2[%mul3A_863] : memref<8388608xf32, #tpu.memory_space<hbm>> -> memref<2048xf32, #tpu.memory_space<hbm>>
        tpu.enqueue_dma source(%dma_start3A_869 : memref<2048xf32, #tpu.memory_space<hbm>>) target(%dma_start3A_868 : memref<2048xf32, #tpu.memory_space<vmem>>) target_semaphore(%arg16 : memref<!tpu.dma_semaphore, #tpu.memory_space<semaphore_mem>>)
        %dma_start3A_870 = arith.constant 6144 : i32
        %dma_start3A_871 = tpu.memref_slice %arg9[%dma_start3A_870] : memref<16384xf32, #tpu.memory_space<vmem>> -> memref<2048xf32, #tpu.memory_space<vmem>>
        %dma_start3A_872 = tpu.memref_slice %arg3[%mul3A_863] : memref<8388608xf32, #tpu.memory_space<hbm>> -> memref<2048xf32, #tpu.memory_space<hbm>>
        %dma_start3A_873 = arith.constant 6144 : i32
        %dma_start3A_874 = tpu.memref_slice %arg9[%dma_start3A_873] : memref<16384xf32, #tpu.memory_space<vmem>> -> memref<2048xf32, #tpu.memory_space<vmem>>
        %dma_start3A_875 = tpu.memref_slice %arg3[%mul3A_863] : memref<8388608xf32, #tpu.memory_space<hbm>> -> memref<2048xf32, #tpu.memory_space<hbm>>
        tpu.enqueue_dma source(%dma_start3A_875 : memref<2048xf32, #tpu.memory_space<hbm>>) target(%dma_start3A_874 : memref<2048xf32, #tpu.memory_space<vmem>>) target_semaphore(%arg16 : memref<!tpu.dma_semaphore, #tpu.memory_space<semaphore_mem>>)
        %mul3A_876 = arith.constant 8 : i32
        %mul3A_877 = arith.muli %select_n3A, %mul3A_876 : i32
        %add3A_878 = arith.constant 4 : i32
        %add3A_879 = arith.addi %mul3A_877, %add3A_878 : i32
        %mul3A_880 = arith.constant 256 : i32
        %mul3A_881 = arith.muli %add3A_879, %mul3A_880 : i32
        %add3A_882 = arith.addi %mul3A_881, %add3A_791 : i32
        %mul3A_883 = arith.constant 256 : i32
        %mul3A_884 = arith.muli %add3A_882, %mul3A_883 : i32
        %dma_start3A_885 = arith.constant 8192 : i32
        %dma_start3A_886 = tpu.memref_slice %arg7[%dma_start3A_885] : memref<16384xf32, #tpu.memory_space<vmem>> -> memref<2048xf32, #tpu.memory_space<vmem>>
        %dma_start3A_887 = tpu.memref_slice %arg2[%mul3A_884] : memref<8388608xf32, #tpu.memory_space<hbm>> -> memref<2048xf32, #tpu.memory_space<hbm>>
        %dma_start3A_888 = arith.constant 8192 : i32
        %dma_start3A_889 = tpu.memref_slice %arg7[%dma_start3A_888] : memref<16384xf32, #tpu.memory_space<vmem>> -> memref<2048xf32, #tpu.memory_space<vmem>>
        %dma_start3A_890 = tpu.memref_slice %arg2[%mul3A_884] : memref<8388608xf32, #tpu.memory_space<hbm>> -> memref<2048xf32, #tpu.memory_space<hbm>>
        tpu.enqueue_dma source(%dma_start3A_890 : memref<2048xf32, #tpu.memory_space<hbm>>) target(%dma_start3A_889 : memref<2048xf32, #tpu.memory_space<vmem>>) target_semaphore(%arg16 : memref<!tpu.dma_semaphore, #tpu.memory_space<semaphore_mem>>)
        %dma_start3A_891 = arith.constant 8192 : i32
        %dma_start3A_892 = tpu.memref_slice %arg9[%dma_start3A_891] : memref<16384xf32, #tpu.memory_space<vmem>> -> memref<2048xf32, #tpu.memory_space<vmem>>
        %dma_start3A_893 = tpu.memref_slice %arg3[%mul3A_884] : memref<8388608xf32, #tpu.memory_space<hbm>> -> memref<2048xf32, #tpu.memory_space<hbm>>
        %dma_start3A_894 = arith.constant 8192 : i32
        %dma_start3A_895 = tpu.memref_slice %arg9[%dma_start3A_894] : memref<16384xf32, #tpu.memory_space<vmem>> -> memref<2048xf32, #tpu.memory_space<vmem>>
        %dma_start3A_896 = tpu.memref_slice %arg3[%mul3A_884] : memref<8388608xf32, #tpu.memory_space<hbm>> -> memref<2048xf32, #tpu.memory_space<hbm>>
        tpu.enqueue_dma source(%dma_start3A_896 : memref<2048xf32, #tpu.memory_space<hbm>>) target(%dma_start3A_895 : memref<2048xf32, #tpu.memory_space<vmem>>) target_semaphore(%arg16 : memref<!tpu.dma_semaphore, #tpu.memory_space<semaphore_mem>>)
        %mul3A_897 = arith.constant 8 : i32
        %mul3A_898 = arith.muli %select_n3A, %mul3A_897 : i32
        %add3A_899 = arith.constant 5 : i32
        %add3A_900 = arith.addi %mul3A_898, %add3A_899 : i32
        %mul3A_901 = arith.constant 256 : i32
        %mul3A_902 = arith.muli %add3A_900, %mul3A_901 : i32
        %add3A_903 = arith.addi %mul3A_902, %add3A_791 : i32
        %mul3A_904 = arith.constant 256 : i32
        %mul3A_905 = arith.muli %add3A_903, %mul3A_904 : i32
        %dma_start3A_906 = arith.constant 10240 : i32
        %dma_start3A_907 = tpu.memref_slice %arg7[%dma_start3A_906] : memref<16384xf32, #tpu.memory_space<vmem>> -> memref<2048xf32, #tpu.memory_space<vmem>>
        %dma_start3A_908 = tpu.memref_slice %arg2[%mul3A_905] : memref<8388608xf32, #tpu.memory_space<hbm>> -> memref<2048xf32, #tpu.memory_space<hbm>>
        %dma_start3A_909 = arith.constant 10240 : i32
        %dma_start3A_910 = tpu.memref_slice %arg7[%dma_start3A_909] : memref<16384xf32, #tpu.memory_space<vmem>> -> memref<2048xf32, #tpu.memory_space<vmem>>
        %dma_start3A_911 = tpu.memref_slice %arg2[%mul3A_905] : memref<8388608xf32, #tpu.memory_space<hbm>> -> memref<2048xf32, #tpu.memory_space<hbm>>
        tpu.enqueue_dma source(%dma_start3A_911 : memref<2048xf32, #tpu.memory_space<hbm>>) target(%dma_start3A_910 : memref<2048xf32, #tpu.memory_space<vmem>>) target_semaphore(%arg16 : memref<!tpu.dma_semaphore, #tpu.memory_space<semaphore_mem>>)
        %dma_start3A_912 = arith.constant 10240 : i32
        %dma_start3A_913 = tpu.memref_slice %arg9[%dma_start3A_912] : memref<16384xf32, #tpu.memory_space<vmem>> -> memref<2048xf32, #tpu.memory_space<vmem>>
        %dma_start3A_914 = tpu.memref_slice %arg3[%mul3A_905] : memref<8388608xf32, #tpu.memory_space<hbm>> -> memref<2048xf32, #tpu.memory_space<hbm>>
        %dma_start3A_915 = arith.constant 10240 : i32
        %dma_start3A_916 = tpu.memref_slice %arg9[%dma_start3A_915] : memref<16384xf32, #tpu.memory_space<vmem>> -> memref<2048xf32, #tpu.memory_space<vmem>>
        %dma_start3A_917 = tpu.memref_slice %arg3[%mul3A_905] : memref<8388608xf32, #tpu.memory_space<hbm>> -> memref<2048xf32, #tpu.memory_space<hbm>>
        tpu.enqueue_dma source(%dma_start3A_917 : memref<2048xf32, #tpu.memory_space<hbm>>) target(%dma_start3A_916 : memref<2048xf32, #tpu.memory_space<vmem>>) target_semaphore(%arg16 : memref<!tpu.dma_semaphore, #tpu.memory_space<semaphore_mem>>)
        %mul3A_918 = arith.constant 8 : i32
        %mul3A_919 = arith.muli %select_n3A, %mul3A_918 : i32
        %add3A_920 = arith.constant 6 : i32
        %add3A_921 = arith.addi %mul3A_919, %add3A_920 : i32
        %mul3A_922 = arith.constant 256 : i32
        %mul3A_923 = arith.muli %add3A_921, %mul3A_922 : i32
        %add3A_924 = arith.addi %mul3A_923, %add3A_791 : i32
        %mul3A_925 = arith.constant 256 : i32
        %mul3A_926 = arith.muli %add3A_924, %mul3A_925 : i32
        %dma_start3A_927 = arith.constant 12288 : i32
        %dma_start3A_928 = tpu.memref_slice %arg7[%dma_start3A_927] : memref<16384xf32, #tpu.memory_space<vmem>> -> memref<2048xf32, #tpu.memory_space<vmem>>
        %dma_start3A_929 = tpu.memref_slice %arg2[%mul3A_926] : memref<8388608xf32, #tpu.memory_space<hbm>> -> memref<2048xf32, #tpu.memory_space<hbm>>
        %dma_start3A_930 = arith.constant 12288 : i32
        %dma_start3A_931 = tpu.memref_slice %arg7[%dma_start3A_930] : memref<16384xf32, #tpu.memory_space<vmem>> -> memref<2048xf32, #tpu.memory_space<vmem>>
        %dma_start3A_932 = tpu.memref_slice %arg2[%mul3A_926] : memref<8388608xf32, #tpu.memory_space<hbm>> -> memref<2048xf32, #tpu.memory_space<hbm>>
        tpu.enqueue_dma source(%dma_start3A_932 : memref<2048xf32, #tpu.memory_space<hbm>>) target(%dma_start3A_931 : memref<2048xf32, #tpu.memory_space<vmem>>) target_semaphore(%arg16 : memref<!tpu.dma_semaphore, #tpu.memory_space<semaphore_mem>>)
        %dma_start3A_933 = arith.constant 12288 : i32
        %dma_start3A_934 = tpu.memref_slice %arg9[%dma_start3A_933] : memref<16384xf32, #tpu.memory_space<vmem>> -> memref<2048xf32, #tpu.memory_space<vmem>>
        %dma_start3A_935 = tpu.memref_slice %arg3[%mul3A_926] : memref<8388608xf32, #tpu.memory_space<hbm>> -> memref<2048xf32, #tpu.memory_space<hbm>>
        %dma_start3A_936 = arith.constant 12288 : i32
        %dma_start3A_937 = tpu.memref_slice %arg9[%dma_start3A_936] : memref<16384xf32, #tpu.memory_space<vmem>> -> memref<2048xf32, #tpu.memory_space<vmem>>
        %dma_start3A_938 = tpu.memref_slice %arg3[%mul3A_926] : memref<8388608xf32, #tpu.memory_space<hbm>> -> memref<2048xf32, #tpu.memory_space<hbm>>
        tpu.enqueue_dma source(%dma_start3A_938 : memref<2048xf32, #tpu.memory_space<hbm>>) target(%dma_start3A_937 : memref<2048xf32, #tpu.memory_space<vmem>>) target_semaphore(%arg16 : memref<!tpu.dma_semaphore, #tpu.memory_space<semaphore_mem>>)
        %mul3A_939 = arith.constant 8 : i32
        %mul3A_940 = arith.muli %select_n3A, %mul3A_939 : i32
        %add3A_941 = arith.constant 7 : i32
        %add3A_942 = arith.addi %mul3A_940, %add3A_941 : i32
        %mul3A_943 = arith.constant 256 : i32
        %mul3A_944 = arith.muli %add3A_942, %mul3A_943 : i32
        %add3A_945 = arith.addi %mul3A_944, %add3A_791 : i32
        %mul3A_946 = arith.constant 256 : i32
        %mul3A_947 = arith.muli %add3A_945, %mul3A_946 : i32
        %dma_start3A_948 = arith.constant 14336 : i32
        %dma_start3A_949 = tpu.memref_slice %arg7[%dma_start3A_948] : memref<16384xf32, #tpu.memory_space<vmem>> -> memref<2048xf32, #tpu.memory_space<vmem>>
        %dma_start3A_950 = tpu.memref_slice %arg2[%mul3A_947] : memref<8388608xf32, #tpu.memory_space<hbm>> -> memref<2048xf32, #tpu.memory_space<hbm>>
        %dma_start3A_951 = arith.constant 14336 : i32
        %dma_start3A_952 = tpu.memref_slice %arg7[%dma_start3A_951] : memref<16384xf32, #tpu.memory_space<vmem>> -> memref<2048xf32, #tpu.memory_space<vmem>>
        %dma_start3A_953 = tpu.memref_slice %arg2[%mul3A_947] : memref<8388608xf32, #tpu.memory_space<hbm>> -> memref<2048xf32, #tpu.memory_space<hbm>>
        tpu.enqueue_dma source(%dma_start3A_953 : memref<2048xf32, #tpu.memory_space<hbm>>) target(%dma_start3A_952 : memref<2048xf32, #tpu.memory_space<vmem>>) target_semaphore(%arg16 : memref<!tpu.dma_semaphore, #tpu.memory_space<semaphore_mem>>)
        %dma_start3A_954 = arith.constant 14336 : i32
        %dma_start3A_955 = tpu.memref_slice %arg9[%dma_start3A_954] : memref<16384xf32, #tpu.memory_space<vmem>> -> memref<2048xf32, #tpu.memory_space<vmem>>
        %dma_start3A_956 = tpu.memref_slice %arg3[%mul3A_947] : memref<8388608xf32, #tpu.memory_space<hbm>> -> memref<2048xf32, #tpu.memory_space<hbm>>
        %dma_start3A_957 = arith.constant 14336 : i32
        %dma_start3A_958 = tpu.memref_slice %arg9[%dma_start3A_957] : memref<16384xf32, #tpu.memory_space<vmem>> -> memref<2048xf32, #tpu.memory_space<vmem>>
        %dma_start3A_959 = tpu.memref_slice %arg3[%mul3A_947] : memref<8388608xf32, #tpu.memory_space<hbm>> -> memref<2048xf32, #tpu.memory_space<hbm>>
        tpu.enqueue_dma source(%dma_start3A_959 : memref<2048xf32, #tpu.memory_space<hbm>>) target(%dma_start3A_958 : memref<2048xf32, #tpu.memory_space<vmem>>) target_semaphore(%arg16 : memref<!tpu.dma_semaphore, #tpu.memory_space<semaphore_mem>>)
      } else {
      }
      %mul3A_596 = arith.constant 8 : i32
      %mul3A_597 = arith.muli %add3A_232, %mul3A_596 : i32
      %add3A_598 = arith.addi %mul3A_32, %mul3A_597 : i32
      %mul3A_599 = arith.constant 8 : i32
      %mul3A_600 = arith.muli %select_n3A, %mul3A_599 : i32
      %add3A_601 = arith.constant 0 : i32
      %add3A_602 = arith.addi %mul3A_600, %add3A_601 : i32
      %mul3A_603 = arith.constant 256 : i32
      %mul3A_604 = arith.muli %add3A_602, %mul3A_603 : i32
      %add3A_605 = arith.addi %mul3A_604, %add3A_598 : i32
      %mul3A_606 = arith.constant 256 : i32
      %mul3A_607 = arith.muli %add3A_605, %mul3A_606 : i32
      %dma_wait3A_608 = arith.constant 0 : i32
      %dma_wait3A_609 = tpu.memref_slice %arg8[%dma_wait3A_608] : memref<16384xf32, #tpu.memory_space<vmem>> -> memref<2048xf32, #tpu.memory_space<vmem>>
      %dma_wait3A_610 = tpu.memref_slice %arg2[%mul3A_607] : memref<8388608xf32, #tpu.memory_space<hbm>> -> memref<2048xf32, #tpu.memory_space<hbm>>
      %dma_wait3A_611 = arith.constant 0 : i32
      %dma_wait3A_612 = tpu.memref_slice %arg8[%dma_wait3A_611] : memref<16384xf32, #tpu.memory_space<vmem>> -> memref<2048xf32, #tpu.memory_space<vmem>>
      %dma_wait3A_613 = tpu.memref_slice %arg2[%mul3A_607] : memref<8388608xf32, #tpu.memory_space<hbm>> -> memref<2048xf32, #tpu.memory_space<hbm>>
      tpu.wait_dma2 semaphore(%arg17 : memref<!tpu.dma_semaphore, #tpu.memory_space<semaphore_mem>>) src(%dma_wait3A_613 : memref<2048xf32, #tpu.memory_space<hbm>>) dst(%dma_wait3A_612 : memref<2048xf32, #tpu.memory_space<vmem>>)
      %dma_wait3A_614 = arith.constant 0 : i32
      %dma_wait3A_615 = tpu.memref_slice %arg10[%dma_wait3A_614] : memref<16384xf32, #tpu.memory_space<vmem>> -> memref<2048xf32, #tpu.memory_space<vmem>>
      %dma_wait3A_616 = tpu.memref_slice %arg3[%mul3A_607] : memref<8388608xf32, #tpu.memory_space<hbm>> -> memref<2048xf32, #tpu.memory_space<hbm>>
      %dma_wait3A_617 = arith.constant 0 : i32
      %dma_wait3A_618 = tpu.memref_slice %arg10[%dma_wait3A_617] : memref<16384xf32, #tpu.memory_space<vmem>> -> memref<2048xf32, #tpu.memory_space<vmem>>
      %dma_wait3A_619 = tpu.memref_slice %arg3[%mul3A_607] : memref<8388608xf32, #tpu.memory_space<hbm>> -> memref<2048xf32, #tpu.memory_space<hbm>>
      tpu.wait_dma2 semaphore(%arg17 : memref<!tpu.dma_semaphore, #tpu.memory_space<semaphore_mem>>) src(%dma_wait3A_619 : memref<2048xf32, #tpu.memory_space<hbm>>) dst(%dma_wait3A_618 : memref<2048xf32, #tpu.memory_space<vmem>>)
      %mul3A_620 = arith.constant 8 : i32
      %mul3A_621 = arith.muli %select_n3A, %mul3A_620 : i32
      %add3A_622 = arith.constant 1 : i32
      %add3A_623 = arith.addi %mul3A_621, %add3A_622 : i32
      %mul3A_624 = arith.constant 256 : i32
      %mul3A_625 = arith.muli %add3A_623, %mul3A_624 : i32
      %add3A_626 = arith.addi %mul3A_625, %add3A_598 : i32
      %mul3A_627 = arith.constant 256 : i32
      %mul3A_628 = arith.muli %add3A_626, %mul3A_627 : i32
      %dma_wait3A_629 = arith.constant 2048 : i32
      %dma_wait3A_630 = tpu.memref_slice %arg8[%dma_wait3A_629] : memref<16384xf32, #tpu.memory_space<vmem>> -> memref<2048xf32, #tpu.memory_space<vmem>>
      %dma_wait3A_631 = tpu.memref_slice %arg2[%mul3A_628] : memref<8388608xf32, #tpu.memory_space<hbm>> -> memref<2048xf32, #tpu.memory_space<hbm>>
      %dma_wait3A_632 = arith.constant 2048 : i32
      %dma_wait3A_633 = tpu.memref_slice %arg8[%dma_wait3A_632] : memref<16384xf32, #tpu.memory_space<vmem>> -> memref<2048xf32, #tpu.memory_space<vmem>>
      %dma_wait3A_634 = tpu.memref_slice %arg2[%mul3A_628] : memref<8388608xf32, #tpu.memory_space<hbm>> -> memref<2048xf32, #tpu.memory_space<hbm>>
      tpu.wait_dma2 semaphore(%arg17 : memref<!tpu.dma_semaphore, #tpu.memory_space<semaphore_mem>>) src(%dma_wait3A_634 : memref<2048xf32, #tpu.memory_space<hbm>>) dst(%dma_wait3A_633 : memref<2048xf32, #tpu.memory_space<vmem>>)
      %dma_wait3A_635 = arith.constant 2048 : i32
      %dma_wait3A_636 = tpu.memref_slice %arg10[%dma_wait3A_635] : memref<16384xf32, #tpu.memory_space<vmem>> -> memref<2048xf32, #tpu.memory_space<vmem>>
      %dma_wait3A_637 = tpu.memref_slice %arg3[%mul3A_628] : memref<8388608xf32, #tpu.memory_space<hbm>> -> memref<2048xf32, #tpu.memory_space<hbm>>
      %dma_wait3A_638 = arith.constant 2048 : i32
      %dma_wait3A_639 = tpu.memref_slice %arg10[%dma_wait3A_638] : memref<16384xf32, #tpu.memory_space<vmem>> -> memref<2048xf32, #tpu.memory_space<vmem>>
      %dma_wait3A_640 = tpu.memref_slice %arg3[%mul3A_628] : memref<8388608xf32, #tpu.memory_space<hbm>> -> memref<2048xf32, #tpu.memory_space<hbm>>
      tpu.wait_dma2 semaphore(%arg17 : memref<!tpu.dma_semaphore, #tpu.memory_space<semaphore_mem>>) src(%dma_wait3A_640 : memref<2048xf32, #tpu.memory_space<hbm>>) dst(%dma_wait3A_639 : memref<2048xf32, #tpu.memory_space<vmem>>)
      %mul3A_641 = arith.constant 8 : i32
      %mul3A_642 = arith.muli %select_n3A, %mul3A_641 : i32
      %add3A_643 = arith.constant 2 : i32
      %add3A_644 = arith.addi %mul3A_642, %add3A_643 : i32
      %mul3A_645 = arith.constant 256 : i32
      %mul3A_646 = arith.muli %add3A_644, %mul3A_645 : i32
      %add3A_647 = arith.addi %mul3A_646, %add3A_598 : i32
      %mul3A_648 = arith.constant 256 : i32
      %mul3A_649 = arith.muli %add3A_647, %mul3A_648 : i32
      %dma_wait3A_650 = arith.constant 4096 : i32
      %dma_wait3A_651 = tpu.memref_slice %arg8[%dma_wait3A_650] : memref<16384xf32, #tpu.memory_space<vmem>> -> memref<2048xf32, #tpu.memory_space<vmem>>
      %dma_wait3A_652 = tpu.memref_slice %arg2[%mul3A_649] : memref<8388608xf32, #tpu.memory_space<hbm>> -> memref<2048xf32, #tpu.memory_space<hbm>>
      %dma_wait3A_653 = arith.constant 4096 : i32
      %dma_wait3A_654 = tpu.memref_slice %arg8[%dma_wait3A_653] : memref<16384xf32, #tpu.memory_space<vmem>> -> memref<2048xf32, #tpu.memory_space<vmem>>
      %dma_wait3A_655 = tpu.memref_slice %arg2[%mul3A_649] : memref<8388608xf32, #tpu.memory_space<hbm>> -> memref<2048xf32, #tpu.memory_space<hbm>>
      tpu.wait_dma2 semaphore(%arg17 : memref<!tpu.dma_semaphore, #tpu.memory_space<semaphore_mem>>) src(%dma_wait3A_655 : memref<2048xf32, #tpu.memory_space<hbm>>) dst(%dma_wait3A_654 : memref<2048xf32, #tpu.memory_space<vmem>>)
      %dma_wait3A_656 = arith.constant 4096 : i32
      %dma_wait3A_657 = tpu.memref_slice %arg10[%dma_wait3A_656] : memref<16384xf32, #tpu.memory_space<vmem>> -> memref<2048xf32, #tpu.memory_space<vmem>>
      %dma_wait3A_658 = tpu.memref_slice %arg3[%mul3A_649] : memref<8388608xf32, #tpu.memory_space<hbm>> -> memref<2048xf32, #tpu.memory_space<hbm>>
      %dma_wait3A_659 = arith.constant 4096 : i32
      %dma_wait3A_660 = tpu.memref_slice %arg10[%dma_wait3A_659] : memref<16384xf32, #tpu.memory_space<vmem>> -> memref<2048xf32, #tpu.memory_space<vmem>>
      %dma_wait3A_661 = tpu.memref_slice %arg3[%mul3A_649] : memref<8388608xf32, #tpu.memory_space<hbm>> -> memref<2048xf32, #tpu.memory_space<hbm>>
      tpu.wait_dma2 semaphore(%arg17 : memref<!tpu.dma_semaphore, #tpu.memory_space<semaphore_mem>>) src(%dma_wait3A_661 : memref<2048xf32, #tpu.memory_space<hbm>>) dst(%dma_wait3A_660 : memref<2048xf32, #tpu.memory_space<vmem>>)
      %mul3A_662 = arith.constant 8 : i32
      %mul3A_663 = arith.muli %select_n3A, %mul3A_662 : i32
      %add3A_664 = arith.constant 3 : i32
      %add3A_665 = arith.addi %mul3A_663, %add3A_664 : i32
      %mul3A_666 = arith.constant 256 : i32
      %mul3A_667 = arith.muli %add3A_665, %mul3A_666 : i32
      %add3A_668 = arith.addi %mul3A_667, %add3A_598 : i32
      %mul3A_669 = arith.constant 256 : i32
      %mul3A_670 = arith.muli %add3A_668, %mul3A_669 : i32
      %dma_wait3A_671 = arith.constant 6144 : i32
      %dma_wait3A_672 = tpu.memref_slice %arg8[%dma_wait3A_671] : memref<16384xf32, #tpu.memory_space<vmem>> -> memref<2048xf32, #tpu.memory_space<vmem>>
      %dma_wait3A_673 = tpu.memref_slice %arg2[%mul3A_670] : memref<8388608xf32, #tpu.memory_space<hbm>> -> memref<2048xf32, #tpu.memory_space<hbm>>
      %dma_wait3A_674 = arith.constant 6144 : i32
      %dma_wait3A_675 = tpu.memref_slice %arg8[%dma_wait3A_674] : memref<16384xf32, #tpu.memory_space<vmem>> -> memref<2048xf32, #tpu.memory_space<vmem>>
      %dma_wait3A_676 = tpu.memref_slice %arg2[%mul3A_670] : memref<8388608xf32, #tpu.memory_space<hbm>> -> memref<2048xf32, #tpu.memory_space<hbm>>
      tpu.wait_dma2 semaphore(%arg17 : memref<!tpu.dma_semaphore, #tpu.memory_space<semaphore_mem>>) src(%dma_wait3A_676 : memref<2048xf32, #tpu.memory_space<hbm>>) dst(%dma_wait3A_675 : memref<2048xf32, #tpu.memory_space<vmem>>)
      %dma_wait3A_677 = arith.constant 6144 : i32
      %dma_wait3A_678 = tpu.memref_slice %arg10[%dma_wait3A_677] : memref<16384xf32, #tpu.memory_space<vmem>> -> memref<2048xf32, #tpu.memory_space<vmem>>
      %dma_wait3A_679 = tpu.memref_slice %arg3[%mul3A_670] : memref<8388608xf32, #tpu.memory_space<hbm>> -> memref<2048xf32, #tpu.memory_space<hbm>>
      %dma_wait3A_680 = arith.constant 6144 : i32
      %dma_wait3A_681 = tpu.memref_slice %arg10[%dma_wait3A_680] : memref<16384xf32, #tpu.memory_space<vmem>> -> memref<2048xf32, #tpu.memory_space<vmem>>
      %dma_wait3A_682 = tpu.memref_slice %arg3[%mul3A_670] : memref<8388608xf32, #tpu.memory_space<hbm>> -> memref<2048xf32, #tpu.memory_space<hbm>>
      tpu.wait_dma2 semaphore(%arg17 : memref<!tpu.dma_semaphore, #tpu.memory_space<semaphore_mem>>) src(%dma_wait3A_682 : memref<2048xf32, #tpu.memory_space<hbm>>) dst(%dma_wait3A_681 : memref<2048xf32, #tpu.memory_space<vmem>>)
      %mul3A_683 = arith.constant 8 : i32
      %mul3A_684 = arith.muli %select_n3A, %mul3A_683 : i32
      %add3A_685 = arith.constant 4 : i32
      %add3A_686 = arith.addi %mul3A_684, %add3A_685 : i32
      %mul3A_687 = arith.constant 256 : i32
      %mul3A_688 = arith.muli %add3A_686, %mul3A_687 : i32
      %add3A_689 = arith.addi %mul3A_688, %add3A_598 : i32
      %mul3A_690 = arith.constant 256 : i32
      %mul3A_691 = arith.muli %add3A_689, %mul3A_690 : i32
      %dma_wait3A_692 = arith.constant 8192 : i32
      %dma_wait3A_693 = tpu.memref_slice %arg8[%dma_wait3A_692] : memref<16384xf32, #tpu.memory_space<vmem>> -> memref<2048xf32, #tpu.memory_space<vmem>>
      %dma_wait3A_694 = tpu.memref_slice %arg2[%mul3A_691] : memref<8388608xf32, #tpu.memory_space<hbm>> -> memref<2048xf32, #tpu.memory_space<hbm>>
      %dma_wait3A_695 = arith.constant 8192 : i32
      %dma_wait3A_696 = tpu.memref_slice %arg8[%dma_wait3A_695] : memref<16384xf32, #tpu.memory_space<vmem>> -> memref<2048xf32, #tpu.memory_space<vmem>>
      %dma_wait3A_697 = tpu.memref_slice %arg2[%mul3A_691] : memref<8388608xf32, #tpu.memory_space<hbm>> -> memref<2048xf32, #tpu.memory_space<hbm>>
      tpu.wait_dma2 semaphore(%arg17 : memref<!tpu.dma_semaphore, #tpu.memory_space<semaphore_mem>>) src(%dma_wait3A_697 : memref<2048xf32, #tpu.memory_space<hbm>>) dst(%dma_wait3A_696 : memref<2048xf32, #tpu.memory_space<vmem>>)
      %dma_wait3A_698 = arith.constant 8192 : i32
      %dma_wait3A_699 = tpu.memref_slice %arg10[%dma_wait3A_698] : memref<16384xf32, #tpu.memory_space<vmem>> -> memref<2048xf32, #tpu.memory_space<vmem>>
      %dma_wait3A_700 = tpu.memref_slice %arg3[%mul3A_691] : memref<8388608xf32, #tpu.memory_space<hbm>> -> memref<2048xf32, #tpu.memory_space<hbm>>
      %dma_wait3A_701 = arith.constant 8192 : i32
      %dma_wait3A_702 = tpu.memref_slice %arg10[%dma_wait3A_701] : memref<16384xf32, #tpu.memory_space<vmem>> -> memref<2048xf32, #tpu.memory_space<vmem>>
      %dma_wait3A_703 = tpu.memref_slice %arg3[%mul3A_691] : memref<8388608xf32, #tpu.memory_space<hbm>> -> memref<2048xf32, #tpu.memory_space<hbm>>
      tpu.wait_dma2 semaphore(%arg17 : memref<!tpu.dma_semaphore, #tpu.memory_space<semaphore_mem>>) src(%dma_wait3A_703 : memref<2048xf32, #tpu.memory_space<hbm>>) dst(%dma_wait3A_702 : memref<2048xf32, #tpu.memory_space<vmem>>)
      %mul3A_704 = arith.constant 8 : i32
      %mul3A_705 = arith.muli %select_n3A, %mul3A_704 : i32
      %add3A_706 = arith.constant 5 : i32
      %add3A_707 = arith.addi %mul3A_705, %add3A_706 : i32
      %mul3A_708 = arith.constant 256 : i32
      %mul3A_709 = arith.muli %add3A_707, %mul3A_708 : i32
      %add3A_710 = arith.addi %mul3A_709, %add3A_598 : i32
      %mul3A_711 = arith.constant 256 : i32
      %mul3A_712 = arith.muli %add3A_710, %mul3A_711 : i32
      %dma_wait3A_713 = arith.constant 10240 : i32
      %dma_wait3A_714 = tpu.memref_slice %arg8[%dma_wait3A_713] : memref<16384xf32, #tpu.memory_space<vmem>> -> memref<2048xf32, #tpu.memory_space<vmem>>
      %dma_wait3A_715 = tpu.memref_slice %arg2[%mul3A_712] : memref<8388608xf32, #tpu.memory_space<hbm>> -> memref<2048xf32, #tpu.memory_space<hbm>>
      %dma_wait3A_716 = arith.constant 10240 : i32
      %dma_wait3A_717 = tpu.memref_slice %arg8[%dma_wait3A_716] : memref<16384xf32, #tpu.memory_space<vmem>> -> memref<2048xf32, #tpu.memory_space<vmem>>
      %dma_wait3A_718 = tpu.memref_slice %arg2[%mul3A_712] : memref<8388608xf32, #tpu.memory_space<hbm>> -> memref<2048xf32, #tpu.memory_space<hbm>>
      tpu.wait_dma2 semaphore(%arg17 : memref<!tpu.dma_semaphore, #tpu.memory_space<semaphore_mem>>) src(%dma_wait3A_718 : memref<2048xf32, #tpu.memory_space<hbm>>) dst(%dma_wait3A_717 : memref<2048xf32, #tpu.memory_space<vmem>>)
      %dma_wait3A_719 = arith.constant 10240 : i32
      %dma_wait3A_720 = tpu.memref_slice %arg10[%dma_wait3A_719] : memref<16384xf32, #tpu.memory_space<vmem>> -> memref<2048xf32, #tpu.memory_space<vmem>>
      %dma_wait3A_721 = tpu.memref_slice %arg3[%mul3A_712] : memref<8388608xf32, #tpu.memory_space<hbm>> -> memref<2048xf32, #tpu.memory_space<hbm>>
      %dma_wait3A_722 = arith.constant 10240 : i32
      %dma_wait3A_723 = tpu.memref_slice %arg10[%dma_wait3A_722] : memref<16384xf32, #tpu.memory_space<vmem>> -> memref<2048xf32, #tpu.memory_space<vmem>>
      %dma_wait3A_724 = tpu.memref_slice %arg3[%mul3A_712] : memref<8388608xf32, #tpu.memory_space<hbm>> -> memref<2048xf32, #tpu.memory_space<hbm>>
      tpu.wait_dma2 semaphore(%arg17 : memref<!tpu.dma_semaphore, #tpu.memory_space<semaphore_mem>>) src(%dma_wait3A_724 : memref<2048xf32, #tpu.memory_space<hbm>>) dst(%dma_wait3A_723 : memref<2048xf32, #tpu.memory_space<vmem>>)
      %mul3A_725 = arith.constant 8 : i32
      %mul3A_726 = arith.muli %select_n3A, %mul3A_725 : i32
      %add3A_727 = arith.constant 6 : i32
      %add3A_728 = arith.addi %mul3A_726, %add3A_727 : i32
      %mul3A_729 = arith.constant 256 : i32
      %mul3A_730 = arith.muli %add3A_728, %mul3A_729 : i32
      %add3A_731 = arith.addi %mul3A_730, %add3A_598 : i32
      %mul3A_732 = arith.constant 256 : i32
      %mul3A_733 = arith.muli %add3A_731, %mul3A_732 : i32
      %dma_wait3A_734 = arith.constant 12288 : i32
      %dma_wait3A_735 = tpu.memref_slice %arg8[%dma_wait3A_734] : memref<16384xf32, #tpu.memory_space<vmem>> -> memref<2048xf32, #tpu.memory_space<vmem>>
      %dma_wait3A_736 = tpu.memref_slice %arg2[%mul3A_733] : memref<8388608xf32, #tpu.memory_space<hbm>> -> memref<2048xf32, #tpu.memory_space<hbm>>
      %dma_wait3A_737 = arith.constant 12288 : i32
      %dma_wait3A_738 = tpu.memref_slice %arg8[%dma_wait3A_737] : memref<16384xf32, #tpu.memory_space<vmem>> -> memref<2048xf32, #tpu.memory_space<vmem>>
      %dma_wait3A_739 = tpu.memref_slice %arg2[%mul3A_733] : memref<8388608xf32, #tpu.memory_space<hbm>> -> memref<2048xf32, #tpu.memory_space<hbm>>
      tpu.wait_dma2 semaphore(%arg17 : memref<!tpu.dma_semaphore, #tpu.memory_space<semaphore_mem>>) src(%dma_wait3A_739 : memref<2048xf32, #tpu.memory_space<hbm>>) dst(%dma_wait3A_738 : memref<2048xf32, #tpu.memory_space<vmem>>)
      %dma_wait3A_740 = arith.constant 12288 : i32
      %dma_wait3A_741 = tpu.memref_slice %arg10[%dma_wait3A_740] : memref<16384xf32, #tpu.memory_space<vmem>> -> memref<2048xf32, #tpu.memory_space<vmem>>
      %dma_wait3A_742 = tpu.memref_slice %arg3[%mul3A_733] : memref<8388608xf32, #tpu.memory_space<hbm>> -> memref<2048xf32, #tpu.memory_space<hbm>>
      %dma_wait3A_743 = arith.constant 12288 : i32
      %dma_wait3A_744 = tpu.memref_slice %arg10[%dma_wait3A_743] : memref<16384xf32, #tpu.memory_space<vmem>> -> memref<2048xf32, #tpu.memory_space<vmem>>
      %dma_wait3A_745 = tpu.memref_slice %arg3[%mul3A_733] : memref<8388608xf32, #tpu.memory_space<hbm>> -> memref<2048xf32, #tpu.memory_space<hbm>>
      tpu.wait_dma2 semaphore(%arg17 : memref<!tpu.dma_semaphore, #tpu.memory_space<semaphore_mem>>) src(%dma_wait3A_745 : memref<2048xf32, #tpu.memory_space<hbm>>) dst(%dma_wait3A_744 : memref<2048xf32, #tpu.memory_space<vmem>>)
      %mul3A_746 = arith.constant 8 : i32
      %mul3A_747 = arith.muli %select_n3A, %mul3A_746 : i32
      %add3A_748 = arith.constant 7 : i32
      %add3A_749 = arith.addi %mul3A_747, %add3A_748 : i32
      %mul3A_750 = arith.constant 256 : i32
      %mul3A_751 = arith.muli %add3A_749, %mul3A_750 : i32
      %add3A_752 = arith.addi %mul3A_751, %add3A_598 : i32
      %mul3A_753 = arith.constant 256 : i32
      %mul3A_754 = arith.muli %add3A_752, %mul3A_753 : i32
      %dma_wait3A_755 = arith.constant 14336 : i32
      %dma_wait3A_756 = tpu.memref_slice %arg8[%dma_wait3A_755] : memref<16384xf32, #tpu.memory_space<vmem>> -> memref<2048xf32, #tpu.memory_space<vmem>>
      %dma_wait3A_757 = tpu.memref_slice %arg2[%mul3A_754] : memref<8388608xf32, #tpu.memory_space<hbm>> -> memref<2048xf32, #tpu.memory_space<hbm>>
      %dma_wait3A_758 = arith.constant 14336 : i32
      %dma_wait3A_759 = tpu.memref_slice %arg8[%dma_wait3A_758] : memref<16384xf32, #tpu.memory_space<vmem>> -> memref<2048xf32, #tpu.memory_space<vmem>>
      %dma_wait3A_760 = tpu.memref_slice %arg2[%mul3A_754] : memref<8388608xf32, #tpu.memory_space<hbm>> -> memref<2048xf32, #tpu.memory_space<hbm>>
      tpu.wait_dma2 semaphore(%arg17 : memref<!tpu.dma_semaphore, #tpu.memory_space<semaphore_mem>>) src(%dma_wait3A_760 : memref<2048xf32, #tpu.memory_space<hbm>>) dst(%dma_wait3A_759 : memref<2048xf32, #tpu.memory_space<vmem>>)
      %dma_wait3A_761 = arith.constant 14336 : i32
      %dma_wait3A_762 = tpu.memref_slice %arg10[%dma_wait3A_761] : memref<16384xf32, #tpu.memory_space<vmem>> -> memref<2048xf32, #tpu.memory_space<vmem>>
      %dma_wait3A_763 = tpu.memref_slice %arg3[%mul3A_754] : memref<8388608xf32, #tpu.memory_space<hbm>> -> memref<2048xf32, #tpu.memory_space<hbm>>
      %dma_wait3A_764 = arith.constant 14336 : i32
      %dma_wait3A_765 = tpu.memref_slice %arg10[%dma_wait3A_764] : memref<16384xf32, #tpu.memory_space<vmem>> -> memref<2048xf32, #tpu.memory_space<vmem>>
      %dma_wait3A_766 = tpu.memref_slice %arg3[%mul3A_754] : memref<8388608xf32, #tpu.memory_space<hbm>> -> memref<2048xf32, #tpu.memory_space<hbm>>
      tpu.wait_dma2 semaphore(%arg17 : memref<!tpu.dma_semaphore, #tpu.memory_space<semaphore_mem>>) src(%dma_wait3A_766 : memref<2048xf32, #tpu.memory_space<hbm>>) dst(%dma_wait3A_765 : memref<2048xf32, #tpu.memory_space<vmem>>)
      %gt3A_767 = arith.constant 0 : i32
      %gt3A_768 = arith.cmpi sgt, %scan3A_228, %gt3A_767 : i32
      %convert_element_type3A_769 = arith.extui %gt3A_768 : i1 to i32
      %cond3A_770 = arith.constant 0 : i32
      %cond3A_771 = arith.cmpi ne, %convert_element_type3A_769, %cond3A_770 : i32
      scf.if %cond3A_771 {
        %sub3A_787 = arith.constant 2 : i32
        %sub3A_788 = arith.subi %add3A_232, %sub3A_787 : i32
        %mul3A_789 = arith.constant 256 : i32
        %mul3A_790 = arith.muli %select_n3A, %mul3A_789 : i32
        %add3A_791 = arith.addi %mul3A_790, %mul3A_32 : i32
        %mul3A_792 = arith.constant 8 : i32
        %mul3A_793 = arith.muli %sub3A_788, %mul3A_792 : i32
        %add3A_794 = arith.addi %add3A_791, %mul3A_793 : i32
        %mul3A_795 = arith.constant 1024 : i32
        %mul3A_796 = arith.muli %add3A_794, %mul3A_795 : i32
        %dma_wait3A_797 = tpu.memref_slice %arg5[%mul3A_796] : memref<4194304xi32, #tpu.memory_space<hbm>> -> memref<8192xi32, #tpu.memory_space<hbm>>
        %dma_wait3A_798 = tpu.memref_slice %arg5[%mul3A_796] : memref<4194304xi32, #tpu.memory_space<hbm>> -> memref<8192xi32, #tpu.memory_space<hbm>>
        tpu.wait_dma2 semaphore(%arg19 : memref<!tpu.dma_semaphore, #tpu.memory_space<semaphore_mem>>) src(%arg12 : memref<8192xi32, #tpu.memory_space<vmem>>) dst(%dma_wait3A_798 : memref<8192xi32, #tpu.memory_space<hbm>>)
        %dma_wait3A_799 = tpu.memref_slice %arg6[%mul3A_796] : memref<4194304xf32, #tpu.memory_space<hbm>> -> memref<8192xf32, #tpu.memory_space<hbm>>
        %dma_wait3A_800 = tpu.memref_slice %arg6[%mul3A_796] : memref<4194304xf32, #tpu.memory_space<hbm>> -> memref<8192xf32, #tpu.memory_space<hbm>>
        tpu.wait_dma2 semaphore(%arg19 : memref<!tpu.dma_semaphore, #tpu.memory_space<semaphore_mem>>) src(%arg14 : memref<8192xf32, #tpu.memory_space<vmem>>) dst(%dma_wait3A_800 : memref<8192xf32, #tpu.memory_space<hbm>>)
      } else {
      }
      %parallel_loop3A_772 = arith.constant 0 : i32
      %parallel_loop3A_773 = arith.constant 512 : i32
      %parallel_loop3A_774 = arith.constant 1 : i32
      scf.for %parallel_loop3A_787 = %parallel_loop3A_772 to %parallel_loop3A_773 step %parallel_loop3A_774  : i32 {
        %parallel_loop3A_788 = arith.constant 6 : i32
        %parallel_loop3A_789 = arith.shrsi %parallel_loop3A_787, %parallel_loop3A_788 : i32
        %parallel_loop3A_790 = arith.constant 3 : i32
        %parallel_loop3A_791 = arith.shrsi %parallel_loop3A_787, %parallel_loop3A_790 : i32
        %parallel_loop3A_792 = arith.constant 7 : i32
        %parallel_loop3A_793 = arith.andi %parallel_loop3A_791, %parallel_loop3A_792 : i32
        %parallel_loop3A_794 = arith.constant 7 : i32
        %parallel_loop3A_795 = arith.andi %parallel_loop3A_787, %parallel_loop3A_794 : i32
        %parallel_loop3A_796 = arith.constant 2048 : i32
        %parallel_loop3A_797 = arith.muli %parallel_loop3A_789, %parallel_loop3A_796 : i32
        %parallel_loop3A_798 = arith.constant 256 : i32
        %parallel_loop3A_799 = arith.muli %parallel_loop3A_793, %parallel_loop3A_798 : i32
        %parallel_loop3A_800 = arith.addi %parallel_loop3A_797, %parallel_loop3A_799 : i32
        %parallel_loop3A_801 = arith.constant 16 : i32
        %parallel_loop3A_802 = arith.muli %parallel_loop3A_795, %parallel_loop3A_801 : i32
        %parallel_loop3A_803 = arith.addi %parallel_loop3A_800, %parallel_loop3A_802 : i32
        %parallel_loop3A_804 = arith.constant 1024 : i32
        %parallel_loop3A_805 = arith.muli %parallel_loop3A_793, %parallel_loop3A_804 : i32
        %parallel_loop3A_806 = arith.constant 128 : i32
        %parallel_loop3A_807 = arith.muli %parallel_loop3A_789, %parallel_loop3A_806 : i32
        %parallel_loop3A_808 = arith.addi %parallel_loop3A_805, %parallel_loop3A_807 : i32
        %parallel_loop3A_809 = arith.constant 16 : i32
        %parallel_loop3A_810 = arith.muli %parallel_loop3A_795, %parallel_loop3A_809 : i32
        %parallel_loop3A_811 = arith.addi %parallel_loop3A_808, %parallel_loop3A_810 : i32
        %parallel_loop3A_812 = arith.index_cast %parallel_loop3A_803 : i32 to index
        %parallel_loop3A_813 = tpu.vector_load %arg8[%parallel_loop3A_812] {strides = array<i32>} : memref<16384xf32, #tpu.memory_space<vmem>>, vector<16xf32>,
        %parallel_loop3A_814 = arith.constant 128 : i32
        %parallel_loop3A_815 = arith.addi %parallel_loop3A_803, %parallel_loop3A_814 : i32
        %parallel_loop3A_816 = arith.index_cast %parallel_loop3A_815 : i32 to index
        %parallel_loop3A_817 = tpu.vector_load %arg8[%parallel_loop3A_816] {strides = array<i32>} : memref<16384xf32, #tpu.memory_space<vmem>>, vector<16xf32>,
        %parallel_loop3A_818 = arith.index_cast %parallel_loop3A_803 : i32 to index
        %parallel_loop3A_819 = tpu.vector_load %arg10[%parallel_loop3A_818] {strides = array<i32>} : memref<16384xf32, #tpu.memory_space<vmem>>, vector<16xf32>,
        %parallel_loop3A_820 = arith.constant 128 : i32
        %parallel_loop3A_821 = arith.addi %parallel_loop3A_803, %parallel_loop3A_820 : i32
        %parallel_loop3A_822 = arith.index_cast %parallel_loop3A_821 : i32 to index
        %parallel_loop3A_823 = tpu.vector_load %arg10[%parallel_loop3A_822] {strides = array<i32>} : memref<16384xf32, #tpu.memory_space<vmem>>, vector<16xf32>,
        %parallel_loop3A_824 = arith.subf %parallel_loop3A_817, %parallel_loop3A_813 : vector<16xf32>
        %parallel_loop3A_825 = math.exp %parallel_loop3A_824 : vector<16xf32>
        %parallel_loop3A_826 = tpu.bitcast %parallel_loop3A_823 : vector<16xf32> -> vector<16xi32>
        %parallel_loop3A_827 = arith.constant 23 : i32
        %parallel_loop3A_828 = vector.broadcast %parallel_loop3A_827 : i32 to vector<16xi32>
        %parallel_loop3A_829 = arith.shrsi %parallel_loop3A_826, %parallel_loop3A_828 : vector<16xi32>
        %parallel_loop3A_830 = arith.constant 127 : i32
        %parallel_loop3A_831 = vector.broadcast %parallel_loop3A_830 : i32 to vector<16xi32>
        %parallel_loop3A_832 = arith.subi %parallel_loop3A_829, %parallel_loop3A_831 : vector<16xi32>
        %parallel_loop3A_833 = arith.constant 16 : i32
        %parallel_loop3A_834 = vector.broadcast %parallel_loop3A_833 : i32 to vector<16xi32>
        %parallel_loop3A_835 = arith.shrsi %parallel_loop3A_826, %parallel_loop3A_834 : vector<16xi32>
        %parallel_loop3A_836 = arith.constant 127 : i32
        %parallel_loop3A_837 = vector.broadcast %parallel_loop3A_836 : i32 to vector<16xi32>
        %parallel_loop3A_838 = arith.andi %parallel_loop3A_835, %parallel_loop3A_837 : vector<16xi32>
        %parallel_loop3A_839 = arith.constant 8388607 : i32
        %parallel_loop3A_840 = vector.broadcast %parallel_loop3A_839 : i32 to vector<16xi32>
        %parallel_loop3A_841 = arith.andi %parallel_loop3A_826, %parallel_loop3A_840 : vector<16xi32>
        %parallel_loop3A_842 = arith.constant 1065353216 : i32
        %parallel_loop3A_843 = vector.broadcast %parallel_loop3A_842 : i32 to vector<16xi32>
        %parallel_loop3A_844 = arith.ori %parallel_loop3A_841, %parallel_loop3A_843 : vector<16xi32>
        %parallel_loop3A_845 = tpu.bitcast %parallel_loop3A_844 : vector<16xi32> -> vector<16xf32>
        %parallel_loop3A_846 = tpu.vector_load_idx %arg15[%parallel_loop3A_838] : memref<256xf32, #tpu.memory_space<vmem>>[vector<16xi32>], vector<16xf32>,
        %parallel_loop3A_847 = arith.constant 128 : i32
        %parallel_loop3A_848 = vector.broadcast %parallel_loop3A_847 : i32 to vector<16xi32>
        %parallel_loop3A_849 = arith.addi %parallel_loop3A_838, %parallel_loop3A_848 : vector<16xi32>
        %parallel_loop3A_850 = tpu.vector_load_idx %arg15[%parallel_loop3A_849] : memref<256xf32, #tpu.memory_space<vmem>>[vector<16xi32>], vector<16xf32>,
        %parallel_loop3A_851 = arith.mulf %parallel_loop3A_845, %parallel_loop3A_850 : vector<16xf32>
        %parallel_loop3A_852 = arith.constant 1.000000e+00 : f32
        %parallel_loop3A_853 = vector.broadcast %parallel_loop3A_852 : f32 to vector<16xf32>
        %parallel_loop3A_854 = arith.subf %parallel_loop3A_851, %parallel_loop3A_853 : vector<16xf32>
        %parallel_loop3A_855 = arith.sitofp %parallel_loop3A_832 : vector<16xi32> to vector<16xf32>
        %parallel_loop3A_856 = arith.addf %parallel_loop3A_855, %parallel_loop3A_846 : vector<16xf32>
        %parallel_loop3A_857 = arith.constant -0.72134751 : f32
        %parallel_loop3A_858 = vector.broadcast %parallel_loop3A_857 : f32 to vector<16xf32>
        %parallel_loop3A_859 = arith.mulf %parallel_loop3A_858, %parallel_loop3A_854 : vector<16xf32>
        %parallel_loop3A_860 = arith.constant 1.44269502 : f32
        %parallel_loop3A_861 = vector.broadcast %parallel_loop3A_860 : f32 to vector<16xf32>
        %parallel_loop3A_862 = arith.addf %parallel_loop3A_861, %parallel_loop3A_859 : vector<16xf32>
        %parallel_loop3A_863 = arith.mulf %parallel_loop3A_854, %parallel_loop3A_862 : vector<16xf32>
        %parallel_loop3A_864 = arith.addf %parallel_loop3A_856, %parallel_loop3A_863 : vector<16xf32>
        %parallel_loop3A_865 = tpu.bitcast %parallel_loop3A_819 : vector<16xf32> -> vector<16xi32>
        %parallel_loop3A_866 = arith.constant 23 : i32
        %parallel_loop3A_867 = vector.broadcast %parallel_loop3A_866 : i32 to vector<16xi32>
        %parallel_loop3A_868 = arith.shrsi %parallel_loop3A_865, %parallel_loop3A_867 : vector<16xi32>
        %parallel_loop3A_869 = arith.constant 127 : i32
        %parallel_loop3A_870 = vector.broadcast %parallel_loop3A_869 : i32 to vector<16xi32>
        %parallel_loop3A_871 = arith.subi %parallel_loop3A_868, %parallel_loop3A_870 : vector<16xi32>
        %parallel_loop3A_872 = arith.constant 16 : i32
        %parallel_loop3A_873 = vector.broadcast %parallel_loop3A_872 : i32 to vector<16xi32>
        %parallel_loop3A_874 = arith.shrsi %parallel_loop3A_865, %parallel_loop3A_873 : vector<16xi32>
        %parallel_loop3A_875 = arith.constant 127 : i32
        %parallel_loop3A_876 = vector.broadcast %parallel_loop3A_875 : i32 to vector<16xi32>
        %parallel_loop3A_877 = arith.andi %parallel_loop3A_874, %parallel_loop3A_876 : vector<16xi32>
        %parallel_loop3A_878 = arith.constant 8388607 : i32
        %parallel_loop3A_879 = vector.broadcast %parallel_loop3A_878 : i32 to vector<16xi32>
        %parallel_loop3A_880 = arith.andi %parallel_loop3A_865, %parallel_loop3A_879 : vector<16xi32>
        %parallel_loop3A_881 = arith.constant 1065353216 : i32
        %parallel_loop3A_882 = vector.broadcast %parallel_loop3A_881 : i32 to vector<16xi32>
        %parallel_loop3A_883 = arith.ori %parallel_loop3A_880, %parallel_loop3A_882 : vector<16xi32>
        %parallel_loop3A_884 = tpu.bitcast %parallel_loop3A_883 : vector<16xi32> -> vector<16xf32>
        %parallel_loop3A_885 = tpu.vector_load_idx %arg15[%parallel_loop3A_877] : memref<256xf32, #tpu.memory_space<vmem>>[vector<16xi32>], vector<16xf32>,
        %parallel_loop3A_886 = arith.constant 128 : i32
        %parallel_loop3A_887 = vector.broadcast %parallel_loop3A_886 : i32 to vector<16xi32>
        %parallel_loop3A_888 = arith.addi %parallel_loop3A_877, %parallel_loop3A_887 : vector<16xi32>
        %parallel_loop3A_889 = tpu.vector_load_idx %arg15[%parallel_loop3A_888] : memref<256xf32, #tpu.memory_space<vmem>>[vector<16xi32>], vector<16xf32>,
        %parallel_loop3A_890 = arith.mulf %parallel_loop3A_884, %parallel_loop3A_889 : vector<16xf32>
        %parallel_loop3A_891 = arith.constant 1.000000e+00 : f32
        %parallel_loop3A_892 = vector.broadcast %parallel_loop3A_891 : f32 to vector<16xf32>
        %parallel_loop3A_893 = arith.subf %parallel_loop3A_890, %parallel_loop3A_892 : vector<16xf32>
        %parallel_loop3A_894 = arith.sitofp %parallel_loop3A_871 : vector<16xi32> to vector<16xf32>
        %parallel_loop3A_895 = arith.addf %parallel_loop3A_894, %parallel_loop3A_885 : vector<16xf32>
        %parallel_loop3A_896 = arith.constant -0.72134751 : f32
        %parallel_loop3A_897 = vector.broadcast %parallel_loop3A_896 : f32 to vector<16xf32>
        %parallel_loop3A_898 = arith.mulf %parallel_loop3A_897, %parallel_loop3A_893 : vector<16xf32>
        %parallel_loop3A_899 = arith.constant 1.44269502 : f32
        %parallel_loop3A_900 = vector.broadcast %parallel_loop3A_899 : f32 to vector<16xf32>
        %parallel_loop3A_901 = arith.addf %parallel_loop3A_900, %parallel_loop3A_898 : vector<16xf32>
        %parallel_loop3A_902 = arith.mulf %parallel_loop3A_893, %parallel_loop3A_901 : vector<16xf32>
        %parallel_loop3A_903 = arith.addf %parallel_loop3A_895, %parallel_loop3A_902 : vector<16xf32>
        %parallel_loop3A_904 = arith.mulf %parallel_loop3A_903, %parallel_loop3A_825 : vector<16xf32>
        %parallel_loop3A_905 = arith.cmpf ogt, %parallel_loop3A_864, %parallel_loop3A_904 : vector<16xf32>
        %parallel_loop3A_906 = math.absf %parallel_loop3A_824 : vector<16xf32>
        %parallel_loop3A_907 = arith.constant 0.000000e+00 : f32
        %parallel_loop3A_908 = vector.broadcast %parallel_loop3A_907 : f32 to vector<16xf32>
        %parallel_loop3A_909 = arith.subf %parallel_loop3A_908, %parallel_loop3A_906 : vector<16xf32>
        %parallel_loop3A_910 = math.exp %parallel_loop3A_909 : vector<16xf32>
        %parallel_loop3A_911 = arith.constant 0.0301026255 : f32
        %parallel_loop3A_912 = vector.broadcast %parallel_loop3A_911 : f32 to vector<16xf32>
        %parallel_loop3A_913 = arith.mulf %parallel_loop3A_912, %parallel_loop3A_910 : vector<16xf32>
        %parallel_loop3A_914 = arith.constant -0.130119413 : f32
        %parallel_loop3A_915 = vector.broadcast %parallel_loop3A_914 : f32 to vector<16xf32>
        %parallel_loop3A_916 = arith.addf %parallel_loop3A_913, %parallel_loop3A_915 : vector<16xf32>
        %parallel_loop3A_917 = arith.mulf %parallel_loop3A_916, %parallel_loop3A_910 : vector<16xf32>
        %parallel_loop3A_918 = arith.constant 0.283304334 : f32
        %parallel_loop3A_919 = vector.broadcast %parallel_loop3A_918 : f32 to vector<16xf32>
        %parallel_loop3A_920 = arith.addf %parallel_loop3A_917, %parallel_loop3A_919 : vector<16xf32>
        %parallel_loop3A_921 = arith.mulf %parallel_loop3A_920, %parallel_loop3A_910 : vector<16xf32>
        %parallel_loop3A_922 = arith.constant -0.489156842 : f32
        %parallel_loop3A_923 = vector.broadcast %parallel_loop3A_922 : f32 to vector<16xf32>
        %parallel_loop3A_924 = arith.addf %parallel_loop3A_921, %parallel_loop3A_923 : vector<16xf32>
        %parallel_loop3A_925 = arith.mulf %parallel_loop3A_924, %parallel_loop3A_910 : vector<16xf32>
        %parallel_loop3A_926 = arith.constant 0.999010443 : f32
        %parallel_loop3A_927 = vector.broadcast %parallel_loop3A_926 : f32 to vector<16xf32>
        %parallel_loop3A_928 = arith.addf %parallel_loop3A_925, %parallel_loop3A_927 : vector<16xf32>
        %parallel_loop3A_929 = arith.mulf %parallel_loop3A_928, %parallel_loop3A_910 : vector<16xf32>
        %parallel_loop3A_930 = arith.constant 2.21170303E-5 : f32
        %parallel_loop3A_931 = vector.broadcast %parallel_loop3A_930 : f32 to vector<16xf32>
        %parallel_loop3A_932 = arith.addf %parallel_loop3A_929, %parallel_loop3A_931 : vector<16xf32>
        %parallel_loop3A_933 = arith.constant 0.000000e+00 : f32
        %parallel_loop3A_934 = vector.broadcast %parallel_loop3A_933 : f32 to vector<16xf32>
        %parallel_loop3A_935 = arith.subf %parallel_loop3A_934, %parallel_loop3A_824 : vector<16xf32>
        %parallel_loop3A_936 = arith.select %parallel_loop3A_905, %parallel_loop3A_824, %parallel_loop3A_935 : vector<16xi1>, vector<16xf32>
        %parallel_loop3A_937 = arith.constant 0.000000e+00 : f32
        %parallel_loop3A_938 = vector.broadcast %parallel_loop3A_937 : f32 to vector<16xf32>
        %parallel_loop3A_939 = arith.minimumf %parallel_loop3A_936, %parallel_loop3A_938 : vector<16xf32>
        %parallel_loop3A_940 = arith.subf %parallel_loop3A_939, %parallel_loop3A_932 : vector<16xf32>
        %parallel_loop3A_941 = arith.constant 1 : i32
        %parallel_loop3A_942 = arith.constant 0 : i32
        %parallel_loop3A_943 = vector.broadcast %parallel_loop3A_941 : i32 to vector<16xi32>
        %parallel_loop3A_944 = vector.broadcast %parallel_loop3A_942 : i32 to vector<16xi32>
        %parallel_loop3A_945 = arith.select %parallel_loop3A_905, %parallel_loop3A_943, %parallel_loop3A_944 : vector<16xi1>, vector<16xi32>
        %parallel_loop3A_946 = arith.index_cast %parallel_loop3A_811 : i32 to index
        %parallel_loop3A_947 = tpu.vector_load %arg12[%parallel_loop3A_946] {strides = array<i32>} : memref<8192xi32, #tpu.memory_space<vmem>>, vector<16xi32>,
        tpu.vector_store %arg12[%parallel_loop3A_946], %parallel_loop3A_945 {strides = array<i32>} : memref<8192xi32, #tpu.memory_space<vmem>>, vector<16xi32>,
        %parallel_loop3A_948 = arith.index_cast %parallel_loop3A_811 : i32 to index
        %parallel_loop3A_949 = tpu.vector_load %arg14[%parallel_loop3A_948] {strides = array<i32>} : memref<8192xf32, #tpu.memory_space<vmem>>, vector<16xf32>,
        tpu.vector_store %arg14[%parallel_loop3A_948], %parallel_loop3A_940 {strides = array<i32>} : memref<8192xf32, #tpu.memory_space<vmem>>, vector<16xf32>,
      } {sc.loop_unroll_factor = 4 : i64, sc.parallel_access}
      %mul3A_775 = arith.constant 256 : i32
      %mul3A_776 = arith.muli %select_n3A, %mul3A_775 : i32
      %add3A_777 = arith.addi %mul3A_776, %mul3A_32 : i32
      %mul3A_778 = arith.constant 8 : i32
      %mul3A_779 = arith.muli %add3A_232, %mul3A_778 : i32
      %add3A_780 = arith.addi %add3A_777, %mul3A_779 : i32
      %mul3A_781 = arith.constant 1024 : i32
      %mul3A_782 = arith.muli %add3A_780, %mul3A_781 : i32
      %dma_start3A_783 = tpu.memref_slice %arg5[%mul3A_782] : memref<4194304xi32, #tpu.memory_space<hbm>> -> memref<8192xi32, #tpu.memory_space<hbm>>
      %dma_start3A_784 = tpu.memref_slice %arg5[%mul3A_782] : memref<4194304xi32, #tpu.memory_space<hbm>> -> memref<8192xi32, #tpu.memory_space<hbm>>
      tpu.enqueue_dma source(%arg12 : memref<8192xi32, #tpu.memory_space<vmem>>) target(%dma_start3A_784 : memref<8192xi32, #tpu.memory_space<hbm>>) target_semaphore(%arg19 : memref<!tpu.dma_semaphore, #tpu.memory_space<semaphore_mem>>)
      %dma_start3A_785 = tpu.memref_slice %arg6[%mul3A_782] : memref<4194304xf32, #tpu.memory_space<hbm>> -> memref<8192xf32, #tpu.memory_space<hbm>>
      %dma_start3A_786 = tpu.memref_slice %arg6[%mul3A_782] : memref<4194304xf32, #tpu.memory_space<hbm>> -> memref<8192xf32, #tpu.memory_space<hbm>>
      tpu.enqueue_dma source(%arg14 : memref<8192xf32, #tpu.memory_space<vmem>>) target(%dma_start3A_786 : memref<8192xf32, #tpu.memory_space<hbm>>) target_semaphore(%arg19 : memref<!tpu.dma_semaphore, #tpu.memory_space<semaphore_mem>>)
    }
    %scan3A_206 = arith.constant 8 : i32
    %mul3A_207 = arith.constant 256 : i32
    %mul3A_208 = arith.muli %select_n3A, %mul3A_207 : i32
    %add3A_209 = arith.addi %mul3A_208, %mul3A_32 : i32
    %add3A_210 = arith.constant 112 : i32
    %add3A_211 = arith.addi %add3A_209, %add3A_210 : i32
    %mul3A_212 = arith.constant 1024 : i32
    %mul3A_213 = arith.muli %add3A_211, %mul3A_212 : i32
    %dma_wait3A = tpu.memref_slice %arg5[%mul3A_213] : memref<4194304xi32, #tpu.memory_space<hbm>> -> memref<8192xi32, #tpu.memory_space<hbm>>
    %dma_wait3A_214 = tpu.memref_slice %arg5[%mul3A_213] : memref<4194304xi32, #tpu.memory_space<hbm>> -> memref<8192xi32, #tpu.memory_space<hbm>>
    tpu.wait_dma2 semaphore(%arg18 : memref<!tpu.dma_semaphore, #tpu.memory_space<semaphore_mem>>) src(%arg11 : memref<8192xi32, #tpu.memory_space<vmem>>) dst(%dma_wait3A_214 : memref<8192xi32, #tpu.memory_space<hbm>>)
    %dma_wait3A_215 = tpu.memref_slice %arg6[%mul3A_213] : memref<4194304xf32, #tpu.memory_space<hbm>> -> memref<8192xf32, #tpu.memory_space<hbm>>
    %dma_wait3A_216 = tpu.memref_slice %arg6[%mul3A_213] : memref<4194304xf32, #tpu.memory_space<hbm>> -> memref<8192xf32, #tpu.memory_space<hbm>>
    tpu.wait_dma2 semaphore(%arg18 : memref<!tpu.dma_semaphore, #tpu.memory_space<semaphore_mem>>) src(%arg13 : memref<8192xf32, #tpu.memory_space<vmem>>) dst(%dma_wait3A_216 : memref<8192xf32, #tpu.memory_space<hbm>>)
    %mul3A_217 = arith.constant 256 : i32
    %mul3A_218 = arith.muli %select_n3A, %mul3A_217 : i32
    %add3A_219 = arith.addi %mul3A_218, %mul3A_32 : i32
    %add3A_220 = arith.constant 120 : i32
    %add3A_221 = arith.addi %add3A_219, %add3A_220 : i32
    %mul3A_222 = arith.constant 1024 : i32
    %mul3A_223 = arith.muli %add3A_221, %mul3A_222 : i32
    %dma_wait3A_224 = tpu.memref_slice %arg5[%mul3A_223] : memref<4194304xi32, #tpu.memory_space<hbm>> -> memref<8192xi32, #tpu.memory_space<hbm>>
    %dma_wait3A_225 = tpu.memref_slice %arg5[%mul3A_223] : memref<4194304xi32, #tpu.memory_space<hbm>> -> memref<8192xi32, #tpu.memory_space<hbm>>
    tpu.wait_dma2 semaphore(%arg19 : memref<!tpu.dma_semaphore, #tpu.memory_space<semaphore_mem>>) src(%arg12 : memref<8192xi32, #tpu.memory_space<vmem>>) dst(%dma_wait3A_225 : memref<8192xi32, #tpu.memory_space<hbm>>)
    %dma_wait3A_226 = tpu.memref_slice %arg6[%mul3A_223] : memref<4194304xf32, #tpu.memory_space<hbm>> -> memref<8192xf32, #tpu.memory_space<hbm>>
    %dma_wait3A_227 = tpu.memref_slice %arg6[%mul3A_223] : memref<4194304xf32, #tpu.memory_space<hbm>> -> memref<8192xf32, #tpu.memory_space<hbm>>
    tpu.wait_dma2 semaphore(%arg19 : memref<!tpu.dma_semaphore, #tpu.memory_space<semaphore_mem>>) src(%arg14 : memref<8192xf32, #tpu.memory_space<vmem>>) dst(%dma_wait3A_227 : memref<8192xf32, #tpu.memory_space<hbm>>)
    return
  }
}

</mosaic_0001>

<sc_bundles>
// kernel: kernel.3.cloned.1.call-start
scs
__scs_entry_jumppad:
0x0: {  	(pc) =	sbr.rel $0x88, $3  }
0x1: {  	(tag) =	ssettag $0x0;
	lr =	simm.s32 $0x1  }
0x2: {  	[smem:$0x3F9F] =	sst lr;
	_ =	strace $0xD0000000  }
0x3: {  	_ = 	snop  }
0x4: {  	_ = 	snop  }
0x5: {  	_ = 	snop  }
0x6: {  	_ = 	snop  }
0x7: {  	_ = 	snop  }
__scs_overlays_trampoline_lowered:
0x8: {  	[smem:$0x3FAE] =	sst s0  }
0x9: {  	[smem:$0x3FAF] =	sst s1  }
0xa: {  	[smem:$0x3FB0] =	sst s2  }
0xb: {  	[smem:$0x3FB1] =	sst s3  }
0xc: {  	[smem:$0x3FB2] =	sst s4  }
0xd: {  	[smem:$0x3FB3] =	sst s5  }
0xe: {  	[smem:$0x3FB4] =	sst s6  }
0xf: {  	[smem:$0x3FB5] =	sst s7  }
0x10: {  	[smem:$0x3FB6] =	sst s8  }
0x11: {  	[smem:$0x3FB7] =	sst s9;
	s0 =	simm.s32 @!p0 $0x0  }
0x12: {  	s1 =	sld [smem:$0x3F9D];
	s0 =	simm.s32 @p0 $0x1  }
0x13: {  	[smem:$0x3FB8] =	sst s0;
	s0 =	simm.s32 @!p1 $0x0  }
0x14: {  	s2 =	sld [smem:$0x3F9C];
	s0 =	simm.s32 @p1 $0x1  }
0x15: {  	[smem:$0x3FB9] =	sst s0;
	s0 =	simm.s32 @!p2 $0x0  }
0x16: {  	s3 =	sld [smem:$0x3FDB];
	s0 =	simm.s32 @p2 $0x1  }
0x17: {  	s4 =	simm.s32 $0x1BF5;
	[smem:$0x3FBB] =	sst s0  }
0x18: {  	s0 =	sld [smem:$0x3F9E];
	_ =	swait.ge [sflag:s4], $0x0  }
0x19: {  	s7 =	sld [smem:$0x3F9F]  }
0x1a: {  	s8 =	sadd.s32 $0xFFFFE003, lr  }
0x1b: {  	s9 =	sadd.s32 $0xFFFFFEF7, lr;
	s5 =	simm.s32 $0xFFFFFFFF;
	p2 =	slt.u32 s8, $0xFFFFF086  }
0x1c: {  	p1 =	slt.u32 s9, $0xF7A;
	s5 =	simm.s32 @!p2 $0x0  }
0x1d: {  	s5 =	simm.s32 @p1 $0x1;
	p0 =	seq.s32 s7, s2  }
0x1e: {  	s7 =	smul.u32 @!p0 $0xF7A, s2;
	p2 =	seq.s32 @!p0 s5, $0x0  }
0x1f: {  	s9 =	smul.u32 $0xF7A, s1;
	s8 =	simm.s32 @!p0 $0x1BF5;
	p2 =	por !p2, p0  }
0x20: {  	[sflag:s8] =	ssyncset.s32 @!p0 $0xFFFFF086;
	s6 =	sadd.s32 @!p0 s3, s7;
	s7 =	simm.s32 @!p0 $0x108  }
0x21: {  	s3 =	sadd.s32 s3, s9;
	s6 =	sadd.s32 @!p0 $0x88, s6;
	s7 =	simm.s32 @p2 $0x1082  }
0x22: {  	[simem:s7], [sflag:s8] =	dma.local @!p0 [hbm:s6], $0xF7A  }
0x23: {  	s9 =	sor.u32 $0xD0000000, s2;
	s6 =	simm.s32 $0x108;
	_ =	swait.ge @!p0 [sflag:s8], $0x0  }
0x24: {  	s3 =	sadd.s32 $0x88, s3;
	s6 =	simm.s32 @!p1 $0x1082;
	[sflag:s4] =	ssyncset.s32 $0xFFFFF086  }
0x25: {  	[simem:s6], [sflag:s4] =	dma.local [hbm:s3], $0xF7A  }
0x26: {  	[smem:$0x3F9F] =	sst s1;
	(tag) =	ssettag s2;
	_ =	strace s9  }
0x27: {  	s1 =	sld [smem:$0x3FAF]  }
0x28: {  	s2 =	sld [smem:$0x3FB0]  }
0x29: {  	s4 =	sld [smem:$0x3FB2]  }
0x2a: {  	p0 =	seq.s32 s5, $0x0;
	s5 =	sld [smem:$0x3FB3]  }
0x2b: {  	s6 =	sld [smem:$0x3FB4]  }
0x2c: {  	s7 =	sld [smem:$0x3FB5]  }
0x2d: {  	s3 =	simm.s32 $0x108;
	s8 =	sld [smem:$0x3FB6]  }
0x2e: {  	s3 =	simm.s32 @!p0 $0x1082;
	s9 =	sld [smem:$0x3FB7]  }
0x2f: {  	lr =	sadd.s32 s0, s3;
	s0 =	sld [smem:$0x3FAE]  }
0x30: {  	s3 =	sld [smem:$0x3FB1]  }
0x31: {  	[smem:$0x3FBA] =	sst s10  }
0x32: {  	s10 =	sld [smem:$0x3FB8];
	_ =	sdelay $0x3  }
0x33: {  	p0 =	seq.s32 s10, $0x1;
	s10 =	sld [smem:$0x3FBA];
	_ =	sdelay $0x3  }
0x34: {  	[smem:$0x3FBA] =	sst s10  }
0x35: {  	s10 =	sld [smem:$0x3FB9];
	_ =	sdelay $0x3  }
0x36: {  	p1 =	seq.s32 s10, $0x1;
	s10 =	sld [smem:$0x3FBA];
	_ =	sdelay $0x3  }
0x37: {  	[smem:$0x3FBA] =	sst s10  }
0x38: {  	s10 =	sld [smem:$0x3FBB]  }
0x39: {  	_ = 	snop;
	(pc) =	sbr.ind lr, $3  }
0x3a: {  	_ = 	snop  }
0x3b: {  	_ = 	snop  }
0x3c: {  	p2 =	seq.s32 s10, $0x1;
	s10 =	sld [smem:$0x3FBA]  }
0x3d: {  	_ =	shalt  }
0x3e: {  	_ =	shalt  }
0x3f: {  	_ =	shalt  }
0x40: {  	_ =	shalt  }
0x41: {  	_ =	shalt  }
0x42: {  	_ =	shalt  }
0x43: {  	_ =	shalt  }
0x44: {  	_ =	shalt  }
0x45: {  	_ =	shalt  }
0x46: {  	_ =	shalt  }
0x47: {  	_ =	shalt  }
0x48: {  	_ =	shalt  }
0x49: {  	_ =	shalt  }
0x4a: {  	_ =	shalt  }
0x4b: {  	_ =	shalt  }
0x4c: {  	_ =	shalt  }
0x4d: {  	_ =	shalt  }
0x4e: {  	_ =	shalt  }
0x4f: {  	_ =	shalt  }
0x50: {  	_ =	shalt  }
0x51: {  	_ =	shalt  }
0x52: {  	_ =	shalt  }
0x53: {  	_ =	shalt  }
0x54: {  	_ =	shalt  }
0x55: {  	_ =	shalt  }
0x56: {  	_ =	shalt  }
0x57: {  	_ =	shalt  }
0x58: {  	_ =	shalt  }
0x59: {  	_ =	shalt  }
0x5a: {  	_ =	shalt  }
0x5b: {  	_ =	shalt  }
0x5c: {  	_ =	shalt  }
0x5d: {  	_ =	shalt  }
0x5e: {  	_ =	shalt  }
0x5f: {  	_ =	shalt  }
0x60: {  	_ =	shalt  }
0x61: {  	_ =	shalt  }
0x62: {  	_ =	shalt  }
0x63: {  	_ =	shalt  }
0x64: {  	_ =	shalt  }
0x65: {  	_ =	shalt  }
0x66: {  	_ =	shalt  }
0x67: {  	_ =	shalt  }
0x68: {  	_ =	shalt  }
0x69: {  	_ =	shalt  }
0x6a: {  	_ =	shalt  }
0x6b: {  	_ =	shalt  }
0x6c: {  	_ =	shalt  }
0x6d: {  	_ =	shalt  }
0x6e: {  	_ =	shalt  }
0x6f: {  	_ =	shalt  }
0x70: {  	_ =	shalt  }
0x71: {  	_ =	shalt  }
0x72: {  	_ =	shalt  }
0x73: {  	_ =	shalt  }
0x74: {  	_ =	shalt  }
0x75: {  	_ =	shalt  }
0x76: {  	_ =	shalt  }
0x77: {  	_ =	shalt  }
0x78: {  	_ =	shalt  }
0x79: {  	_ =	shalt  }
0x7a: {  	_ =	shalt  }
0x7b: {  	_ =	shalt  }
0x7c: {  	_ =	shalt  }
0x7d: {  	_ =	shalt  }
0x7e: {  	_ =	shalt  }
0x7f: {  	_ =	shalt  }
0x80: {  	_ =	shalt  }
0x81: {  	_ =	shalt  }
0x82: {  	_ =	shalt  }
0x83: {  	_ =	shalt  }
0x84: {  	_ =	shalt  }
0x85: {  	_ =	shalt  }
0x86: {  	_ =	shalt  }
0x87: {  	_ =	shalt  }
.Lfunc_end0:
.L_simem_size_0:
called_computation_lowered:
.L_overlay_start_0:
0x88: {  	s2 =	sld [smem:$0x3FD9]  }
0x89: {  	s3 =	sld [smem:$0x3FFE];
	_ =	sdelay $0x1  }
0x8a: {  	s1 =	srdreg.scid  }
0x8b: {  	s0 =	sand.u32 $0x1, s1  }
0x8c: {  	s14 =	sshll.u32 s0, $0xA;
	s2 =	sadd.s32 s3, s2  }
0x8d: {  	s2 =	sadd.s32 s2, s14  }
0x8e: {  	[smem:$0x3FC6] =	sst s2  }
0x8f: {  	_ = 	snop  }
0x90: {  	s2 =	sld [smem:$0x3FD0];
	_ =	sdelay $0x1  }
0x91: {  	s15 =	sld [smem:$0x3FC9]  }
0x92: {  	s5 =	simm.s32 $0xA;
	s6 =	simm.s32 $0x10;
	s4 =	sld [smem:$0x3FC8]  }
0x93: {  	[smem:s6], [sflag:s5] =	dma.local [hbm:s2], $0x1  }
0x94: {  	_ =	swait.eq [sflag:s5], $0x1  }
0x95: {  	[sflag:s5] =	ssyncset.done $0x0  }
0x96: {  	s16 =	sld [smem:$0x10];
	[sflag:s5] =	ssyncadd.s32 $0xFFFFFFFF  }
0x97: {  	s17 =	sld [smem:$0x11];
	(tm) =	ssettm $0x1  }
0x98: {  	s18 =	sld [smem:$0x3FFB];
	_ =	sdelay $0x3  }
0x99: {  	_ =	strace s18  }
0x9a: {  	s6 =	sld [smem:$0x3FFC];
	_ =	sdelay $0x3  }
0x9b: {  	_ =	strace s6  }
0x9c: {  	s6 =	sld [smem:$0x3FFD];
	_ =	sdelay $0x3  }
0x9d: {  	_ =	strace s6  }
0x9e: {  	_ =	strace $0x8FFFFFFF  }
0x9f: {  	s19 =	sld [smem:$0x3FDB];
	_ =	sdelay $0x1  }
0xa0: {  	s7 =	simm.s32 $_scs_section_size  }
0xa1: {  	s8 =	simm.s32 $_size__tile_overlayer_lowered;
	s9 =	simm.s32 $_tile_overlayer_lowered  }
0xa2: {  	s22 =	simm.s32 $0x1BFF;
	s21 =	sshll.u32 s9, $0x1;
	s6 =	sadd.s32 s7, s19  }
0xa3: {  	s10 =	simm.s32 $0x0;
	s20 =	sshll.u32 s8, $0x1;
	s8 =	sadd.s32 s21, s6  }
0xa4: {  	[timem:s10], [sflag:s22] =	dma.local [hbm:s8], s20  }
0xa5: {  	_ =	swait.ge [sflag:s22], s20  }
0xa6: {  	s7 =	ssub.s32 $0x0, s20;
	[sflag:s22] =	ssyncset.done $0x0  }
0xa7: {  	[sflag:s22] =	ssyncadd.s32 s7;
	_ =	sdelay $0x1  }
0xa8: {  	s23 =	simm.s32 $0x1B8B  }
0xa9: {  	_ =	swait.ge [sflag:s23], $0x1  }
0xaa: {  	[sflag:s23] =	ssyncset.done $0x0  }
0xab: {  	s25 =	simm.s32 $0x1B8E;
	s24 =	sld [smem:$0x3FFE];
	[sflag:s23] =	ssyncadd.s32 $0xFFFFFFFF  }
0xac: {  	s26 =	simm.s32 $execute0_lowered;
	[smem:$0x3FD2] =	sst s25  }
0xad: {  	s8 =	sshll.u32 s26, $0x1;
	_ =	strace $0x80000046;
	[dreg:$0x1] =	wrdreg $0xFFFFFFFF  }
0xae: {  	s28 =	simm.s32 $_size_execute0_lowered;
	s6 =	sadd.s32 s6, s8;
	[dreg:$0x0] =	wrdreg $0x0  }
0xaf: {  	s8 =	sshll.u32 s28, $0x1;
	[dreg:$0x2] =	wrdreg s6  }
0xb0: {  	[dreg:$0x3] =	wrdreg s8  }
0xb1: {  	[dreg:$0x4] =	wrdreg $0xC0  }
0xb2: {  	_ =	task [dreg:s10], $0x5FFFF  }
0xb3: {  	[dreg:$0x1] =	wrdreg $0xFFFFFFFF  }
0xb4: {  	[dreg:$0x0] =	wrdreg $0x60  }
0xb5: {  	[dreg:$0x2] =	wrdreg s15  }
0xb6: {  	[dreg:$0x3] =	wrdreg s4  }
0xb7: {  	[dreg:$0x4] =	wrdreg s24  }
0xb8: {  	[dreg:$0x5] =	wrdreg s16  }
0xb9: {  	[dreg:$0x6] =	wrdreg s17  }
0xba: {  	[dreg:$0x7] =	wrdreg $0x9  }
0xbb: {  	_ =	task.clear_ibuf [dreg:s10], $0x8FFFF;
	_ =	strace $0x90000046  }
0xbc: {  	s29 =	simm.s32 $0x9;
	_ =	strace $0x80000048  }
0xbd: {  	_ =	swait.ge [sflag:s29], $0x1  }
0xbe: {  	[sflag:s29] =	ssyncadd.s32 $0xFFFFFFFF  }
0xbf: {  	_ =	strace $0x90000048  }
0xc0: {  	_ =	sfence  }
0xc1: {  	s30 =	sld [smem:$0x0];
	_ =	sdelay $0x2  }
0xc2: {  	s31 =	sshll.u32 s1, $0xD;
	s1 =	sshrl.u32 s1, $0x2  }
0xc3: {  	s3 =	sand.u32 $0x4000, s31;
	s1 =	sadd.s32 s1, s30  }
0xc4: {  	s0 =	sor.u32 s3, s0;
	s1 =	sshll.u32 s1, $0x11  }
0xc5: {  	s0 =	sor.u32 s1, s0  }
0xc6: {  	s0 =	sadd.s32 $0x8F2B, s0  }
0xc7: {  	[sflag:s0] =	ssyncadd.remote.s32 $0x1  }
0xc8: {  	_ =	sfence.sel $0xFFFF  }
0xc9: {  	[dreg:$0x0] =	wrdreg $0xFFFFFFFF;
	(pc) =	sbr.abs _section_cstart, $3  }
0xca: {  	[dreg:$0x1] =	wrdreg $0xFFFFFFFF  }
0xcb: {  	_ =	task.clear_ibuf [dreg:s10], $0x2FFFF;
	_ =	strace $0x9FFFFFFF  }
0xcc: {  	(tm) =	ssettm $0x7FFFFFFF  }
0xcd: {  	_ =	shalt  }
tec
execute0_lowered:
.L_overlay_start_1:
0x0: {  	(tag) =	ssettag $0x1  }
0x1: {  	s0 =	srdreg.scid;
	s1 =	rddreg [dreg:$0x0]  }
0x2: {  	s5 =	stileid.u32;
	s2 =	rddreg [dreg:$0x1]  }
0x3: {  	s22 =	rddreg [dreg:$0x2];
	s6 =	simm.s32 $0x0;
	s0 =	sand.u32 $0x1, s0  }
0x4: {  	s4 =	simm.s32 $0x1;
	[smem:$0x7FF] =	sst s6;
	s3 =	sor.u32 s0, s5  }
0x5: {  	p1 =	seq.s32 s0, $0x1;
	s8 =	sshll.u32 s0, $0x7;
	p0 =	seq.s32 s3, $0x0  }
0x6: {  	_ =	strace $0x80000047;
	s0 =	ssub.s32 $0x2, s0;
	p0 =	por !p0, !p1  }
0x7: {  	s3 =	sadd.s32 $0x800, s22;
	s24 =	sshrl.u32 s0, $0x1;
	p0 =	por !p0, !p0  }
0x8: {  	[dreg:$0x6] =	wrdreg s8;
	s0 =	ssub.s32 s0, s24;
	s4 =	simm.s32 @!p0 $0x0  }
0x9: {  	[dreg:$0x7] =	wrdreg s3;
	s0 =	smax.u32 s0, $0x1;
	s4 =	ssub.s32 s5, s4  }
0xa: {  	[dreg:$0x1b] =	wrdreg s0;
	s9 =	sshll.u32 s4, $0xB;
	s4 =	sshll.u32 s4, $0x8  }
0xb: {  	s23 =	sor.u32 s8, s9;
	s7 =	sor.u32 $0x100, s9;
	s29 =	sor.u32 $0x200, s9  }
0xc: {  	s31 =	sor.u32 $0x300, s9;
	s11 =	sor.u32 $0x400, s9;
	s22 =	sor.u32 $0x500, s9  }
0xd: {  	s24 =	sor.u32 $0x600, s9;
	s3 =	sshll.u32 s23, $0x5;
	[dreg:$0xb] =	wrdreg s7  }
0xe: {  	s7 =	sor.u32 s8, s7;
	[dreg:$0xd] =	wrdreg s29;
	s5 =	sor.u32 s8, s29  }
0xf: {  	s15 =	smov.u32 s31;
	s10 =	sor.u32 s8, s31;
	s17 =	smov.u32 s11  }
0x10: {  	s16 =	sor.u32 s8, s22;
	s19 =	sor.u32 s8, s24;
	s29 =	sor.u32 s8, s4  }
0x11: {  	s31 =	sor.u32 $0x10, s8;
	s3 =	sand.u32 $0x1FFF1000, s3;
	s26 =	sshll.u32 s7, $0x5  }
0x12: {  	s5 =	sshll.u32 s5, $0x5;
	s7 =	sor.u32 s8, s11;
	[dreg:$0x1a] =	wrdreg s29  }
0x13: {  	s18 =	sshll.u32 s16, $0x5;
	[dreg:$0x1d] =	wrdreg s31;
	s25 =	sadd.s32 s1, s3  }
0x14: {  	s3 =	sadd.s32 s2, s3;
	s28 =	sand.u32 $0x1FFF3000, s26;
	[dreg:$0x8] =	wrdreg s25  }
0x15: {  	s13 =	sshll.u32 s7, $0x5;
	[dreg:$0x9] =	wrdreg s3;
	s30 =	sadd.s32 s1, s28  }
0x16: {  	s26 =	sor.u32 $0x700, s9;
	s3 =	sadd.s32 s2, s28;
	[dreg:$0xa] =	wrdreg s30  }
0x17: {  	[dreg:$0xc] =	wrdreg s3;
	s3 =	sand.u32 $0x1FFF5000, s5;
	s30 =	sshll.u32 s29, $0xA  }
0x18: {  	s5 =	sshll.u32 s10, $0x5;
	s10 =	sadd.s32 s1, s3;
	[dreg:$0x1c] =	wrdreg s30  }
0x19: {  	s5 =	sand.u32 $0x1FFF7000, s5;
	s3 =	sadd.s32 s2, s3;
	[dreg:$0xe] =	wrdreg s10  }
0x1a: {  	s21 =	sor.u32 s8, s26;
	[dreg:$0xf] =	wrdreg s3;
	s12 =	sadd.s32 s1, s5  }
0x1b: {  	s5 =	sadd.s32 s2, s5;
	s3 =	sand.u32 $0x1FFF9000, s13;
	[dreg:$0x10] =	wrdreg s12  }
0x1c: {  	[dreg:$0x11] =	wrdreg s5;
	s14 =	sadd.s32 s1, s3;
	s3 =	sadd.s32 s2, s3  }
0x1d: {  	s23 =	sshll.u32 s21, $0x5;
	[dreg:$0x13] =	wrdreg s3;
	s3 =	sand.u32 $0x1FFFB000, s18  }
0x1e: {  	s5 =	sshll.u32 s19, $0x5;
	[dreg:$0x12] =	wrdreg s14;
	s20 =	sadd.s32 s1, s3  }
0x1f: {  	s5 =	sand.u32 $0x1FFFD000, s5;
	s3 =	sadd.s32 s2, s3;
	[dreg:$0x14] =	wrdreg s20  }
0x20: {  	s13 =	smov.u32 s9;
	s25 =	sadd.s32 s1, s5;
	[dreg:$0x15] =	wrdreg s3  }
0x21: {  	s5 =	sadd.s32 s2, s5;
	[dreg:$0x16] =	wrdreg s25;
	s3 =	sand.u32 $0x1FFFF000, s23  }
0x22: {  	s12 =	simm.s32 $0x1;
	[dreg:$0x17] =	wrdreg s5;
	s28 =	sadd.s32 s1, s3  }
0x23: {  	s18 =	simm.s32 $0x18000;
	s3 =	sadd.s32 s2, s3;
	[dreg:$0x18] =	wrdreg s28  }
0x24: {  	v0 =	vimm.s32 $0x0;
	s5 =	simm.s32 $0x0;
	[dreg:$0x19] =	wrdreg s3;
	s3 =	simm.s32 $0x2  }
.LBB2_1:
0x25: {  	[dreg:$0x1e] =	wrdreg s5  }
0x26: {  	s0 =	rddreg [dreg:$0x7];
	s10 =	simm.s32 $0x5  }
0x27: {  	[tilespmem:s18], [sflag:$0x5] =	stream.linear.gather [hbm4b:s0+s6], $0x100, $0x38;
	[tilespmem:$0x18100] =	vst v63  }
0x28: {  	_ =	swait.ge [sflag:s10], $0x100  }
0x29: {  	[sflag:s10] =	ssyncset.done $0x0  }
0x2a: {  	s11 =	rddreg [dreg:$0x8];
	[sflag:s10] =	ssyncadd.s32 $0xFFFFFF00  }
0x2b: {  	[tilespmem:s6], [sflag:$0x1] =	stream.linear.gather [hbm4b:s11+s6], $0x800, $0x38;
	[tilespmem:$0x18100] =	vst v63  }
0x2c: {  	s4 =	simm.s32 $0x8000;
	s14 =	rddreg [dreg:$0x9]  }
0x2d: {  	[tilespmem:s4], [sflag:$0x1] =	stream.linear.gather [hbm4b:s14+s6], $0x800, $0x38;
	[tilespmem:$0x18100] =	vst v63  }
0x2e: {  	s19 =	simm.s32 $0x800;
	s16 =	rddreg [dreg:$0xa]  }
0x2f: {  	[tilespmem:s19], [sflag:$0x1] =	stream.linear.gather [hbm4b:s16+s6], $0x800, $0x38;
	[tilespmem:$0x18100] =	vst v63  }
0x30: {  	s21 =	simm.s32 $0x8800;
	s20 =	rddreg [dreg:$0xc]  }
0x31: {  	[tilespmem:s21], [sflag:$0x1] =	stream.linear.gather [hbm4b:s20+s6], $0x800, $0x38;
	[tilespmem:$0x18100] =	vst v63  }
0x32: {  	s25 =	simm.s32 $0x1000;
	s23 =	rddreg [dreg:$0xe]  }
0x33: {  	[tilespmem:s25], [sflag:$0x1] =	stream.linear.gather [hbm4b:s23+s6], $0x800, $0x38;
	[tilespmem:$0x18100] =	vst v63  }
0x34: {  	s29 =	simm.s32 $0x9000;
	s28 =	rddreg [dreg:$0xf]  }
0x35: {  	[tilespmem:s29], [sflag:$0x1] =	stream.linear.gather [hbm4b:s28+s6], $0x800, $0x38;
	[tilespmem:$0x18100] =	vst v63  }
0x36: {  	s31 =	simm.s32 $0x1800;
	s30 =	rddreg [dreg:$0x10]  }
0x37: {  	[tilespmem:s31], [sflag:$0x1] =	stream.linear.gather [hbm4b:s30+s6], $0x800, $0x38;
	[tilespmem:$0x18100] =	vst v63  }
0x38: {  	s5 =	simm.s32 $0x9800;
	s4 =	rddreg [dreg:$0x11]  }
0x39: {  	[tilespmem:s5], [sflag:$0x1] =	stream.linear.gather [hbm4b:s4+s6], $0x800, $0x38;
	[tilespmem:$0x18100] =	vst v63  }
0x3a: {  	s8 =	simm.s32 $0x2000;
	s7 =	rddreg [dreg:$0x12]  }
0x3b: {  	[tilespmem:s8], [sflag:$0x1] =	stream.linear.gather [hbm4b:s7+s6], $0x800, $0x38;
	[tilespmem:$0x18100] =	vst v63  }
0x3c: {  	s9 =	rddreg [dreg:$0x13];
	s10 =	simm.s32 $0xA000  }
0x3d: {  	[tilespmem:s10], [sflag:$0x1] =	stream.linear.gather [hbm4b:s9+s6], $0x800, $0x38;
	[tilespmem:$0x18100] =	vst v63  }
0x3e: {  	s11 =	rddreg [dreg:$0x14];
	s14 =	simm.s32 $0x2800  }
0x3f: {  	[tilespmem:s14], [sflag:$0x1] =	stream.linear.gather [hbm4b:s11+s6], $0x800, $0x38;
	[tilespmem:$0x18100] =	vst v63  }
0x40: {  	s16 =	rddreg [dreg:$0x15];
	s19 =	simm.s32 $0xA800  }
0x41: {  	[tilespmem:s19], [sflag:$0x1] =	stream.linear.gather [hbm4b:s16+s6], $0x800, $0x38;
	[tilespmem:$0x18100] =	vst v63  }
0x42: {  	s20 =	rddreg [dreg:$0x16];
	s21 =	simm.s32 $0x3000  }
0x43: {  	[tilespmem:s21], [sflag:$0x1] =	stream.linear.gather [hbm4b:s20+s6], $0x800, $0x38;
	[tilespmem:$0x18100] =	vst v63  }
0x44: {  	s23 =	rddreg [dreg:$0x17];
	s25 =	simm.s32 $0xB000  }
0x45: {  	[tilespmem:s25], [sflag:$0x1] =	stream.linear.gather [hbm4b:s23+s6], $0x800, $0x38;
	[tilespmem:$0x18100] =	vst v63  }
0x46: {  	s28 =	rddreg [dreg:$0x18];
	s29 =	simm.s32 $0x3800  }
0x47: {  	[tilespmem:s29], [sflag:$0x1] =	stream.linear.gather [hbm4b:s28+s6], $0x800, $0x38;
	[tilespmem:$0x18100] =	vst v63  }
0x48: {  	s30 =	rddreg [dreg:$0x19];
	s31 =	simm.s32 $0xB800;
	s19 =	simm.s32 $0x0  }
0x49: {  	[tilespmem:s31], [sflag:$0x1] =	stream.linear.gather [hbm4b:s30+s6], $0x800, $0x38;
	[tilespmem:$0x18100] =	vst v63  }
.LBB2_2:
0x4a: {  	s21 =	sshll.u32 s19, $0x4  }
0x4b: {  	s0 =	rddreg [dreg:$0x6];
	s20 =	sor.u32 $0x8, s21  }
0x4c: {  	s0 =	sor.u32 s0, s20  }
0x4d: {  	s4 =	sadd.s32 s13, s0  }
0x4e: {  	s4 =	sshll.u32 s4, $0x5  }
0x4f: {  	s4 =	sand.u32 $0x1FFFFF00, s4  }
0x50: {  	s7 =	simm.s32 $0x4000;
	s5 =	sadd.s32 s1, s4  }
0x51: {  	[tilespmem:s7], [sflag:$0x2] =	stream.linear.gather [hbm4b:s5+s6], $0x800, $0x38;
	[tilespmem:$0x18100] =	vst v63  }
0x52: {  	s16 =	simm.s32 $0xC000;
	s23 =	rddreg [dreg:$0xb];
	s4 =	sadd.s32 s2, s4  }
0x53: {  	[tilespmem:s16], [sflag:$0x2] =	stream.linear.gather [hbm4b:s4+s6], $0x800, $0x38;
	[tilespmem:$0x18100] =	vst v63  }
0x54: {  	s4 =	sadd.s32 s23, s0  }
0x55: {  	s4 =	sshll.u32 s4, $0x5  }
0x56: {  	s4 =	sand.u32 $0x1FFFFF00, s4  }
0x57: {  	s31 =	simm.s32 $0x4800;
	s25 =	sadd.s32 s1, s4  }
0x58: {  	[tilespmem:s31], [sflag:$0x2] =	stream.linear.gather [hbm4b:s25+s6], $0x800, $0x38;
	[tilespmem:$0x18100] =	vst v63  }
0x59: {  	s8 =	simm.s32 $0xC800;
	s9 =	rddreg [dreg:$0xd];
	s4 =	sadd.s32 s2, s4  }
0x5a: {  	[tilespmem:s8], [sflag:$0x2] =	stream.linear.gather [hbm4b:s4+s6], $0x800, $0x38;
	[tilespmem:$0x18100] =	vst v63  }
0x5b: {  	s4 =	sadd.s32 s9, s0  }
0x5c: {  	s4 =	sshll.u32 s4, $0x5  }
0x5d: {  	s4 =	sand.u32 $0x1FFFFF00, s4  }
0x5e: {  	s11 =	simm.s32 $0x5000;
	s10 =	sadd.s32 s1, s4  }
0x5f: {  	[tilespmem:s11], [sflag:$0x2] =	stream.linear.gather [hbm4b:s10+s6], $0x800, $0x38;
	[tilespmem:$0x18100] =	vst v63  }
0x60: {  	s14 =	simm.s32 $0xD000;
	s16 =	sadd.s32 s15, s0;
	s4 =	sadd.s32 s2, s4  }
0x61: {  	[tilespmem:s14], [sflag:$0x2] =	stream.linear.gather [hbm4b:s4+s6], $0x800, $0x38;
	[tilespmem:$0x18100] =	vst v63  }
0x62: {  	s4 =	sshll.u32 s16, $0x5  }
0x63: {  	s4 =	sand.u32 $0x1FFFFF00, s4  }
0x64: {  	s25 =	simm.s32 $0x5800;
	s23 =	sadd.s32 s1, s4  }
0x65: {  	[tilespmem:s25], [sflag:$0x2] =	stream.linear.gather [hbm4b:s23+s6], $0x800, $0x38;
	[tilespmem:$0x18100] =	vst v63  }
0x66: {  	s5 =	sadd.s32 s17, s0;
	s31 =	simm.s32 $0xD800;
	s4 =	sadd.s32 s2, s4  }
0x67: {  	[tilespmem:s31], [sflag:$0x2] =	stream.linear.gather [hbm4b:s4+s6], $0x800, $0x38;
	[tilespmem:$0x18100] =	vst v63  }
0x68: {  	s4 =	sshll.u32 s5, $0x5  }
0x69: {  	s4 =	sand.u32 $0x1FFFFF00, s4  }
0x6a: {  	s8 =	simm.s32 $0x6000;
	s7 =	sadd.s32 s1, s4  }
0x6b: {  	[tilespmem:s8], [sflag:$0x2] =	stream.linear.gather [hbm4b:s7+s6], $0x800, $0x38;
	[tilespmem:$0x18100] =	vst v63  }
0x6c: {  	s9 =	simm.s32 $0xE000;
	s10 =	sadd.s32 s22, s0;
	s4 =	sadd.s32 s2, s4  }
0x6d: {  	[tilespmem:s9], [sflag:$0x2] =	stream.linear.gather [hbm4b:s4+s6], $0x800, $0x38;
	[tilespmem:$0x18100] =	vst v63  }
0x6e: {  	s4 =	sshll.u32 s10, $0x5  }
0x6f: {  	s4 =	sand.u32 $0x1FFFFF00, s4  }
0x70: {  	s14 =	simm.s32 $0x6800;
	s11 =	sadd.s32 s1, s4  }
0x71: {  	[tilespmem:s14], [sflag:$0x2] =	stream.linear.gather [hbm4b:s11+s6], $0x800, $0x38;
	[tilespmem:$0x18100] =	vst v63  }
0x72: {  	s16 =	simm.s32 $0xE800;
	s23 =	sadd.s32 s24, s0;
	s4 =	sadd.s32 s2, s4  }
0x73: {  	[tilespmem:s16], [sflag:$0x2] =	stream.linear.gather [hbm4b:s4+s6], $0x800, $0x38;
	[tilespmem:$0x18100] =	vst v63  }
0x74: {  	s4 =	sshll.u32 s23, $0x5  }
0x75: {  	s0 =	sadd.s32 s26, s0;
	s4 =	sand.u32 $0x1FFFFF00, s4  }
0x76: {  	s0 =	sshll.u32 s0, $0x5;
	s31 =	simm.s32 $0x7000;
	s25 =	sadd.s32 s1, s4  }
0x77: {  	[tilespmem:s31], [sflag:$0x2] =	stream.linear.gather [hbm4b:s25+s6], $0x800, $0x38;
	[tilespmem:$0x18100] =	vst v63  }
0x78: {  	s0 =	sand.u32 $0x1FFFFF00, s0;
	s7 =	simm.s32 $0xF000;
	s4 =	sadd.s32 s2, s4  }
0x79: {  	[tilespmem:s7], [sflag:$0x2] =	stream.linear.gather [hbm4b:s4+s6], $0x800, $0x38;
	[tilespmem:$0x18100] =	vst v63  }
0x7a: {  	s8 =	sadd.s32 s1, s0;
	s9 =	simm.s32 $0x7800  }
0x7b: {  	[tilespmem:s9], [sflag:$0x2] =	stream.linear.gather [hbm4b:s8+s6], $0x800, $0x38;
	[tilespmem:$0x18100] =	vst v63  }
0x7c: {  	s0 =	sadd.s32 s2, s0;
	s10 =	simm.s32 $0xF800  }
0x7d: {  	[tilespmem:s10], [sflag:$0x2] =	stream.linear.gather [hbm4b:s0+s6], $0x800, $0x38;
	[tilespmem:$0x18100] =	vst v63  }
0x7e: {  	_ =	swait.ge [sflag:s12], $0x800  }
0x7f: {  	[sflag:s12] =	ssyncset.done $0x0  }
0x80: {  	[sflag:s12] =	ssyncadd.s32 $0xFFFFF800  }
0x81: {  	_ =	swait.ge [sflag:s12], $0x800  }
0x82: {  	[sflag:s12] =	ssyncset.done $0x0  }
0x83: {  	[sflag:s12] =	ssyncadd.s32 $0xFFFFF800  }
0x84: {  	_ =	swait.ge [sflag:s12], $0x800  }
0x85: {  	[sflag:s12] =	ssyncset.done $0x0  }
0x86: {  	[sflag:s12] =	ssyncadd.s32 $0xFFFFF800  }
0x87: {  	_ =	swait.ge [sflag:s12], $0x800  }
0x88: {  	[sflag:s12] =	ssyncset.done $0x0  }
0x89: {  	[sflag:s12] =	ssyncadd.s32 $0xFFFFF800  }
0x8a: {  	_ =	swait.ge [sflag:s12], $0x800  }
0x8b: {  	[sflag:s12] =	ssyncset.done $0x0  }
0x8c: {  	[sflag:s12] =	ssyncadd.s32 $0xFFFFF800  }
0x8d: {  	_ =	swait.ge [sflag:s12], $0x800  }
0x8e: {  	[sflag:s12] =	ssyncset.done $0x0  }
0x8f: {  	[sflag:s12] =	ssyncadd.s32 $0xFFFFF800  }
0x90: {  	_ =	swait.ge [sflag:s12], $0x800  }
0x91: {  	[sflag:s12] =	ssyncset.done $0x0  }
0x92: {  	[sflag:s12] =	ssyncadd.s32 $0xFFFFF800  }
0x93: {  	_ =	swait.ge [sflag:s12], $0x800  }
0x94: {  	[sflag:s12] =	ssyncset.done $0x0  }
0x95: {  	[sflag:s12] =	ssyncadd.s32 $0xFFFFF800  }
0x96: {  	_ =	swait.ge [sflag:s12], $0x800  }
0x97: {  	[sflag:s12] =	ssyncset.done $0x0  }
0x98: {  	[sflag:s12] =	ssyncadd.s32 $0xFFFFF800  }
0x99: {  	_ =	swait.ge [sflag:s12], $0x800  }
0x9a: {  	[sflag:s12] =	ssyncset.done $0x0  }
0x9b: {  	[sflag:s12] =	ssyncadd.s32 $0xFFFFF800  }
0x9c: {  	_ =	swait.ge [sflag:s12], $0x800  }
0x9d: {  	[sflag:s12] =	ssyncset.done $0x0  }
0x9e: {  	[sflag:s12] =	ssyncadd.s32 $0xFFFFF800  }
0x9f: {  	_ =	swait.ge [sflag:s12], $0x800  }
0xa0: {  	[sflag:s12] =	ssyncset.done $0x0  }
0xa1: {  	[sflag:s12] =	ssyncadd.s32 $0xFFFFF800  }
0xa2: {  	_ =	swait.ge [sflag:s12], $0x800  }
0xa3: {  	[sflag:s12] =	ssyncset.done $0x0  }
0xa4: {  	[sflag:s12] =	ssyncadd.s32 $0xFFFFF800  }
0xa5: {  	_ =	swait.ge [sflag:s12], $0x800  }
0xa6: {  	[sflag:s12] =	ssyncset.done $0x0  }
0xa7: {  	[sflag:s12] =	ssyncadd.s32 $0xFFFFF800  }
0xa8: {  	_ =	swait.ge [sflag:s12], $0x800  }
0xa9: {  	[sflag:s12] =	ssyncset.done $0x0  }
0xaa: {  	[sflag:s12] =	ssyncadd.s32 $0xFFFFF800  }
0xab: {  	_ =	swait.ge [sflag:s12], $0x800  }
0xac: {  	p0 =	seq.s32 s19, $0x0;
	[sflag:s12] =	ssyncset.done $0x0  }
0xad: {  	s5 =	simm.s32 @!p0 $0x3;
	[sflag:s12] =	ssyncadd.s32 $0xFFFFF800  }
0xae: {  	_ =	swait.ge @!p0 [sflag:s5], $0x2000  }
0xaf: {  	s11 =	simm.s32 $0x0;
	s14 =	simm.s32 $0x0;
	[sflag:s5] =	ssyncset.done @!p0 $0x0  }
0xb0: {  	s11 =	sand.u32 $0x7, s11;
	s23 =	simm.s32 $0x0;
	[sflag:s5] =	ssyncadd.s32 @!p0 $0xFFFFE000  }
0xb1: {  	s16 =	sshll.u32 s11, $0x8;
	s0 =	sand.u32 $0x40, s23;
	_ =	swait.ge @!p0 [sflag:s5], $0x2000  }
0xb2: {  	s9 =	sor.u32 s14, s16;
	s25 =	sor.u32 $0x30, s0;
	[sflag:s5] =	ssyncset.done @!p0 $0x0  }
0xb3: {  	s10 =	sor.u32 s25, s9;
	[sflag:s5] =	ssyncadd.s32 @!p0 $0xFFFFE000  }
0xb4: {  	v1 =	vld [tilespmem:s10+$0x0]  }
0xb5: {  	s14 =	sor.u32 s0, s9;
	v2 =	vld [tilespmem:s10+$0x80]  }
0xb6: {  	v3 =	vld [tilespmem:s14+$0x0]  }
0xb7: {  	v4 =	vld [tilespmem:s14+$0x80]  }
0xb8: {  	s7 =	sor.u32 $0x10, s0;
	v22 =	vld [tilespmem:s10+$0x8000]  }
0xb9: {  	s8 =	sor.u32 $0x20, s0;
	s16 =	sor.u32 s7, s9;
	v24 =	vld [tilespmem:s10+$0x8080]  }
0xba: {  	s9 =	sor.u32 s8, s9;
	v13 =	vld [tilespmem:s16+$0x8000]  }
0xbb: {  	v16 =	vld [tilespmem:s9+$0x8000]  }
0xbc: {  	v12 =	vld [tilespmem:s14+$0x8000]  }
0xbd: {  	v10 =	vld [tilespmem:s16+$0x8080]  }
0xbe: {  	v11 =	vld [tilespmem:s9+$0x8080]  }
0xbf: {  	v19 =	vsub.f32 v2, v1  }
0xc0: {  	v1 =	vsub.f32 v4, v3;
	v17 =	vshrl.u32 v13, $0x10;
	v21 =	vshrl.u32 v16, $0x10  }
0xc1: {  	v34 =	vand.u32 $0x7FFFFF, v22;
	v35 =	vand.u32 $0x7FFFFF, v12;
	v38 =	vand.u32 $0x7FFFFF, v24  }
0xc2: {  	v5 =	vld [tilespmem:s16+$0x0];
	v63 =	vand.u32 $0x7FFFFF, v13;
	v44 =	vand.u32 $0x7FFFFF, v16;
	v49 =	vand.u32 $0x7FFFFF, v10  }
0xc3: {  	v6 =	vld [tilespmem:s16+$0x80];
	v51 =	vand.u32 $0x7FFFFF, v11;
	v13 =	vshra.s32 v13, $0x17;
	v16 =	vshra.s32 v16, $0x17  }
0xc4: {  	v58 =	vshra.s32 v10, $0x17;
	v20 =	vand.u32 $0x7F, v17;
	v21 =	vand.u32 $0x7F, v21  }
0xc5: {  	v7 =	vld [tilespmem:s9+$0x0];
	v34 =	vor.u32 $0x3F800000, v34;
	v38 =	vor.u32 $0x3F800000, v38;
	v48 =	vor.u32 $0x3F800000, v44  }
0xc6: {  	v8 =	vld [tilespmem:s9+$0x80];
	v13 =	vadd.s32 $0xFFFFFF81, v13;
	v16 =	vadd.s32 $0xFFFFFF81, v16;
	v2 =	vand.u32 $0x7FFFFFFF, v19  }
0xc7: {  	v14 =	vmul.f32 $1.442695020e+00, v1;
	v3 =	vand.u32 $0x7FFFFFFF, v1;
	v28 =	vor.u32 $0x80, v20  }
0xc8: {  	v29 =	vor.u32 $0x80, v21;
	v4 =	vsub.f32 $0.0e+00, v2;
	v2 =	vsub.f32 v6, v5  }
0xc9: {  	v37 =	vmul.f32 $1.442695020e+00, v19;
	v47 =	vsub.f32 $0.0e+00, v19;
	v59 =	vcvt.s32.f32 v13  }
0xca: {  	v5 =	vsub.f32 $0.0e+00, v3;
	v6 =	vmul.f32 $1.442695020e+00, v4;
	v9 =	vand.u32 $0x7FFFFFFF, v2  }
0xcb: {  	v4 =	vsub.f32 v8, v7;
	v8 =	vshrl.u32 v22, $0x10;
	v7 =	vsub.f32 $0.0e+00, v9  }
0xcc: {  	v25 =	vand.u32 $0x7F, v8;
	v8 =	vshrl.u32 v24, $0x10;
	(erf) = vpow2.f32 v6  }
0xcd: {  	v6 =	vand.u32 $0x7FFFFFFF, v4;
	v9 =	vor.u32 $0x80, v25;
	v26 =	vand.u32 $0x7F, v8  }
0xce: {  	v5 =	vmul.f32 $1.442695020e+00, v5;
	v6 =	vsub.f32 $0.0e+00, v6;
	v8 =	vor.u32 $0x80, v26  }
0xcf: {  	v15 =	vld [tilespmem:s14+$0x8080];
	v61 =	vcvt.s32.f32 v16;
	v3 =	vsub.f32 $0.0e+00, v1;
	v7 =	vmul.f32 $1.442695020e+00, v7  }
0xd0: {  	v24 =	vshra.s32 v24, $0x17;
	(erf) = vpow2.f32 v5;
	v6 =	vmul.f32 $1.442695020e+00, v6  }
0xd1: {  	v18 =	vmul.f32 $1.442695020e+00, v2;
	v24 =	vadd.s32 $0xFFFFFF81, v24;
	(erf) = vpow2.f32 v7  }
0xd2: {  	v52 =	vmul.f32 $1.442695020e+00, v4;
	v7 =	vshrl.u32 v10, $0x10;
	(erf) = vpow2.f32 v6;
	v6 =	vld.idx.msk [tilespmem:v9+s18+$0x0], $0xffff  }
0xd3: {  	v5 =	vshrl.u32 v12, $0x10;
	v24 =	vcvt.s32.f32 v24;
	v9 =	vand.u32 $0x7F, v7;
	v7 =	vld.idx.msk [tilespmem:v8+s18+$0x0], $0xffff  }
0xd4: {  	v12 =	vshra.s32 v12, $0x17;
	v23 =	vand.u32 $0x7F, v5;
	v5 =	vshrl.u32 v15, $0x10  }
0xd5: {  	v12 =	vadd.s32 $0xFFFFFF81, v12;
	v17 =	vand.u32 $0x7F, v5;
	v5 =	vshrl.u32 v11, $0x10;
	v26 =	vld.idx.msk [tilespmem:v26+s18+$0x0], $0xffff;
	v30 =	vpop (erf)  }
0xd6: {  	v27 =	vor.u32 $0x80, v23;
	v8 =	vand.u32 $0x7F, v5;
	v5 =	vmul.f32 $3.010262550e-02, v30  }
0xd7: {  	v57 =	vcvt.s32.f32 v12;
	v11 =	vshra.s32 v11, $0x17;
	v34 =	vmul.f32 v34, v6  }
0xd8: {  	v31 =	vor.u32 $0x80, v17;
	v7 =	vmul.f32 v38, v7;
	v36 =	vadd.f32 $-1.301194130e-01, v5  }
0xd9: {  	v32 =	vor.u32 $0x80, v9;
	v33 =	vor.u32 $0x80, v8;
	v34 =	vadd.f32 $-1.000000000e+00, v34  }
0xda: {  	v25 =	vld.idx.msk [tilespmem:v25+s18+$0x0], $0xffff;
	v24 =	vadd.f32 v24, v26;
	v38 =	vadd.f32 $-1.000000000e+00, v7;
	v5 =	vpop (erf);
	v36 =	vmul.f32 v36, v30  }
0xdb: {  	v7 =	vshra.s32 v22, $0x17;
	v22 =	vmul.f32 $7.213475100e-01, v34;
	v39 =	vmul.f32 $3.010262550e-02, v5  }
0xdc: {  	v40 =	vadd.s32 $0xFFFFFF81, v7;
	v6 =	vpop (erf);
	(erf) = vpow2.f32 v37;
	v41 =	vmul.f32 $7.213475100e-01, v38  }
0xdd: {  	v28 =	vld.idx.msk [tilespmem:v28+s18+$0x0], $0xffff;
	v40 =	vcvt.s32.f32 v40;
	v62 =	vmul.f32 $3.010262550e-02, v6;
	v36 =	vadd.f32 $2.833043340e-01, v36  }
0xde: {  	v7 =	vpop (erf);
	v22 =	vsub.f32 $1.442695020e+00, v22;
	(erf) = vpow2.f32 v14;
	v41 =	vsub.f32 $1.442695020e+00, v41  }
0xdf: {  	v42 =	vmul.f32 $3.010262550e-02, v7;
	v25 =	vadd.f32 v40, v25;
	v45 =	vadd.f32 $-1.301194130e-01, v39  }
0xe0: {  	v36 =	vmul.f32 v36, v30;
	v22 =	vmul.f32 v22, v34;
	v37 =	vadd.f32 $-1.301194130e-01, v62  }
0xe1: {  	v34 =	vor.u32 $0x3F800000, v63;
	v62 =	vld.idx.msk [tilespmem:v21+s18+$0x0], $0xffff;
	v21 =	vadd.s32 $0xFFFFFF81, v58;
	v26 =	vmul.f32 v41, v38  }
0xe2: {  	v28 =	vmul.f32 v34, v28;
	v36 =	vadd.f32 $-4.891568420e-01, v36;
	v22 =	vadd.f32 v22, v25;
	v25 =	vld.idx.msk [tilespmem:v29+s18+$0x0], $0xffff  }
0xe3: {  	v63 =	vadd.s32 $0xFFFFFF81, v11;
	v24 =	vadd.f32 v26, v24;
	v26 =	vadd.f32 $-1.301194130e-01, v42  }
0xe4: {  	v27 =	vld.idx.msk [tilespmem:v27+s18+$0x0], $0xffff;
	v34 =	vor.u32 $0x3F800000, v51;
	v28 =	vadd.f32 $-1.000000000e+00, v28;
	v36 =	vmul.f32 v36, v30  }
0xe5: {  	v29 =	vor.u32 $0x3F800000, v35;
	v26 =	vmul.f32 v26, v7;
	v46 =	vpop (erf);
	(erf) = vpow2.f32 v18  }
0xe6: {  	v36 =	vadd.f32 $9.990104430e-01, v36;
	v18 =	vmul.f32 $7.213475100e-01, v28;
	v22 =	vmul.f32 v22, v46  }
0xe7: {  	v25 =	vmul.f32 v48, v25;
	v26 =	vadd.f32 $2.833043340e-01, v26;
	(erf) = vpow2.f32 v52  }
0xe8: {  	v30 =	vmul.f32 v36, v30;
	v18 =	vsub.f32 $1.442695020e+00, v18;
	vm0 =	vgt.f32 v24, v22;
	v22 =	vld.idx.msk [tilespmem:v31+s18+$0x0], $0xffff  }
0xe9: {  	v24 =	vmul.f32 v29, v27;
	v29 =	vld.idx.msk [tilespmem:v32+s18+$0x0], $0xffff;
	v31 =	vand.u32 $0x7FFFFF, v15;
	v32 =	vor.u32 $0x3F800000, v49  }
0xea: {  	v26 =	vmul.f32 v26, v7;
	v15 =	vshra.s32 v15, $0x17;
	v19 =	vsel vm0, v19, v47  }
0xeb: {  	v27 =	vadd.f32 $2.211703030e-05, v30;
	v30 =	vld.idx.msk [tilespmem:v33+s18+$0x0], $0xffff;
	v16 =	vadd.s32 $0xFFFFFF81, v15;
	v19 =	vmin.f32 v19, $0.0e+00  }
0xec: {  	v24 =	vadd.f32 $-1.000000000e+00, v24;
	v12 =	vadd.f32 $-4.891568420e-01, v26;
	v26 =	vcvt.s32.f32 v16  }
0xed: {  	v16 =	vcvt.s32.f32 v21;
	v50 =	vsub.f32 v19, v27;
	v19 =	vmul.f32 v45, v5  }
0xee: {  	v31 =	vor.u32 $0x3F800000, v31;
	v27 =	vmul.f32 v37, v6;
	v53 =	vmul.f32 $7.213475100e-01, v24  }
0xef: {  	v22 =	vmul.f32 v31, v22;
	v31 =	vadd.f32 $-1.000000000e+00, v25;
	v29 =	vmul.f32 v32, v29  }
0xf0: {  	v25 =	vadd.f32 $2.833043340e-01, v19;
	v27 =	vadd.f32 $2.833043340e-01, v27;
	v30 =	vmul.f32 v34, v30  }
0xf1: {  	v20 =	vld.idx.msk [tilespmem:v20+s18+$0x0], $0xffff;
	v19 =	vadd.f32 $-1.000000000e+00, v22;
	v14 =	vadd.f32 $-1.000000000e+00, v29;
	v29 =	vmul.f32 $7.213475100e-01, v31  }
0xf2: {  	v23 =	vld.idx.msk [tilespmem:v23+s18+$0x0], $0xffff;
	v25 =	vmul.f32 v25, v5;
	v27 =	vmul.f32 v27, v6;
	v22 =	vadd.f32 $-1.000000000e+00, v30  }
0xf3: {  	v30 =	vsub.f32 $1.442695020e+00, v53;
	v54 =	vmul.f32 $7.213475100e-01, v19;
	v29 =	vsub.f32 $1.442695020e+00, v29  }
0xf4: {  	v55 =	vmul.f32 $7.213475100e-01, v14;
	v60 =	vadd.f32 $-4.891568420e-01, v25;
	v25 =	vmul.f32 v18, v28  }
0xf5: {  	s31 =	sshll.u32 s11, $0xA;
	v10 =	vadd.f32 $-4.891568420e-01, v27;
	v18 =	vld.idx.msk [tilespmem:v17+s18+$0x0], $0xffff;
	v56 =	vmul.f32 $7.213475100e-01, v22;
	v24 =	vmul.f32 v30, v24  }
0xf6: {  	s9 =	sadd.s32 $0x0, s31;
	v11 =	vpop (erf);
	v17 =	vld.idx.msk [tilespmem:v9+s18+$0x0], $0xffff;
	v30 =	vadd.f32 v59, v20;
	v13 =	vsub.f32 $1.442695020e+00, v54;
	v15 =	vmul.f32 v29, v31  }
0xf7: {  	s16 =	simm.s32 $0x0;
	s25 =	sor.u32 s25, s9;
	v9 =	vpop (erf);
	v20 =	vld.idx.msk [tilespmem:v8+s18+$0x0], $0xffff;
	v27 =	vsub.f32 $1.442695020e+00, v55;
	v31 =	vadd.f32 v57, v23;
	v21 =	vmul.f32 v60, v5  }
0xf8: {  	s30 =	sor.u32 s0, s9;
	s29 =	sor.u32 s7, s9;
	s28 =	sor.u32 s8, s9;
	[tilespmem:s25+$0x14000] =	vst v50;
	v8 =	vpop (erf);
	v29 =	vcvt.s32.f32 v63;
	v23 =	vadd.f32 v61, v62;
	v28 =	vsub.f32 $1.442695020e+00, v56  }
.LBB2_3:
0xf9: {  	s16 =	sadd.s32 $0x4, s16;
	v24 =	vadd.f32 v24, v31;
	v10 =	vmul.f32 v10, v6;
	v12 =	vmul.f32 v12, v7  }
0xfa: {  	v13 =	vmul.f32 v13, v19;
	v19 =	vadd.f32 v25, v30;
	s4 =	sshrl.u32 s16, $0x3;
	p1 =	slt.u32 s16, $0x1FC;
	v15 =	vadd.f32 v15, v23  }
0xfb: {  	v18 =	vadd.f32 v26, v18;
	v14 =	vmul.f32 v27, v14;
	v22 =	vmul.f32 v28, v22;
	s23 =	sadd.s32 $0x40, s23;
	s0 =	sshrl.u32 s16, $0x6;
	s4 =	sand.u32 $0x7, s4  }
0xfc: {  	v16 =	vadd.f32 v16, v17;
	s31 =	sand.u32 $0x40, s23;
	v17 =	vadd.f32 v29, v20;
	s5 =	sshll.u32 s0, $0xB;
	v11 =	vmul.f32 v24, v11;
	s7 =	sshll.u32 s4, $0x8  }
0xfd: {  	v20 =	vadd.f32 $9.990104430e-01, v21;
	s11 =	sor.u32 $0x30, s31;
	v9 =	vmul.f32 v19, v9;
	v10 =	vadd.f32 $9.990104430e-01, v10;
	s9 =	sor.u32 s5, s7;
	s5 =	sor.u32 $0x10, s31  }
0xfe: {  	v13 =	vadd.f32 v13, v18;
	v12 =	vadd.f32 $9.990104430e-01, v12;
	v8 =	vmul.f32 v15, v8;
	s7 =	sor.u32 $0x20, s31;
	s14 =	sor.u32 s31, s9;
	s8 =	sor.u32 s11, s9  }
0xff: {  	v14 =	vadd.f32 v14, v16;
	v5 =	vmul.f32 v20, v5;
	v16 =	vadd.f32 v22, v17;
	s10 =	sor.u32 s5, s9;
	s9 =	sor.u32 s7, s9;
	v15 =	vld [tilespmem:s8+$0x0]  }
0x100: {  	v6 =	vmul.f32 v10, v6;
	v10 =	vsub.f32 $0.0e+00, v2;
	v7 =	vmul.f32 v12, v7;
	v17 =	vld [tilespmem:s8+$0x80]  }
0x101: {  	vm1 =	vgt.f32 v13, v11;
	vm2 =	vgt.f32 v14, v9;
	v9 =	vsub.f32 $0.0e+00, v4;
	v12 =	vld [tilespmem:s14+$0x0]  }
0x102: {  	v5 =	vadd.f32 $2.211703030e-05, v5;
	vm3 =	vgt.f32 v16, v8;
	v6 =	vadd.f32 $2.211703030e-05, v6;
	v11 =	vld [tilespmem:s14+$0x80]  }
0x103: {  	v1 =	vsel vm1, v1, v3;
	v2 =	vsel vm2, v2, v10;
	v3 =	vadd.f32 $2.211703030e-05, v7;
	v13 =	vld [tilespmem:s10+$0x0]  }
0x104: {  	v1 =	vmin.f32 v1, $0.0e+00;
	v4 =	vsel vm3, v4, v9;
	v2 =	vmin.f32 v2, $0.0e+00;
	v7 =	vld [tilespmem:s10+$0x80]  }
0x105: {  	v5 =	vsub.f32 v1, v5;
	v1 =	vmin.f32 v4, $0.0e+00;
	v9 =	vld [tilespmem:s9+$0x0];
	v19 =	vsub.f32 v17, v15  }
0x106: {  	v10 =	vsel vm1, $0x1, v0;
	v2 =	vsub.f32 v2, v6;
	v3 =	vsub.f32 v1, v3;
	v4 =	vld [tilespmem:s9+$0x80]  }
0x107: {  	v1 =	vsub.f32 v11, v12;
	v17 =	vld [tilespmem:s8+$0x8000];
	v6 =	vand.u32 $0x7FFFFFFF, v19;
	[tilespmem:s30+$0x14000] =	vst v5;
	v5 =	vsel vm2, $0x1, v0  }
0x108: {  	v16 =	vsel vm0, $0x1, v0;
	v11 =	vsel vm3, $0x1, v0;
	v8 =	vld [tilespmem:s14+$0x8000];
	v6 =	vsub.f32 $0.0e+00, v6;
	[tilespmem:s29+$0x14000] =	vst v2  }
0x109: {  	v14 =	vmul.f32 $1.442695020e+00, v1;
	v12 =	vand.u32 $0x7FFFFFFF, v1;
	v2 =	vsub.f32 v7, v13;
	v18 =	vld [tilespmem:s8+$0x8080];
	[tilespmem:s28+$0x14000] =	vst v3  }
0x10a: {  	v3 =	vsub.f32 $0.0e+00, v1;
	v7 =	vsub.f32 $0.0e+00, v12;
	v12 =	vld [tilespmem:s10+$0x8000];
	v6 =	vmul.f32 $1.442695020e+00, v6;
	[tilespmem:s30+$0x10000] =	vst v10  }
0x10b: {  	v15 =	vmul.f32 $1.442695020e+00, v2;
	v10 =	vand.u32 $0x7FFFFFFF, v2;
	v13 =	vld [tilespmem:s9+$0x8000];
	v4 =	vsub.f32 v4, v9;
	[tilespmem:s29+$0x10000] =	vst v5  }
0x10c: {  	v9 =	vld [tilespmem:s14+$0x8080];
	v5 =	vsub.f32 $0.0e+00, v10;
	v10 =	vshrl.u32 v17, $0x10;
	(erf) = vpow2.f32 v6;
	[tilespmem:s28+$0x10000] =	vst v11  }
0x10d: {  	v6 =	vmul.f32 $1.442695020e+00, v7;
	v11 =	vld [tilespmem:s10+$0x8080];
	v7 =	vand.u32 $0x7FFFFFFF, v4;
	v20 =	vand.u32 $0x7F, v10  }
0x10e: {  	v10 =	vld [tilespmem:s9+$0x8080];
	v7 =	vsub.f32 $0.0e+00, v7;
	v21 =	vshrl.u32 v18, $0x10;
	v22 =	vor.u32 $0x80, v20;
	[tilespmem:s25+$0x10000] =	vst v16  }
0x10f: {  	v5 =	vmul.f32 $1.442695020e+00, v5;
	v21 =	vand.u32 $0x7F, v21;
	(erf) = vpow2.f32 v6  }
0x110: {  	v6 =	vshrl.u32 v8, $0x10;
	v7 =	vmul.f32 $1.442695020e+00, v7;
	v16 =	vor.u32 $0x80, v21  }
0x111: {  	v23 =	vshrl.u32 v12, $0x10;
	v24 =	vshrl.u32 v13, $0x10;
	(erf) = vpow2.f32 v5  }
0x112: {  	v23 =	vand.u32 $0x7F, v23;
	v5 =	vand.u32 $0x7F, v6;
	(erf) = vpow2.f32 v7  }
0x113: {  	v24 =	vand.u32 $0x7F, v24;
	v6 =	vor.u32 $0x80, v5;
	v7 =	vor.u32 $0x80, v23;
	v22 =	vld.idx.msk [tilespmem:v22+s18+$0x0], $0xffff  }
0x114: {  	v25 =	vshrl.u32 v9, $0x10;
	v26 =	vshrl.u32 v11, $0x10;
	v27 =	vor.u32 $0x80, v24  }
0x115: {  	v25 =	vand.u32 $0x7F, v25;
	v26 =	vand.u32 $0x7F, v26;
	v28 =	vshrl.u32 v10, $0x10;
	v29 =	vld.idx.msk [tilespmem:v16+s18+$0x0], $0xffff;
	v30 =	vpop (erf)  }
0x116: {  	v31 =	vor.u32 $0x80, v25;
	v28 =	vand.u32 $0x7F, v28;
	v32 =	vmul.f32 $3.010262550e-02, v30  }
0x117: {  	v37 =	vand.u32 $0x7FFFFF, v17;
	v33 =	vor.u32 $0x80, v26;
	v34 =	vor.u32 $0x80, v28;
	v16 =	vld.idx.msk [tilespmem:v5+s18+$0x0], $0xffff  }
0x118: {  	v35 =	vand.u32 $0x7FFFFF, v8;
	v40 =	vor.u32 $0x3F800000, v37;
	v36 =	vld.idx.msk [tilespmem:v6+s18+$0x0], $0xffff;
	v32 =	vadd.f32 $-1.301194130e-01, v32;
	v5 =	vpop (erf)  }
0x119: {  	v38 =	vmul.f32 $1.442695020e+00, v19;
	v41 =	vand.u32 $0x7FFFFF, v18;
	v22 =	vmul.f32 v40, v22;
	v37 =	vld.idx.msk [tilespmem:v7+s18+$0x0], $0xffff  }
0x11a: {  	v40 =	vor.u32 $0x3F800000, v41;
	v39 =	vmul.f32 $3.010262550e-02, v5;
	v27 =	vld.idx.msk [tilespmem:v27+s18+$0x0], $0xffff;
	v32 =	vmul.f32 v32, v30;
	v6 =	vpop (erf)  }
0x11b: {  	v29 =	vmul.f32 v40, v29;
	v22 =	vadd.f32 $-1.000000000e+00, v22;
	v20 =	vld.idx.msk [tilespmem:v20+s18+$0x0], $0xffff;
	v7 =	vpop (erf);
	(erf) = vpow2.f32 v38  }
0x11c: {  	v18 =	vshra.s32 v18, $0x17;
	v38 =	vmul.f32 $3.010262550e-02, v6;
	v31 =	vld.idx.msk [tilespmem:v31+s18+$0x0], $0xffff;
	v32 =	vadd.f32 $2.833043340e-01, v32  }
0x11d: {  	v17 =	vshra.s32 v17, $0x17;
	v29 =	vadd.f32 $-1.000000000e+00, v29;
	v40 =	vld.idx.msk [tilespmem:v21+s18+$0x0], $0xffff;
	v21 =	vmul.f32 $7.213475100e-01, v22  }
0x11e: {  	v17 =	vadd.s32 $0xFFFFFF81, v17;
	v18 =	vadd.s32 $0xFFFFFF81, v18;
	v33 =	vld.idx.msk [tilespmem:v33+s18+$0x0], $0xffff;
	v32 =	vmul.f32 v32, v30  }
0x11f: {  	v17 =	vcvt.s32.f32 v17;
	v41 =	vmul.f32 $7.213475100e-01, v29;
	v34 =	vld.idx.msk [tilespmem:v34+s18+$0x0], $0xffff;
	v42 =	vsub.f32 $1.442695020e+00, v21  }
0x120: {  	v44 =	vcvt.s32.f32 v18;
	v43 =	vmul.f32 $3.010262550e-02, v7;
	v21 =	vld.idx.msk [tilespmem:v23+s18+$0x0], $0xffff;
	v32 =	vadd.f32 $-4.891568420e-01, v32  }
0x121: {  	v20 =	vadd.f32 v17, v20;
	v23 =	vld.idx.msk [tilespmem:v24+s18+$0x0], $0xffff;
	v24 =	vsub.f32 $1.442695020e+00, v41;
	v22 =	vmul.f32 v42, v22  }
0x122: {  	v41 =	vand.u32 $0x7FFFFF, v13;
	v18 =	vld.idx.msk [tilespmem:v25+s18+$0x0], $0xffff;
	v25 =	vand.u32 $0x7FFFFF, v12;
	v42 =	vmul.f32 v32, v30  }
0x123: {  	v17 =	vld.idx.msk [tilespmem:v26+s18+$0x0], $0xffff;
	v26 =	vadd.f32 v44, v40;
	v24 =	vmul.f32 v24, v29;
	v22 =	vadd.f32 v22, v20  }
0x124: {  	v29 =	vor.u32 $0x3F800000, v35;
	v35 =	vadd.f32 $-1.301194130e-01, v39;
	v20 =	vld.idx.msk [tilespmem:v28+s18+$0x0], $0xffff;
	v28 =	vadd.f32 $9.990104430e-01, v42;
	v32 =	vpop (erf)  }
0x125: {  	v38 =	vadd.f32 $-1.301194130e-01, v38;
	v24 =	vadd.f32 v24, v26;
	v22 =	vmul.f32 v22, v32  }
0x126: {  	v26 =	vadd.f32 $-1.301194130e-01, v43;
	v28 =	vmul.f32 v28, v30;
	v30 =	vsub.f32 $0.0e+00, v19  }
0x127: {  	v25 =	vor.u32 $0x3F800000, v25;
	v32 =	vor.u32 $0x3F800000, v41;
	vm0 =	vgt.f32 v24, v22  }
0x128: {  	v22 =	vmul.f32 v29, v36;
	v24 =	vadd.f32 $2.211703030e-05, v28;
	v19 =	vsel vm0, v19, v30  }
0x129: {  	s0 =	sshll.u32 s0, $0x7;
	s4 =	sshll.u32 s4, $0xA;
	v25 =	vmul.f32 v25, v37;
	v27 =	vmul.f32 v32, v27;
	v19 =	vmin.f32 v19, $0.0e+00  }
0x12a: {  	s0 =	sadd.s32 s0, s4;
	v29 =	vand.u32 $0x7FFFFF, v11;
	v28 =	vand.u32 $0x7FFFFF, v9;
	v19 =	vsub.f32 v19, v24  }
0x12b: {  	s30 =	sor.u32 s31, s0;
	s29 =	sor.u32 s5, s0;
	s25 =	sor.u32 s11, s0;
	v32 =	vand.u32 $0x7FFFFF, v10;
	v30 =	vmul.f32 v38, v6;
	v24 =	vmul.f32 v35, v5  }
0x12c: {  	s28 =	sor.u32 s7, s0;
	v26 =	vmul.f32 v26, v7;
	v28 =	vor.u32 $0x3F800000, v28;
	v35 =	vmul.f32 $1.442695020e+00, v4;
	[tilespmem:s25+$0x14000] =	vst v19  }
0x12d: {  	v36 =	vadd.f32 $-1.000000000e+00, v22;
	v22 =	vor.u32 $0x3F800000, v32;
	v19 =	vor.u32 $0x3F800000, v29  }
0x12e: {  	v25 =	vadd.f32 $-1.000000000e+00, v25;
	v27 =	vadd.f32 $-1.000000000e+00, v27;
	v28 =	vmul.f32 v28, v31  }
0x12f: {  	v22 =	vmul.f32 v22, v34;
	v24 =	vadd.f32 $2.833043340e-01, v24;
	v29 =	vmul.f32 v19, v33  }
0x130: {  	v26 =	vadd.f32 $2.833043340e-01, v26;
	v30 =	vadd.f32 $2.833043340e-01, v30;
	(erf) = vpow2.f32 v14  }
0x131: {  	v19 =	vadd.f32 $-1.000000000e+00, v28;
	v28 =	vmul.f32 $7.213475100e-01, v36;
	(erf) = vpow2.f32 v15  }
0x132: {  	v14 =	vadd.f32 $-1.000000000e+00, v29;
	v15 =	vmul.f32 $7.213475100e-01, v25;
	(erf) = vpow2.f32 v35  }
0x133: {  	v8 =	vshra.s32 v8, $0x17;
	v22 =	vadd.f32 $-1.000000000e+00, v22;
	v29 =	vmul.f32 $7.213475100e-01, v27  }
0x134: {  	v13 =	vshra.s32 v13, $0x17;
	v12 =	vshra.s32 v12, $0x17;
	v24 =	vmul.f32 v24, v5  }
0x135: {  	v8 =	vadd.s32 $0xFFFFFF81, v8;
	v26 =	vmul.f32 v26, v7;
	v30 =	vmul.f32 v30, v6  }
0x136: {  	v13 =	vadd.s32 $0xFFFFFF81, v13;
	v12 =	vadd.s32 $0xFFFFFF81, v12;
	v28 =	vsub.f32 $1.442695020e+00, v28  }
0x137: {  	v31 =	vmul.f32 $7.213475100e-01, v19;
	v29 =	vsub.f32 $1.442695020e+00, v29;
	v15 =	vsub.f32 $1.442695020e+00, v15  }
0x138: {  	v32 =	vshra.s32 v9, $0x17;
	v34 =	vmul.f32 $7.213475100e-01, v22;
	v33 =	vmul.f32 $7.213475100e-01, v14  }
0x139: {  	v37 =	vshra.s32 v11, $0x17;
	v38 =	vcvt.s32.f32 v12;
	v35 =	vcvt.s32.f32 v8;
	v11 =	vpop (erf)  }
0x13a: {  	v40 =	vshra.s32 v10, $0x17;
	v41 =	vcvt.s32.f32 v13;
	v39 =	vadd.f32 $-4.891568420e-01, v24;
	v9 =	vpop (erf)  }
0x13b: {  	v32 =	vadd.s32 $0xFFFFFF81, v32;
	v12 =	vadd.f32 $-4.891568420e-01, v26;
	v10 =	vadd.f32 $-4.891568420e-01, v30;
	v8 =	vpop (erf)  }
.Ltmp0:
0x13c: {  	v30 =	vadd.s32 $0xFFFFFF81, v37;
	v24 =	vmul.f32 v28, v36;
	v36 =	vadd.s32 $0xFFFFFF81, v40;
	(pc) =	sbr.rel @p1 .LBB2_3-.Ltmp0, $4  }
0x13d: {  	v13 =	vsub.f32 $1.442695020e+00, v31;
	v25 =	vmul.f32 v15, v25;
	v15 =	vmul.f32 v29, v27  }
0x13e: {  	v26 =	vcvt.s32.f32 v32;
	v28 =	vsub.f32 $1.442695020e+00, v34;
	v27 =	vsub.f32 $1.442695020e+00, v33  }
0x13f: {  	v31 =	vadd.f32 v35, v16;
	v16 =	vcvt.s32.f32 v30;
	v30 =	vadd.f32 v38, v21  }
0x140: {  	v23 =	vadd.f32 v41, v23;
	v21 =	vmul.f32 v39, v5;
	v29 =	vcvt.s32.f32 v36  }
0x141: {  	v24 =	vadd.f32 v24, v31  }
0x142: {  	v10 =	vmul.f32 v10, v6;
	v12 =	vmul.f32 v12, v7;
	v25 =	vadd.f32 v25, v30  }
0x143: {  	v13 =	vmul.f32 v13, v19;
	v18 =	vadd.f32 v26, v18;
	v16 =	vadd.f32 v16, v17  }
0x144: {  	v14 =	vmul.f32 v27, v14;
	v61 =	vsub.f32 $0.0e+00, v2;
	v63 =	vsub.f32 $0.0e+00, v4  }
0x145: {  	v56 =	vmul.f32 v28, v22;
	v15 =	vadd.f32 v15, v23;
	v57 =	vadd.f32 v29, v20  }
0x146: {  	v58 =	vadd.f32 $9.990104430e-01, v21;
	v11 =	vmul.f32 v24, v11;
	v10 =	vadd.f32 $9.990104430e-01, v10  }
0x147: {  	v9 =	vmul.f32 v25, v9;
	v13 =	vadd.f32 v13, v18;
	v12 =	vadd.f32 $9.990104430e-01, v12  }
0x148: {  	v14 =	vadd.f32 v14, v16;
	v8 =	vmul.f32 v15, v8;
	v5 =	vmul.f32 v58, v5  }
0x149: {  	v59 =	vadd.f32 v56, v57;
	v60 =	vmul.f32 v10, v6;
	v62 =	vmul.f32 v12, v7  }
0x14a: {  	vm1 =	vgt.f32 v13, v11;
	vm2 =	vgt.f32 v14, v9;
	v5 =	vadd.f32 $2.211703030e-05, v5  }
0x14b: {  	vm3 =	vgt.f32 v59, v8;
	v1 =	vsel vm1, v1, v3;
	v2 =	vsel vm2, v2, v61  }
0x14c: {  	v6 =	vadd.f32 $2.211703030e-05, v60;
	v3 =	vadd.f32 $2.211703030e-05, v62;
	v1 =	vmin.f32 v1, $0.0e+00  }
0x14d: {  	v2 =	vmin.f32 v2, $0.0e+00;
	v4 =	vsel vm3, v4, v63;
	v1 =	vsub.f32 v1, v5  }
0x14e: {  	v4 =	vmin.f32 v4, $0.0e+00;
	v2 =	vsub.f32 v2, v6  }
0x14f: {  	v3 =	vsub.f32 v4, v3;
	[tilespmem:s30+$0x14000] =	vst v1  }
0x150: {  	[tilespmem:s29+$0x14000] =	vst v2  }
0x151: {  	v1 =	vsel vm1, $0x1, v0;
	[tilespmem:s28+$0x14000] =	vst v3  }
0x152: {  	v2 =	vsel vm2, $0x1, v0;
	[tilespmem:s30+$0x10000] =	vst v1  }
0x153: {  	[tilespmem:s29+$0x10000] =	vst v2  }
0x154: {  	s0 =	sshll.u32 s19, $0xE;
	s4 =	rddreg [dreg:$0x1c]  }
0x155: {  	p1 =	seq.s32 s19, $0x7;
	v1 =	vsel vm3, $0x1, v0;
	s0 =	sadd.s32 s4, s0  }
.Ltmp1:
0x156: {  	v2 =	vsel vm0, $0x1, v0;
	s29 =	rddreg [dreg:$0x3];
	[tilespmem:s28+$0x10000] =	vst v1;
	s0 =	sshrl.u32 s0, $0x3;
	(pc) =	sbr.rel @p1 .LBB2_6-.Ltmp1, $4  }
0x157: {  	s5 =	simm.s32 $0x10000;
	s30 =	rddreg [dreg:$0x4];
	[tilespmem:s25+$0x10000] =	vst v2;
	s4 =	sadd.s32 s29, s0  }
0x158: {  	[hbm4b:s4+s6] =	stream.linear.scatter [tilespmem:s5], [sflag:$0x3], $0x2000, $0x38;
	[tilespmem:$0x18100] =	vst v63  }
0x159: {  	s31 =	simm.s32 $0x14000;
	s0 =	sadd.s32 s30, s0  }
0x15a: {  	[hbm4b:s0+s6] =	stream.linear.scatter [tilespmem:s31], [sflag:$0x3], $0x2000, $0x38;
	[tilespmem:$0x18100] =	vst v63  }
0x15b: {  	s0 =	rddreg [dreg:$0x1d]  }
0x15c: {  	s0 =	sadd.s32 s21, s0  }
0x15d: {  	s4 =	sadd.s32 s13, s0  }
0x15e: {  	s4 =	sshll.u32 s4, $0x5  }
0x15f: {  	s4 =	sand.u32 $0x1FFFFE00, s4  }
0x160: {  	s5 =	sadd.s32 s1, s4  }
0x161: {  	[tilespmem:s6], [sflag:$0x1] =	stream.linear.gather [hbm4b:s5+s6], $0x800, $0x38;
	[tilespmem:$0x18100] =	vst v63  }
0x162: {  	s9 =	simm.s32 $0x8000;
	s10 =	rddreg [dreg:$0xb];
	s4 =	sadd.s32 s2, s4  }
0x163: {  	[tilespmem:s9], [sflag:$0x1] =	stream.linear.gather [hbm4b:s4+s6], $0x800, $0x38;
	[tilespmem:$0x18100] =	vst v63  }
0x164: {  	s4 =	sadd.s32 s10, s0  }
0x165: {  	s4 =	sshll.u32 s4, $0x5  }
0x166: {  	s4 =	sand.u32 $0x1FFFFE00, s4  }
0x167: {  	s7 =	simm.s32 $0x800;
	s11 =	sadd.s32 s1, s4  }
0x168: {  	[tilespmem:s7], [sflag:$0x1] =	stream.linear.gather [hbm4b:s11+s6], $0x800, $0x38;
	[tilespmem:$0x18100] =	vst v63  }
0x169: {  	s14 =	simm.s32 $0x8800;
	s16 =	rddreg [dreg:$0xd];
	s4 =	sadd.s32 s2, s4  }
0x16a: {  	[tilespmem:s14], [sflag:$0x1] =	stream.linear.gather [hbm4b:s4+s6], $0x800, $0x38;
	[tilespmem:$0x18100] =	vst v63  }
0x16b: {  	s4 =	sadd.s32 s16, s0  }
0x16c: {  	s4 =	sshll.u32 s4, $0x5  }
0x16d: {  	s4 =	sand.u32 $0x1FFFFE00, s4  }
0x16e: {  	s23 =	simm.s32 $0x1000;
	s21 =	sadd.s32 s1, s4  }
0x16f: {  	[tilespmem:s23], [sflag:$0x1] =	stream.linear.gather [hbm4b:s21+s6], $0x800, $0x38;
	[tilespmem:$0x18100] =	vst v63  }
0x170: {  	s25 =	simm.s32 $0x9000;
	s28 =	sadd.s32 s15, s0;
	s4 =	sadd.s32 s2, s4  }
0x171: {  	[tilespmem:s25], [sflag:$0x1] =	stream.linear.gather [hbm4b:s4+s6], $0x800, $0x38;
	[tilespmem:$0x18100] =	vst v63  }
0x172: {  	s4 =	sshll.u32 s28, $0x5  }
0x173: {  	s4 =	sand.u32 $0x1FFFFE00, s4  }
0x174: {  	s30 =	simm.s32 $0x1800;
	s29 =	sadd.s32 s1, s4  }
0x175: {  	[tilespmem:s30], [sflag:$0x1] =	stream.linear.gather [hbm4b:s29+s6], $0x800, $0x38;
	[tilespmem:$0x18100] =	vst v63  }
0x176: {  	s31 =	simm.s32 $0x9800;
	s5 =	sadd.s32 s17, s0;
	s4 =	sadd.s32 s2, s4  }
0x177: {  	[tilespmem:s31], [sflag:$0x1] =	stream.linear.gather [hbm4b:s4+s6], $0x800, $0x38;
	[tilespmem:$0x18100] =	vst v63  }
0x178: {  	s4 =	sshll.u32 s5, $0x5  }
0x179: {  	s4 =	sand.u32 $0x1FFFFE00, s4  }
0x17a: {  	s8 =	simm.s32 $0x2000;
	s7 =	sadd.s32 s1, s4  }
0x17b: {  	[tilespmem:s8], [sflag:$0x1] =	stream.linear.gather [hbm4b:s7+s6], $0x800, $0x38;
	[tilespmem:$0x18100] =	vst v63  }
0x17c: {  	s9 =	simm.s32 $0xA000;
	s10 =	sadd.s32 s22, s0;
	s4 =	sadd.s32 s2, s4  }
0x17d: {  	[tilespmem:s9], [sflag:$0x1] =	stream.linear.gather [hbm4b:s4+s6], $0x800, $0x38;
	[tilespmem:$0x18100] =	vst v63  }
0x17e: {  	s4 =	sshll.u32 s10, $0x5  }
0x17f: {  	s4 =	sand.u32 $0x1FFFFE00, s4  }
0x180: {  	s14 =	simm.s32 $0x2800;
	s11 =	sadd.s32 s1, s4  }
0x181: {  	[tilespmem:s14], [sflag:$0x1] =	stream.linear.gather [hbm4b:s11+s6], $0x800, $0x38;
	[tilespmem:$0x18100] =	vst v63  }
0x182: {  	s16 =	simm.s32 $0xA800;
	s21 =	sadd.s32 s24, s0;
	s4 =	sadd.s32 s2, s4  }
0x183: {  	[tilespmem:s16], [sflag:$0x1] =	stream.linear.gather [hbm4b:s4+s6], $0x800, $0x38;
	[tilespmem:$0x18100] =	vst v63  }
0x184: {  	s4 =	sshll.u32 s21, $0x5  }
0x185: {  	s0 =	sadd.s32 s26, s0;
	s4 =	sand.u32 $0x1FFFFE00, s4  }
0x186: {  	s0 =	sshll.u32 s0, $0x5;
	s25 =	simm.s32 $0x3000;
	s23 =	sadd.s32 s1, s4  }
0x187: {  	[tilespmem:s25], [sflag:$0x1] =	stream.linear.gather [hbm4b:s23+s6], $0x800, $0x38;
	[tilespmem:$0x18100] =	vst v63  }
0x188: {  	s28 =	simm.s32 $0xB000;
	s0 =	sand.u32 $0x1FFFFE00, s0;
	s4 =	sadd.s32 s2, s4  }
0x189: {  	[tilespmem:s28], [sflag:$0x1] =	stream.linear.gather [hbm4b:s4+s6], $0x800, $0x38;
	[tilespmem:$0x18100] =	vst v63  }
0x18a: {  	s29 =	sadd.s32 s1, s0;
	s30 =	simm.s32 $0x3800  }
0x18b: {  	[tilespmem:s30], [sflag:$0x1] =	stream.linear.gather [hbm4b:s29+s6], $0x800, $0x38;
	[tilespmem:$0x18100] =	vst v63  }
0x18c: {  	s0 =	sadd.s32 s2, s0;
	s31 =	simm.s32 $0xB800  }
0x18d: {  	[tilespmem:s31], [sflag:$0x1] =	stream.linear.gather [hbm4b:s0+s6], $0x800, $0x38;
	[tilespmem:$0x18100] =	vst v63  }
.LBB2_6:
0x18e: {  	_ =	swait.ge [sflag:s3], $0x800  }
0x18f: {  	[sflag:s3] =	ssyncset.done $0x0  }
0x190: {  	[sflag:s3] =	ssyncadd.s32 $0xFFFFF800  }
0x191: {  	_ =	swait.ge [sflag:s3], $0x800  }
0x192: {  	[sflag:s3] =	ssyncset.done $0x0  }
0x193: {  	[sflag:s3] =	ssyncadd.s32 $0xFFFFF800  }
0x194: {  	_ =	swait.ge [sflag:s3], $0x800  }
0x195: {  	[sflag:s3] =	ssyncset.done $0x0  }
0x196: {  	[sflag:s3] =	ssyncadd.s32 $0xFFFFF800  }
0x197: {  	_ =	swait.ge [sflag:s3], $0x800  }
0x198: {  	[sflag:s3] =	ssyncset.done $0x0  }
0x199: {  	[sflag:s3] =	ssyncadd.s32 $0xFFFFF800  }
0x19a: {  	_ =	swait.ge [sflag:s3], $0x800  }
0x19b: {  	[sflag:s3] =	ssyncset.done $0x0  }
0x19c: {  	[sflag:s3] =	ssyncadd.s32 $0xFFFFF800  }
0x19d: {  	_ =	swait.ge [sflag:s3], $0x800  }
0x19e: {  	[sflag:s3] =	ssyncset.done $0x0  }
0x19f: {  	[sflag:s3] =	ssyncadd.s32 $0xFFFFF800  }
0x1a0: {  	_ =	swait.ge [sflag:s3], $0x800  }
0x1a1: {  	[sflag:s3] =	ssyncset.done $0x0  }
0x1a2: {  	[sflag:s3] =	ssyncadd.s32 $0xFFFFF800  }
0x1a3: {  	_ =	swait.ge [sflag:s3], $0x800  }
0x1a4: {  	[sflag:s3] =	ssyncset.done $0x0  }
0x1a5: {  	[sflag:s3] =	ssyncadd.s32 $0xFFFFF800  }
0x1a6: {  	_ =	swait.ge [sflag:s3], $0x800  }
0x1a7: {  	[sflag:s3] =	ssyncset.done $0x0  }
0x1a8: {  	[sflag:s3] =	ssyncadd.s32 $0xFFFFF800  }
0x1a9: {  	_ =	swait.ge [sflag:s3], $0x800  }
0x1aa: {  	[sflag:s3] =	ssyncset.done $0x0  }
0x1ab: {  	[sflag:s3] =	ssyncadd.s32 $0xFFFFF800  }
0x1ac: {  	_ =	swait.ge [sflag:s3], $0x800  }
0x1ad: {  	[sflag:s3] =	ssyncset.done $0x0  }
0x1ae: {  	[sflag:s3] =	ssyncadd.s32 $0xFFFFF800  }
0x1af: {  	_ =	swait.ge [sflag:s3], $0x800  }
0x1b0: {  	[sflag:s3] =	ssyncset.done $0x0  }
0x1b1: {  	[sflag:s3] =	ssyncadd.s32 $0xFFFFF800  }
0x1b2: {  	_ =	swait.ge [sflag:s3], $0x800  }
0x1b3: {  	[sflag:s3] =	ssyncset.done $0x0  }
0x1b4: {  	[sflag:s3] =	ssyncadd.s32 $0xFFFFF800  }
0x1b5: {  	_ =	swait.ge [sflag:s3], $0x800  }
0x1b6: {  	[sflag:s3] =	ssyncset.done $0x0  }
0x1b7: {  	[sflag:s3] =	ssyncadd.s32 $0xFFFFF800  }
0x1b8: {  	_ =	swait.ge [sflag:s3], $0x800  }
0x1b9: {  	[sflag:s3] =	ssyncset.done $0x0  }
0x1ba: {  	[sflag:s3] =	ssyncadd.s32 $0xFFFFF800  }
0x1bb: {  	_ =	swait.ge [sflag:s3], $0x800  }
0x1bc: {  	[sflag:s3] =	ssyncset.done $0x0  }
0x1bd: {  	s4 =	simm.s32 @!p0 $0x4;
	[sflag:s3] =	ssyncadd.s32 $0xFFFFF800  }
0x1be: {  	_ =	swait.ge @!p0 [sflag:s4], $0x2000  }
0x1bf: {  	s0 =	simm.s32 $0x0;
	s21 =	simm.s32 $0x0;
	[sflag:s4] =	ssyncset.done @!p0 $0x0  }
0x1c0: {  	s5 =	simm.s32 $0x0;
	s11 =	sand.u32 $0x7, s0;
	[sflag:s4] =	ssyncadd.s32 @!p0 $0xFFFFE000  }
0x1c1: {  	s0 =	sand.u32 $0x40, s21;
	s7 =	sshll.u32 s11, $0x8;
	_ =	swait.ge @!p0 [sflag:s4], $0x2000  }
0x1c2: {  	s16 =	sor.u32 $0x30, s0;
	s8 =	sor.u32 s5, s7;
	[sflag:s4] =	ssyncset.done @!p0 $0x0  }
0x1c3: {  	s9 =	sor.u32 s16, s8;
	[sflag:s4] =	ssyncadd.s32 @!p0 $0xFFFFE000  }
0x1c4: {  	v1 =	vld [tilespmem:s9+$0x4000]  }
0x1c5: {  	s10 =	sor.u32 s0, s8;
	v2 =	vld [tilespmem:s9+$0x4080]  }
0x1c6: {  	v3 =	vld [tilespmem:s10+$0x4000]  }
0x1c7: {  	v4 =	vld [tilespmem:s10+$0x4080]  }
0x1c8: {  	s25 =	sor.u32 $0x10, s0;
	v22 =	vld [tilespmem:s9+$0xC000]  }
0x1c9: {  	s30 =	sor.u32 $0x20, s0;
	s14 =	sor.u32 s25, s8;
	v24 =	vld [tilespmem:s9+$0xC080]  }
0x1ca: {  	s8 =	sor.u32 s30, s8;
	v13 =	vld [tilespmem:s14+$0xC000]  }
0x1cb: {  	v16 =	vld [tilespmem:s8+$0xC000]  }
0x1cc: {  	v12 =	vld [tilespmem:s10+$0xC000]  }
0x1cd: {  	v10 =	vld [tilespmem:s14+$0xC080]  }
0x1ce: {  	v11 =	vld [tilespmem:s8+$0xC080]  }
0x1cf: {  	v19 =	vsub.f32 v2, v1  }
0x1d0: {  	v1 =	vsub.f32 v4, v3;
	v17 =	vshrl.u32 v13, $0x10;
	v21 =	vshrl.u32 v16, $0x10  }
0x1d1: {  	v34 =	vand.u32 $0x7FFFFF, v22;
	v35 =	vand.u32 $0x7FFFFF, v12;
	v38 =	vand.u32 $0x7FFFFF, v24  }
0x1d2: {  	v5 =	vld [tilespmem:s14+$0x4000];
	v63 =	vand.u32 $0x7FFFFF, v13;
	v44 =	vand.u32 $0x7FFFFF, v16;
	v49 =	vand.u32 $0x7FFFFF, v10  }
0x1d3: {  	v6 =	vld [tilespmem:s14+$0x4080];
	v51 =	vand.u32 $0x7FFFFF, v11;
	v13 =	vshra.s32 v13, $0x17;
	v16 =	vshra.s32 v16, $0x17  }
0x1d4: {  	v58 =	vshra.s32 v10, $0x17;
	v20 =	vand.u32 $0x7F, v17;
	v21 =	vand.u32 $0x7F, v21  }
0x1d5: {  	v7 =	vld [tilespmem:s8+$0x4000];
	v34 =	vor.u32 $0x3F800000, v34;
	v38 =	vor.u32 $0x3F800000, v38;
	v48 =	vor.u32 $0x3F800000, v44  }
0x1d6: {  	v8 =	vld [tilespmem:s8+$0x4080];
	v13 =	vadd.s32 $0xFFFFFF81, v13;
	v16 =	vadd.s32 $0xFFFFFF81, v16;
	v2 =	vand.u32 $0x7FFFFFFF, v19  }
0x1d7: {  	v14 =	vmul.f32 $1.442695020e+00, v1;
	v3 =	vand.u32 $0x7FFFFFFF, v1;
	v28 =	vor.u32 $0x80, v20  }
0x1d8: {  	v29 =	vor.u32 $0x80, v21;
	v4 =	vsub.f32 $0.0e+00, v2;
	v2 =	vsub.f32 v6, v5  }
0x1d9: {  	v37 =	vmul.f32 $1.442695020e+00, v19;
	v47 =	vsub.f32 $0.0e+00, v19;
	v59 =	vcvt.s32.f32 v13  }
0x1da: {  	v5 =	vsub.f32 $0.0e+00, v3;
	v6 =	vmul.f32 $1.442695020e+00, v4;
	v9 =	vand.u32 $0x7FFFFFFF, v2  }
0x1db: {  	v4 =	vsub.f32 v8, v7;
	v8 =	vshrl.u32 v22, $0x10;
	v7 =	vsub.f32 $0.0e+00, v9  }
0x1dc: {  	v25 =	vand.u32 $0x7F, v8;
	v8 =	vshrl.u32 v24, $0x10;
	(erf) = vpow2.f32 v6  }
0x1dd: {  	v6 =	vand.u32 $0x7FFFFFFF, v4;
	v9 =	vor.u32 $0x80, v25;
	v26 =	vand.u32 $0x7F, v8  }
0x1de: {  	v5 =	vmul.f32 $1.442695020e+00, v5;
	v6 =	vsub.f32 $0.0e+00, v6;
	v8 =	vor.u32 $0x80, v26  }
0x1df: {  	v15 =	vld [tilespmem:s10+$0xC080];
	v61 =	vcvt.s32.f32 v16;
	v3 =	vsub.f32 $0.0e+00, v1;
	v7 =	vmul.f32 $1.442695020e+00, v7  }
0x1e0: {  	v24 =	vshra.s32 v24, $0x17;
	(erf) = vpow2.f32 v5;
	v6 =	vmul.f32 $1.442695020e+00, v6  }
0x1e1: {  	v18 =	vmul.f32 $1.442695020e+00, v2;
	v24 =	vadd.s32 $0xFFFFFF81, v24;
	(erf) = vpow2.f32 v7  }
0x1e2: {  	v52 =	vmul.f32 $1.442695020e+00, v4;
	v7 =	vshrl.u32 v10, $0x10;
	(erf) = vpow2.f32 v6;
	v6 =	vld.idx.msk [tilespmem:v9+s18+$0x0], $0xffff  }
0x1e3: {  	v5 =	vshrl.u32 v12, $0x10;
	v24 =	vcvt.s32.f32 v24;
	v9 =	vand.u32 $0x7F, v7;
	v7 =	vld.idx.msk [tilespmem:v8+s18+$0x0], $0xffff  }
0x1e4: {  	v12 =	vshra.s32 v12, $0x17;
	v23 =	vand.u32 $0x7F, v5;
	v5 =	vshrl.u32 v15, $0x10  }
0x1e5: {  	v12 =	vadd.s32 $0xFFFFFF81, v12;
	v17 =	vand.u32 $0x7F, v5;
	v5 =	vshrl.u32 v11, $0x10;
	v26 =	vld.idx.msk [tilespmem:v26+s18+$0x0], $0xffff;
	v30 =	vpop (erf)  }
0x1e6: {  	v27 =	vor.u32 $0x80, v23;
	v8 =	vand.u32 $0x7F, v5;
	v5 =	vmul.f32 $3.010262550e-02, v30  }
0x1e7: {  	v57 =	vcvt.s32.f32 v12;
	v11 =	vshra.s32 v11, $0x17;
	v34 =	vmul.f32 v34, v6  }
0x1e8: {  	v31 =	vor.u32 $0x80, v17;
	v7 =	vmul.f32 v38, v7;
	v36 =	vadd.f32 $-1.301194130e-01, v5  }
0x1e9: {  	v32 =	vor.u32 $0x80, v9;
	v33 =	vor.u32 $0x80, v8;
	v34 =	vadd.f32 $-1.000000000e+00, v34  }
0x1ea: {  	v25 =	vld.idx.msk [tilespmem:v25+s18+$0x0], $0xffff;
	v24 =	vadd.f32 v24, v26;
	v38 =	vadd.f32 $-1.000000000e+00, v7;
	v5 =	vpop (erf);
	v36 =	vmul.f32 v36, v30  }
0x1eb: {  	v7 =	vshra.s32 v22, $0x17;
	v22 =	vmul.f32 $7.213475100e-01, v34;
	v39 =	vmul.f32 $3.010262550e-02, v5  }
0x1ec: {  	v40 =	vadd.s32 $0xFFFFFF81, v7;
	v6 =	vpop (erf);
	(erf) = vpow2.f32 v37;
	v41 =	vmul.f32 $7.213475100e-01, v38  }
0x1ed: {  	v28 =	vld.idx.msk [tilespmem:v28+s18+$0x0], $0xffff;
	v40 =	vcvt.s32.f32 v40;
	v62 =	vmul.f32 $3.010262550e-02, v6;
	v36 =	vadd.f32 $2.833043340e-01, v36  }
0x1ee: {  	v7 =	vpop (erf);
	v22 =	vsub.f32 $1.442695020e+00, v22;
	(erf) = vpow2.f32 v14;
	v41 =	vsub.f32 $1.442695020e+00, v41  }
0x1ef: {  	v42 =	vmul.f32 $3.010262550e-02, v7;
	v25 =	vadd.f32 v40, v25;
	v45 =	vadd.f32 $-1.301194130e-01, v39  }
0x1f0: {  	v36 =	vmul.f32 v36, v30;
	v22 =	vmul.f32 v22, v34;
	v37 =	vadd.f32 $-1.301194130e-01, v62  }
0x1f1: {  	v34 =	vor.u32 $0x3F800000, v63;
	v62 =	vld.idx.msk [tilespmem:v21+s18+$0x0], $0xffff;
	v21 =	vadd.s32 $0xFFFFFF81, v58;
	v26 =	vmul.f32 v41, v38  }
0x1f2: {  	v28 =	vmul.f32 v34, v28;
	v36 =	vadd.f32 $-4.891568420e-01, v36;
	v22 =	vadd.f32 v22, v25;
	v25 =	vld.idx.msk [tilespmem:v29+s18+$0x0], $0xffff  }
0x1f3: {  	v63 =	vadd.s32 $0xFFFFFF81, v11;
	v24 =	vadd.f32 v26, v24;
	v26 =	vadd.f32 $-1.301194130e-01, v42  }
0x1f4: {  	v27 =	vld.idx.msk [tilespmem:v27+s18+$0x0], $0xffff;
	v34 =	vor.u32 $0x3F800000, v51;
	v28 =	vadd.f32 $-1.000000000e+00, v28;
	v36 =	vmul.f32 v36, v30  }
0x1f5: {  	v29 =	vor.u32 $0x3F800000, v35;
	v26 =	vmul.f32 v26, v7;
	v46 =	vpop (erf);
	(erf) = vpow2.f32 v18  }
0x1f6: {  	v36 =	vadd.f32 $9.990104430e-01, v36;
	v18 =	vmul.f32 $7.213475100e-01, v28;
	v22 =	vmul.f32 v22, v46  }
0x1f7: {  	v25 =	vmul.f32 v48, v25;
	v26 =	vadd.f32 $2.833043340e-01, v26;
	(erf) = vpow2.f32 v52  }
0x1f8: {  	v30 =	vmul.f32 v36, v30;
	v18 =	vsub.f32 $1.442695020e+00, v18;
	vm0 =	vgt.f32 v24, v22;
	v22 =	vld.idx.msk [tilespmem:v31+s18+$0x0], $0xffff  }
0x1f9: {  	v24 =	vmul.f32 v29, v27;
	v29 =	vld.idx.msk [tilespmem:v32+s18+$0x0], $0xffff;
	v31 =	vand.u32 $0x7FFFFF, v15;
	v32 =	vor.u32 $0x3F800000, v49  }
0x1fa: {  	v26 =	vmul.f32 v26, v7;
	v15 =	vshra.s32 v15, $0x17;
	v19 =	vsel vm0, v19, v47  }
0x1fb: {  	v27 =	vadd.f32 $2.211703030e-05, v30;
	v30 =	vld.idx.msk [tilespmem:v33+s18+$0x0], $0xffff;
	v16 =	vadd.s32 $0xFFFFFF81, v15;
	v19 =	vmin.f32 v19, $0.0e+00  }
0x1fc: {  	v24 =	vadd.f32 $-1.000000000e+00, v24;
	v12 =	vadd.f32 $-4.891568420e-01, v26;
	v26 =	vcvt.s32.f32 v16  }
0x1fd: {  	v16 =	vcvt.s32.f32 v21;
	v50 =	vsub.f32 v19, v27;
	v19 =	vmul.f32 v45, v5  }
0x1fe: {  	v31 =	vor.u32 $0x3F800000, v31;
	v27 =	vmul.f32 v37, v6;
	v53 =	vmul.f32 $7.213475100e-01, v24  }
0x1ff: {  	v22 =	vmul.f32 v31, v22;
	v31 =	vadd.f32 $-1.000000000e+00, v25;
	v29 =	vmul.f32 v32, v29  }
0x200: {  	v25 =	vadd.f32 $2.833043340e-01, v19;
	v27 =	vadd.f32 $2.833043340e-01, v27;
	v30 =	vmul.f32 v34, v30  }
0x201: {  	v20 =	vld.idx.msk [tilespmem:v20+s18+$0x0], $0xffff;
	v19 =	vadd.f32 $-1.000000000e+00, v22;
	v14 =	vadd.f32 $-1.000000000e+00, v29;
	v29 =	vmul.f32 $7.213475100e-01, v31  }
0x202: {  	v23 =	vld.idx.msk [tilespmem:v23+s18+$0x0], $0xffff;
	v25 =	vmul.f32 v25, v5;
	v27 =	vmul.f32 v27, v6;
	v22 =	vadd.f32 $-1.000000000e+00, v30  }
0x203: {  	v30 =	vsub.f32 $1.442695020e+00, v53;
	v54 =	vmul.f32 $7.213475100e-01, v19;
	v29 =	vsub.f32 $1.442695020e+00, v29  }
0x204: {  	v55 =	vmul.f32 $7.213475100e-01, v14;
	v60 =	vadd.f32 $-4.891568420e-01, v25;
	v25 =	vmul.f32 v18, v28  }
0x205: {  	s31 =	sshll.u32 s11, $0xA;
	v17 =	vld.idx.msk [tilespmem:v17+s18+$0x0], $0xffff;
	v10 =	vadd.f32 $-4.891568420e-01, v27;
	v56 =	vmul.f32 $7.213475100e-01, v22;
	v24 =	vmul.f32 v30, v24  }
0x206: {  	s8 =	sadd.s32 $0x0, s31;
	v11 =	vpop (erf);
	v18 =	vld.idx.msk [tilespmem:v9+s18+$0x0], $0xffff;
	v30 =	vadd.f32 v59, v20;
	v13 =	vsub.f32 $1.442695020e+00, v54;
	v15 =	vmul.f32 v29, v31  }
0x207: {  	s23 =	simm.s32 $0x0;
	s16 =	sor.u32 s16, s8;
	v9 =	vpop (erf);
	v20 =	vld.idx.msk [tilespmem:v8+s18+$0x0], $0xffff;
	v27 =	vsub.f32 $1.442695020e+00, v55;
	v31 =	vadd.f32 v57, v23;
	v21 =	vmul.f32 v60, v5  }
0x208: {  	s29 =	sor.u32 s0, s8;
	s28 =	sor.u32 s25, s8;
	s25 =	sor.u32 s30, s8;
	[tilespmem:s16+$0x16000] =	vst v50;
	v8 =	vpop (erf);
	v29 =	vcvt.s32.f32 v63;
	v23 =	vadd.f32 v61, v62;
	v28 =	vsub.f32 $1.442695020e+00, v56  }
.LBB2_7:
0x209: {  	s23 =	sadd.s32 $0x4, s23;
	v24 =	vadd.f32 v24, v31;
	v10 =	vmul.f32 v10, v6;
	v12 =	vmul.f32 v12, v7  }
0x20a: {  	v13 =	vmul.f32 v13, v19;
	v19 =	vadd.f32 v25, v30;
	s4 =	sshrl.u32 s23, $0x3;
	p0 =	slt.u32 s23, $0x1FC;
	v15 =	vadd.f32 v15, v23  }
0x20b: {  	v17 =	vadd.f32 v26, v17;
	v14 =	vmul.f32 v27, v14;
	v22 =	vmul.f32 v28, v22;
	s21 =	sadd.s32 $0x40, s21;
	s0 =	sshrl.u32 s23, $0x6;
	s4 =	sand.u32 $0x7, s4  }
0x20c: {  	v16 =	vadd.f32 v16, v18;
	s30 =	sand.u32 $0x40, s21;
	v18 =	vadd.f32 v29, v20;
	s5 =	sshll.u32 s0, $0xB;
	v11 =	vmul.f32 v24, v11;
	s7 =	sshll.u32 s4, $0x8  }
0x20d: {  	v20 =	vadd.f32 $9.990104430e-01, v21;
	s11 =	sor.u32 $0x30, s30;
	v9 =	vmul.f32 v19, v9;
	v10 =	vadd.f32 $9.990104430e-01, v10;
	s8 =	sor.u32 s5, s7;
	s5 =	sor.u32 $0x10, s30  }
0x20e: {  	v13 =	vadd.f32 v13, v17;
	v12 =	vadd.f32 $9.990104430e-01, v12;
	v8 =	vmul.f32 v15, v8;
	s7 =	sor.u32 $0x20, s30;
	s10 =	sor.u32 s30, s8;
	s31 =	sor.u32 s11, s8  }
0x20f: {  	v14 =	vadd.f32 v14, v16;
	v5 =	vmul.f32 v20, v5;
	v16 =	vadd.f32 v22, v18;
	s14 =	sor.u32 s5, s8;
	s9 =	sor.u32 s7, s8;
	v15 =	vld [tilespmem:s31+$0x4000]  }
0x210: {  	v6 =	vmul.f32 v10, v6;
	v10 =	vsub.f32 $0.0e+00, v2;
	v7 =	vmul.f32 v12, v7;
	v17 =	vld [tilespmem:s31+$0x4080]  }
0x211: {  	vm1 =	vgt.f32 v13, v11;
	vm2 =	vgt.f32 v14, v9;
	v9 =	vsub.f32 $0.0e+00, v4;
	v12 =	vld [tilespmem:s10+$0x4000]  }
0x212: {  	v5 =	vadd.f32 $2.211703030e-05, v5;
	vm3 =	vgt.f32 v16, v8;
	v6 =	vadd.f32 $2.211703030e-05, v6;
	v11 =	vld [tilespmem:s10+$0x4080]  }
0x213: {  	v1 =	vsel vm1, v1, v3;
	v2 =	vsel vm2, v2, v10;
	v3 =	vadd.f32 $2.211703030e-05, v7;
	v13 =	vld [tilespmem:s14+$0x4000]  }
0x214: {  	v1 =	vmin.f32 v1, $0.0e+00;
	v4 =	vsel vm3, v4, v9;
	v2 =	vmin.f32 v2, $0.0e+00;
	v7 =	vld [tilespmem:s14+$0x4080]  }
0x215: {  	v5 =	vsub.f32 v1, v5;
	v1 =	vmin.f32 v4, $0.0e+00;
	v9 =	vld [tilespmem:s9+$0x4000];
	v19 =	vsub.f32 v17, v15  }
0x216: {  	v10 =	vsel vm1, $0x1, v0;
	v2 =	vsub.f32 v2, v6;
	v3 =	vsub.f32 v1, v3;
	v4 =	vld [tilespmem:s9+$0x4080]  }
0x217: {  	v1 =	vsub.f32 v11, v12;
	v17 =	vld [tilespmem:s31+$0xC000];
	v6 =	vand.u32 $0x7FFFFFFF, v19;
	[tilespmem:s29+$0x16000] =	vst v5;
	v5 =	vsel vm2, $0x1, v0  }
0x218: {  	v16 =	vsel vm0, $0x1, v0;
	v11 =	vsel vm3, $0x1, v0;
	v8 =	vld [tilespmem:s10+$0xC000];
	v6 =	vsub.f32 $0.0e+00, v6;
	[tilespmem:s28+$0x16000] =	vst v2  }
0x219: {  	v14 =	vmul.f32 $1.442695020e+00, v1;
	v12 =	vand.u32 $0x7FFFFFFF, v1;
	v2 =	vsub.f32 v7, v13;
	v18 =	vld [tilespmem:s31+$0xC080];
	[tilespmem:s25+$0x16000] =	vst v3  }
0x21a: {  	v3 =	vsub.f32 $0.0e+00, v1;
	v7 =	vsub.f32 $0.0e+00, v12;
	v12 =	vld [tilespmem:s14+$0xC000];
	v6 =	vmul.f32 $1.442695020e+00, v6;
	[tilespmem:s29+$0x12000] =	vst v10  }
0x21b: {  	v15 =	vmul.f32 $1.442695020e+00, v2;
	v10 =	vand.u32 $0x7FFFFFFF, v2;
	v13 =	vld [tilespmem:s9+$0xC000];
	v4 =	vsub.f32 v4, v9;
	[tilespmem:s28+$0x12000] =	vst v5  }
0x21c: {  	v9 =	vld [tilespmem:s10+$0xC080];
	v5 =	vsub.f32 $0.0e+00, v10;
	v10 =	vshrl.u32 v17, $0x10;
	(erf) = vpow2.f32 v6;
	[tilespmem:s25+$0x12000] =	vst v11  }
0x21d: {  	v6 =	vmul.f32 $1.442695020e+00, v7;
	v11 =	vld [tilespmem:s14+$0xC080];
	v7 =	vand.u32 $0x7FFFFFFF, v4;
	v20 =	vand.u32 $0x7F, v10  }
0x21e: {  	v10 =	vld [tilespmem:s9+$0xC080];
	v7 =	vsub.f32 $0.0e+00, v7;
	v21 =	vshrl.u32 v18, $0x10;
	v22 =	vor.u32 $0x80, v20;
	[tilespmem:s16+$0x12000] =	vst v16  }
0x21f: {  	v5 =	vmul.f32 $1.442695020e+00, v5;
	v21 =	vand.u32 $0x7F, v21;
	(erf) = vpow2.f32 v6  }
0x220: {  	v6 =	vshrl.u32 v8, $0x10;
	v7 =	vmul.f32 $1.442695020e+00, v7;
	v16 =	vor.u32 $0x80, v21  }
0x221: {  	v23 =	vshrl.u32 v12, $0x10;
	v24 =	vshrl.u32 v13, $0x10;
	(erf) = vpow2.f32 v5  }
0x222: {  	v23 =	vand.u32 $0x7F, v23;
	v5 =	vand.u32 $0x7F, v6;
	(erf) = vpow2.f32 v7  }
0x223: {  	v24 =	vand.u32 $0x7F, v24;
	v6 =	vor.u32 $0x80, v5;
	v7 =	vor.u32 $0x80, v23;
	v22 =	vld.idx.msk [tilespmem:v22+s18+$0x0], $0xffff  }
0x224: {  	v25 =	vshrl.u32 v9, $0x10;
	v26 =	vshrl.u32 v11, $0x10;
	v27 =	vor.u32 $0x80, v24  }
0x225: {  	v25 =	vand.u32 $0x7F, v25;
	v26 =	vand.u32 $0x7F, v26;
	v28 =	vshrl.u32 v10, $0x10;
	v29 =	vld.idx.msk [tilespmem:v16+s18+$0x0], $0xffff;
	v30 =	vpop (erf)  }
0x226: {  	v31 =	vor.u32 $0x80, v25;
	v28 =	vand.u32 $0x7F, v28;
	v32 =	vmul.f32 $3.010262550e-02, v30  }
0x227: {  	v37 =	vand.u32 $0x7FFFFF, v17;
	v33 =	vor.u32 $0x80, v26;
	v34 =	vor.u32 $0x80, v28;
	v16 =	vld.idx.msk [tilespmem:v5+s18+$0x0], $0xffff  }
0x228: {  	v35 =	vand.u32 $0x7FFFFF, v8;
	v40 =	vor.u32 $0x3F800000, v37;
	v36 =	vld.idx.msk [tilespmem:v6+s18+$0x0], $0xffff;
	v32 =	vadd.f32 $-1.301194130e-01, v32;
	v5 =	vpop (erf)  }
0x229: {  	v38 =	vmul.f32 $1.442695020e+00, v19;
	v41 =	vand.u32 $0x7FFFFF, v18;
	v22 =	vmul.f32 v40, v22;
	v37 =	vld.idx.msk [tilespmem:v7+s18+$0x0], $0xffff  }
0x22a: {  	v40 =	vor.u32 $0x3F800000, v41;
	v39 =	vmul.f32 $3.010262550e-02, v5;
	v27 =	vld.idx.msk [tilespmem:v27+s18+$0x0], $0xffff;
	v32 =	vmul.f32 v32, v30;
	v6 =	vpop (erf)  }
0x22b: {  	v29 =	vmul.f32 v40, v29;
	v22 =	vadd.f32 $-1.000000000e+00, v22;
	v20 =	vld.idx.msk [tilespmem:v20+s18+$0x0], $0xffff;
	v7 =	vpop (erf);
	(erf) = vpow2.f32 v38  }
0x22c: {  	v18 =	vshra.s32 v18, $0x17;
	v38 =	vmul.f32 $3.010262550e-02, v6;
	v31 =	vld.idx.msk [tilespmem:v31+s18+$0x0], $0xffff;
	v32 =	vadd.f32 $2.833043340e-01, v32  }
0x22d: {  	v17 =	vshra.s32 v17, $0x17;
	v29 =	vadd.f32 $-1.000000000e+00, v29;
	v40 =	vld.idx.msk [tilespmem:v21+s18+$0x0], $0xffff;
	v21 =	vmul.f32 $7.213475100e-01, v22  }
0x22e: {  	v17 =	vadd.s32 $0xFFFFFF81, v17;
	v18 =	vadd.s32 $0xFFFFFF81, v18;
	v33 =	vld.idx.msk [tilespmem:v33+s18+$0x0], $0xffff;
	v32 =	vmul.f32 v32, v30  }
0x22f: {  	v17 =	vcvt.s32.f32 v17;
	v41 =	vmul.f32 $7.213475100e-01, v29;
	v34 =	vld.idx.msk [tilespmem:v34+s18+$0x0], $0xffff;
	v42 =	vsub.f32 $1.442695020e+00, v21  }
0x230: {  	v44 =	vcvt.s32.f32 v18;
	v43 =	vmul.f32 $3.010262550e-02, v7;
	v21 =	vld.idx.msk [tilespmem:v23+s18+$0x0], $0xffff;
	v18 =	vadd.f32 $-4.891568420e-01, v32  }
0x231: {  	v20 =	vadd.f32 v17, v20;
	v23 =	vld.idx.msk [tilespmem:v24+s18+$0x0], $0xffff;
	v24 =	vsub.f32 $1.442695020e+00, v41;
	v22 =	vmul.f32 v42, v22  }
0x232: {  	v32 =	vand.u32 $0x7FFFFF, v13;
	v17 =	vld.idx.msk [tilespmem:v25+s18+$0x0], $0xffff;
	v25 =	vand.u32 $0x7FFFFF, v12;
	v41 =	vmul.f32 v18, v30  }
0x233: {  	v18 =	vld.idx.msk [tilespmem:v26+s18+$0x0], $0xffff;
	v26 =	vadd.f32 v44, v40;
	v24 =	vmul.f32 v24, v29;
	v22 =	vadd.f32 v22, v20  }
0x234: {  	v29 =	vor.u32 $0x3F800000, v35;
	v35 =	vadd.f32 $-1.301194130e-01, v39;
	v20 =	vld.idx.msk [tilespmem:v28+s18+$0x0], $0xffff;
	v28 =	vadd.f32 $9.990104430e-01, v41;
	v39 =	vpop (erf)  }
0x235: {  	v38 =	vadd.f32 $-1.301194130e-01, v38;
	v24 =	vadd.f32 v24, v26;
	v22 =	vmul.f32 v22, v39  }
0x236: {  	v26 =	vadd.f32 $-1.301194130e-01, v43;
	v28 =	vmul.f32 v28, v30;
	v30 =	vsub.f32 $0.0e+00, v19  }
0x237: {  	v32 =	vor.u32 $0x3F800000, v32;
	v25 =	vor.u32 $0x3F800000, v25;
	vm0 =	vgt.f32 v24, v22  }
0x238: {  	v22 =	vmul.f32 v29, v36;
	v24 =	vadd.f32 $2.211703030e-05, v28;
	v19 =	vsel vm0, v19, v30  }
0x239: {  	s0 =	sshll.u32 s0, $0x7;
	s4 =	sshll.u32 s4, $0xA;
	v27 =	vmul.f32 v32, v27;
	v25 =	vmul.f32 v25, v37;
	v19 =	vmin.f32 v19, $0.0e+00  }
0x23a: {  	s0 =	sadd.s32 s0, s4;
	v29 =	vand.u32 $0x7FFFFF, v11;
	v28 =	vand.u32 $0x7FFFFF, v9;
	v19 =	vsub.f32 v19, v24  }
0x23b: {  	s29 =	sor.u32 s30, s0;
	s28 =	sor.u32 s5, s0;
	s16 =	sor.u32 s11, s0;
	v32 =	vand.u32 $0x7FFFFF, v10;
	v30 =	vmul.f32 v38, v6;
	v24 =	vmul.f32 v35, v5  }
0x23c: {  	s25 =	sor.u32 s7, s0;
	v26 =	vmul.f32 v26, v7;
	v28 =	vor.u32 $0x3F800000, v28;
	v35 =	vmul.f32 $1.442695020e+00, v4;
	[tilespmem:s16+$0x16000] =	vst v19  }
0x23d: {  	v36 =	vadd.f32 $-1.000000000e+00, v22;
	v22 =	vor.u32 $0x3F800000, v32;
	v19 =	vor.u32 $0x3F800000, v29  }
0x23e: {  	v27 =	vadd.f32 $-1.000000000e+00, v27;
	v25 =	vadd.f32 $-1.000000000e+00, v25;
	v28 =	vmul.f32 v28, v31  }
0x23f: {  	v22 =	vmul.f32 v22, v34;
	v24 =	vadd.f32 $2.833043340e-01, v24;
	v29 =	vmul.f32 v19, v33  }
0x240: {  	v26 =	vadd.f32 $2.833043340e-01, v26;
	v30 =	vadd.f32 $2.833043340e-01, v30;
	(erf) = vpow2.f32 v14  }
0x241: {  	v19 =	vadd.f32 $-1.000000000e+00, v28;
	v28 =	vmul.f32 $7.213475100e-01, v36;
	(erf) = vpow2.f32 v15  }
0x242: {  	v14 =	vadd.f32 $-1.000000000e+00, v29;
	v15 =	vmul.f32 $7.213475100e-01, v25;
	(erf) = vpow2.f32 v35  }
0x243: {  	v8 =	vshra.s32 v8, $0x17;
	v22 =	vadd.f32 $-1.000000000e+00, v22;
	v29 =	vmul.f32 $7.213475100e-01, v27  }
0x244: {  	v13 =	vshra.s32 v13, $0x17;
	v12 =	vshra.s32 v12, $0x17;
	v24 =	vmul.f32 v24, v5  }
0x245: {  	v8 =	vadd.s32 $0xFFFFFF81, v8;
	v26 =	vmul.f32 v26, v7;
	v30 =	vmul.f32 v30, v6  }
0x246: {  	v13 =	vadd.s32 $0xFFFFFF81, v13;
	v12 =	vadd.s32 $0xFFFFFF81, v12;
	v28 =	vsub.f32 $1.442695020e+00, v28  }
0x247: {  	v31 =	vmul.f32 $7.213475100e-01, v19;
	v29 =	vsub.f32 $1.442695020e+00, v29;
	v15 =	vsub.f32 $1.442695020e+00, v15  }
0x248: {  	v32 =	vshra.s32 v9, $0x17;
	v34 =	vmul.f32 $7.213475100e-01, v22;
	v33 =	vmul.f32 $7.213475100e-01, v14  }
0x249: {  	v37 =	vshra.s32 v11, $0x17;
	v38 =	vcvt.s32.f32 v12;
	v35 =	vcvt.s32.f32 v8;
	v11 =	vpop (erf)  }
0x24a: {  	v40 =	vshra.s32 v10, $0x17;
	v41 =	vcvt.s32.f32 v13;
	v39 =	vadd.f32 $-4.891568420e-01, v24;
	v9 =	vpop (erf)  }
0x24b: {  	v32 =	vadd.s32 $0xFFFFFF81, v32;
	v12 =	vadd.f32 $-4.891568420e-01, v26;
	v10 =	vadd.f32 $-4.891568420e-01, v30;
	v8 =	vpop (erf)  }
.Ltmp2:
0x24c: {  	v30 =	vadd.s32 $0xFFFFFF81, v37;
	v24 =	vmul.f32 v28, v36;
	v36 =	vadd.s32 $0xFFFFFF81, v40;
	(pc) =	sbr.rel @p0 .LBB2_7-.Ltmp2, $4  }
0x24d: {  	v13 =	vsub.f32 $1.442695020e+00, v31;
	v25 =	vmul.f32 v15, v25;
	v15 =	vmul.f32 v29, v27  }
0x24e: {  	v26 =	vcvt.s32.f32 v32;
	v28 =	vsub.f32 $1.442695020e+00, v34;
	v27 =	vsub.f32 $1.442695020e+00, v33  }
0x24f: {  	v31 =	vadd.f32 v35, v16;
	v16 =	vcvt.s32.f32 v30;
	v30 =	vadd.f32 v38, v21  }
0x250: {  	v23 =	vadd.f32 v41, v23;
	v21 =	vmul.f32 v39, v5;
	v29 =	vcvt.s32.f32 v36  }
0x251: {  	v24 =	vadd.f32 v24, v31  }
0x252: {  	v10 =	vmul.f32 v10, v6;
	v12 =	vmul.f32 v12, v7;
	v25 =	vadd.f32 v25, v30  }
0x253: {  	v13 =	vmul.f32 v13, v19;
	v17 =	vadd.f32 v26, v17;
	v16 =	vadd.f32 v16, v18  }
0x254: {  	v14 =	vmul.f32 v27, v14;
	v61 =	vsub.f32 $0.0e+00, v2;
	v63 =	vsub.f32 $0.0e+00, v4  }
0x255: {  	v56 =	vmul.f32 v28, v22;
	v15 =	vadd.f32 v15, v23;
	v57 =	vadd.f32 v29, v20  }
0x256: {  	v58 =	vadd.f32 $9.990104430e-01, v21;
	v11 =	vmul.f32 v24, v11;
	v10 =	vadd.f32 $9.990104430e-01, v10  }
0x257: {  	v9 =	vmul.f32 v25, v9;
	v13 =	vadd.f32 v13, v17;
	v12 =	vadd.f32 $9.990104430e-01, v12  }
0x258: {  	v14 =	vadd.f32 v14, v16;
	v8 =	vmul.f32 v15, v8;
	v5 =	vmul.f32 v58, v5  }
0x259: {  	v59 =	vadd.f32 v56, v57;
	v60 =	vmul.f32 v10, v6;
	v62 =	vmul.f32 v12, v7  }
0x25a: {  	vm1 =	vgt.f32 v13, v11;
	vm2 =	vgt.f32 v14, v9;
	v5 =	vadd.f32 $2.211703030e-05, v5  }
0x25b: {  	vm3 =	vgt.f32 v59, v8;
	v1 =	vsel vm1, v1, v3;
	v2 =	vsel vm2, v2, v61  }
0x25c: {  	v6 =	vadd.f32 $2.211703030e-05, v60;
	v3 =	vadd.f32 $2.211703030e-05, v62;
	v1 =	vmin.f32 v1, $0.0e+00  }
0x25d: {  	v2 =	vmin.f32 v2, $0.0e+00;
	v4 =	vsel vm3, v4, v63;
	v1 =	vsub.f32 v1, v5  }
0x25e: {  	v4 =	vmin.f32 v4, $0.0e+00;
	v2 =	vsub.f32 v2, v6  }
0x25f: {  	v3 =	vsub.f32 v4, v3;
	[tilespmem:s29+$0x16000] =	vst v1  }
0x260: {  	[tilespmem:s28+$0x16000] =	vst v2  }
0x261: {  	v1 =	vsel vm1, $0x1, v0;
	[tilespmem:s25+$0x16000] =	vst v3  }
0x262: {  	[tilespmem:s29+$0x12000] =	vst v1  }
0x263: {  	s0 =	rddreg [dreg:$0x1a]  }
0x264: {  	s19 =	sadd.s32 $0x1, s19;
	v2 =	vsel vm2, $0x1, v0;
	s0 =	sadd.s32 s0, s20  }
0x265: {  	p0 =	sne.s32 s19, $0x8;
	v1 =	vsel vm3, $0x1, v0;
	[tilespmem:s28+$0x12000] =	vst v2;
	s0 =	sshll.u32 s0, $0x7  }
.Ltmp3:
0x266: {  	s4 =	rddreg [dreg:$0x3];
	v2 =	vsel vm0, $0x1, v0;
	[tilespmem:s25+$0x12000] =	vst v1;
	s0 =	sand.u32 $0x1FFFFC00, s0;
	(pc) =	sbr.rel @p0 .LBB2_2-.Ltmp3, $4  }
0x267: {  	s5 =	simm.s32 $0x12000;
	s30 =	rddreg [dreg:$0x4];
	[tilespmem:s16+$0x12000] =	vst v2;
	s4 =	sadd.s32 s4, s0  }
0x268: {  	[hbm4b:s4+s6] =	stream.linear.scatter [tilespmem:s5], [sflag:$0x4], $0x2000, $0x38;
	[tilespmem:$0x18100] =	vst v63  }
0x269: {  	s31 =	simm.s32 $0x16000;
	s0 =	sadd.s32 s30, s0  }
0x26a: {  	[hbm4b:s0+s6] =	stream.linear.scatter [tilespmem:s31], [sflag:$0x4], $0x2000, $0x38;
	[tilespmem:$0x18100] =	vst v63  }
0x26b: {  	s0 =	simm.s32 $0x3  }
0x26c: {  	_ =	swait.ge [sflag:s0], $0x2000  }
0x26d: {  	[sflag:s0] =	ssyncset.done $0x0  }
0x26e: {  	[sflag:s0] =	ssyncadd.s32 $0xFFFFE000  }
0x26f: {  	_ =	swait.ge [sflag:s0], $0x2000  }
0x270: {  	[sflag:s0] =	ssyncset.done $0x0  }
0x271: {  	s4 =	simm.s32 $0x4;
	[sflag:s0] =	ssyncadd.s32 $0xFFFFE000  }
0x272: {  	_ =	swait.ge [sflag:s4], $0x2000  }
0x273: {  	[sflag:s4] =	ssyncset.done $0x0  }
0x274: {  	[sflag:s4] =	ssyncadd.s32 $0xFFFFE000  }
0x275: {  	_ =	swait.ge [sflag:s4], $0x2000  }
0x276: {  	s5 =	rddreg [dreg:$0x1e]  }
0x277: {  	s31 =	rddreg [dreg:$0x1b];
	s5 =	sadd.s32 $0x1, s5  }
0x278: {  	p0 =	sne.s32 s5, s31  }
.Ltmp4:
0x279: {  	_ = 	snop;
	(pc) =	sbr.rel @p0 .LBB2_1-.Ltmp4, $3  }
0x27a: {  	_ =	sdelay $0x1  }
0x27b: {  	[sflag:s4] =	ssyncset.done $0x0  }
0x27c: {  	[sflag:s4] =	ssyncadd.s32 $0xFFFFE000  }
0x27d: {  	_ =	sfence.sel $0x180000  }
0x27e: {  	[bflag:$0x0] =	sbarrier.arrive $0xFFFF  }
0x27f: {  	_ =	strace $0x90000047  }
0x280: {  	s0 =	stileid.u32;
	[bflag:$0x2] =	sbarrier.arrive $0xFFFF  }
0x281: {  	p0 =	sne.s32 s0, $0x0;
	s0 =	rddreg [dreg:$0x5]  }
0x282: {  	s0 =	sadd.s32 @!p0 $0x100000, s0  }
0x283: {  	[sflag:s0] =	ssyncadd.tile.s32 @!p0 $0x1;
	_ =	shalt  }
.Lfunc_end2:
_tile_overlayer_lowered:
.L_overlay_start_2:
0x284: {  	(tag) =	ssettag $0x2  }
0x285: {  	s0 =	rddreg [dreg:$0x0];
	s2 =	stileid.u32  }
0x286: {  	s1 =	rddreg [dreg:$0x1];
	p0 =	sne.s32 s2, $0x0  }
0x287: {  	s3 =	rddreg [dreg:$0x2];
	[bflag:$0x3] =	sbarrier.arrive $0xFFFF;
	s2 =	simm.s32 @!p0 $0x1C05  }
0x288: {  	[timem:s3], [sflag:s2] =	dma.local @!p0 [hbm:s0], s1  }
0x289: {  	s0 =	simm.s32 @!p0 $0x5  }
0x28a: {  	_ =	swait.ge @!p0 [sflag:s0], s1  }
0x28b: {  	s1 =	ssub.s32 @!p0 $0x0, s1;
	[sflag:s0] =	ssyncset.done @!p0 $0x0  }
0x28c: {  	[sflag:s0] =	ssyncadd.s32 @!p0 s1  }
0x28d: {  	[bflag:$0x3] =	sbarrier.arrive $0xFFFF  }
0x28e: {  	_ =	shalt  }

</sc_bundles>
